<compile_context>
chip_gen: v7x
topology: tpu7x:2x2x1
jax: 0.10.2.dev20260603
libtpu: 0.0.44.dev20260713+nightly
codegen_flags: <defaults>
</compile_context>

<pallas_src>
import jax
import jax.numpy as jnp
from jax import lax
from jax.experimental import pallas as pl
from jax.experimental.pallas import tpu as pltpu
from jax.experimental.pallas import tpu_sc as plsc

_NROWS = 4096 * 200
_NC, _NS = 2, 16
_NW = _NC * _NS
_RPW = _NROWS // _NW
_R = 512
_CHUNKS = _RPW // _R
_NSTR = (_R * 5) // 128
_OPW = _RPW * 5 // 128


def _sc_body(in_hbm, out_hbm, idxb, d0, d1, s0, s1):
    wid = lax.axis_index("s") * _NC + lax.axis_index("c")
    base = wid * _RPW

    def pre(g, carry):
        j = lax.iota(jnp.int32, 16) + g * 16
        r = lax.shift_right_logical(j * 52429, 18)
        m = j - r * 5
        lane = jnp.where(
            m == 1, 5, jnp.where(m == 2, 17, jnp.where(m == 3, 42, jnp.where(m == 4, 99, 0)))
        )
        s = lax.shift_right_logical(g, 3)
        o = (g & 7) * 16
        idxb[s, pl.ds(o, 16)] = r * 128 + lane
        return carry

    lax.fori_loop(0, (_R * 5) // 16, pre, 0)

    def fire(c, buf, sem):
        src = in_hbm.at[pl.ds((base + c * _R) * 128, _R * 128)]
        for s in range(_NSTR):
            pltpu.async_copy(src.at[idxb.at[s]], buf.at[s], sem)

    def drain(c, buf, sem):
        src = in_hbm.at[pl.ds((base + c * _R) * 128, _R * 128)]
        for s in range(_NSTR):
            pltpu.make_async_copy(src.at[idxb.at[s]], buf.at[s], sem).wait()

    def store(c, buf):
        ob = wid * _OPW + c * _NSTR
        pltpu.sync_copy(buf, out_hbm.at[pl.ds(ob, _NSTR)])

    fire(0, d0, s0)
    fire(1, d1, s1)

    def pair(k, carry):
        c0 = 2 * k
        c1 = 2 * k + 1
        drain(c0, d0, s0)
        store(c0, d0)

        @pl.when(c0 + 2 < _CHUNKS)
        def _():
            fire(c0 + 2, d0, s0)

        drain(c1, d1, s1)
        store(c1, d1)

        @pl.when(c1 + 2 < _CHUNKS)
        def _():
            fire(c1 + 2, d1, s1)

        return carry

    lax.fori_loop(0, _CHUNKS // 2, pair, 0)


@jax.jit
def kernel(inputs):
    x = inputs.reshape(_NROWS * 128)
    mesh = plsc.VectorSubcoreMesh(
        core_axis_name="c", subcore_axis_name="s", num_cores=_NC, num_subcores=_NS
    )
    f = pl.kernel(
        _sc_body,
        mesh=mesh,
        compiler_params=pltpu.CompilerParams(
            use_tc_tiling_on_sc=False, needs_layout_passes=False
        ),
        out_type=jax.ShapeDtypeStruct((_NROWS * 5 // 128, 128), jnp.float32),
        scratch_types=[
            pltpu.VMEM((_NSTR, 128), jnp.int32),
            pltpu.VMEM((_NSTR, 128), jnp.float32),
            pltpu.VMEM((_NSTR, 128), jnp.float32),
            pltpu.SemaphoreType.DMA,
            pltpu.SemaphoreType.DMA,
        ],
    )
    out = f(x)
    return out.reshape(4096, 200, 5)

# --- scband reference (transcript-rebuilt; emitter-appended) ---
"""Pipeline reference for scband-baseline-1812476199218 (READ-ONLY COPY).

The authoritative reference and input builder live on the scoring server;
editing this copy changes nothing except your own understanding.
"""

import jax, jax.numpy as jnp
import numpy as np

LABEL_INDICES = jnp.array([0, 5, 17, 42, 99], dtype=jnp.int32)

def setup_inputs(seed: int = 0) -> dict:
    key = jax.random.key(seed)
    inputs = jax.random.normal(key, (4096, 200, 128), dtype=jnp.float32)
    return {"inputs": inputs}

def reference(inputs):
    # Baseline.call: tf.gather(inputs, indices=label_indices, axis=2)
    result = jnp.take(inputs, LABEL_INDICES, axis=2)
    return result

if __name__ == "__main__":
    import jax
    _d = setup_inputs()
    print(jax.jit(kernel)(*tuple(_d.values())))

</pallas_src>

<mosaic_0001>
#map = affine_map<(d0, d1) -> (0)>
#map1 = affine_map<(d0, d1) -> (0, 0)>
module attributes {stable_mosaic.version = 14 : i64} {
  func.func @_sc_body(%arg0: i32, %arg1: i32, %arg2: memref<104857600xf32, #tpu.memory_space<hbm>>, %arg3: memref<32000x128xf32, #tpu.memory_space<hbm>>, %arg4: memref<20x128xi32, #tpu.memory_space<vmem>>, %arg5: memref<20x128xf32, #tpu.memory_space<vmem>>, %arg6: memref<20x128xf32, #tpu.memory_space<vmem>>, %arg7: memref<!tpu.dma_semaphore, #tpu.memory_space<semaphore_mem>>, %arg8: memref<!tpu.dma_semaphore, #tpu.memory_space<semaphore_mem>>) attributes {dimension_semantics = [#tpu.dimension_semantics<core_parallel>, #tpu.dimension_semantics<subcore_parallel>], iteration_bounds = array<i64: 2, 16>, scalar_prefetch = 0 : i64, scratch_operands = 5 : i64, tpu.core_type = #tpu.core_type<sc_vector_subcore>, window_params = [{transform_indices = #map}, {transform_indices = #map1}]} {
    %mul3A = arith.constant 2 : i32
    %mul3A_0 = arith.muli %arg1, %mul3A : i32
    %add3A = arith.addi %mul3A_0, %arg0 : i32
    %mul3A_1 = arith.constant 25600 : i32
    %mul3A_2 = arith.muli %add3A, %mul3A_1 : i32
    %scan3A = arith.constant 0 : i32
    %scan3A_3 = arith.constant 0 : i32
    %scan3A_4 = arith.constant 160 : i32
    %scan3A_5 = arith.addi %scan3A_3, %scan3A_4 : i32
    %scan3A_6 = arith.constant 1 : i32
    scf.for %scan3A_461 = %scan3A_3 to %scan3A_5 step %scan3A_6  : i32 {
      %iota3A = tpu.iota {dimensions = array<i32: 0>} : vector<16xi32>
      %mul3A_462 = arith.constant 16 : i32
      %mul3A_463 = arith.muli %scan3A_461, %mul3A_462 : i32
      %add3A_464 = vector.broadcast %mul3A_463 : i32 to vector<16xi32>
      %add3A_465 = arith.addi %iota3A, %add3A_464 : vector<16xi32>
      %mul3A_466 = arith.constant 52429 : i32
      %mul3A_467 = vector.broadcast %mul3A_466 : i32 to vector<16xi32>
      %mul3A_468 = arith.muli %add3A_465, %mul3A_467 : vector<16xi32>
      %shift_right_logical3A = arith.constant 18 : i32
      %shift_right_logical3A_469 = vector.broadcast %shift_right_logical3A : i32 to vector<16xi32>
      %shift_right_logical3A_470 = arith.shrui %mul3A_468, %shift_right_logical3A_469 : vector<16xi32>
      %mul3A_471 = arith.constant 5 : i32
      %mul3A_472 = vector.broadcast %mul3A_471 : i32 to vector<16xi32>
      %mul3A_473 = arith.muli %shift_right_logical3A_470, %mul3A_472 : vector<16xi32>
      %sub3A = arith.subi %add3A_465, %mul3A_473 : vector<16xi32>
      %eq3A = arith.constant 1 : i32
      %eq3A_474 = vector.broadcast %eq3A : i32 to vector<16xi32>
      %eq3A_475 = arith.cmpi eq, %sub3A, %eq3A_474 : vector<16xi32>
      %eq3A_476 = arith.constant 2 : i32
      %eq3A_477 = vector.broadcast %eq3A_476 : i32 to vector<16xi32>
      %eq3A_478 = arith.cmpi eq, %sub3A, %eq3A_477 : vector<16xi32>
      %eq3A_479 = arith.constant 3 : i32
      %eq3A_480 = vector.broadcast %eq3A_479 : i32 to vector<16xi32>
      %eq3A_481 = arith.cmpi eq, %sub3A, %eq3A_480 : vector<16xi32>
      %eq3A_482 = arith.constant 4 : i32
      %eq3A_483 = vector.broadcast %eq3A_482 : i32 to vector<16xi32>
      %eq3A_484 = arith.cmpi eq, %sub3A, %eq3A_483 : vector<16xi32>
      %jit3A = arith.constant 99 : i32
      %jit3A_485 = arith.constant 0 : i32
      %broadcast_in_dim3A = vector.broadcast %jit3A : i32 to vector<16xi32>
      %broadcast_in_dim3A_486 = vector.broadcast %jit3A_485 : i32 to vector<16xi32>
      %select_n3A = arith.select %eq3A_484, %broadcast_in_dim3A, %broadcast_in_dim3A_486 : vector<16xi1>, vector<16xi32>
      %jit3A_487 = arith.constant 42 : i32
      %broadcast_in_dim3A_488 = vector.broadcast %jit3A_487 : i32 to vector<16xi32>
      %select_n3A_489 = arith.select %eq3A_481, %broadcast_in_dim3A_488, %select_n3A : vector<16xi1>, vector<16xi32>
      %jit3A_490 = arith.constant 17 : i32
      %broadcast_in_dim3A_491 = vector.broadcast %jit3A_490 : i32 to vector<16xi32>
      %select_n3A_492 = arith.select %eq3A_478, %broadcast_in_dim3A_491, %select_n3A_489 : vector<16xi1>, vector<16xi32>
      %jit3A_493 = arith.constant 5 : i32
      %broadcast_in_dim3A_494 = vector.broadcast %jit3A_493 : i32 to vector<16xi32>
      %select_n3A_495 = arith.select %eq3A_475, %broadcast_in_dim3A_494, %select_n3A_492 : vector<16xi1>, vector<16xi32>
      %shift_right_logical3A_496 = arith.constant 3 : i32
      %shift_right_logical3A_497 = arith.shrui %scan3A_461, %shift_right_logical3A_496 : i32
      %and3A = arith.constant 7 : i32
      %and3A_498 = arith.andi %scan3A_461, %and3A : i32
      %mul3A_499 = arith.constant 16 : i32
      %mul3A_500 = arith.muli %and3A_498, %mul3A_499 : i32
      %mul3A_501 = arith.constant 128 : i32
      %mul3A_502 = vector.broadcast %mul3A_501 : i32 to vector<16xi32>
      %mul3A_503 = arith.muli %shift_right_logical3A_470, %mul3A_502 : vector<16xi32>
      %add3A_504 = arith.addi %mul3A_503, %select_n3A_495 : vector<16xi32>
      %swap3A = arith.index_cast %shift_right_logical3A_497 : i32 to index
      %swap3A_505 = arith.index_cast %mul3A_500 : i32 to index
      %swap3A_506 = tpu.vector_load %arg4[%swap3A, %swap3A_505] {strides = array<i32>} : memref<20x128xi32, #tpu.memory_space<vmem>>, vector<16xi32>,
      tpu.vector_store %arg4[%swap3A, %swap3A_505], %add3A_504 {strides = array<i32>} : memref<20x128xi32, #tpu.memory_space<vmem>>, vector<16xi32>,
    }
    %scan3A_7 = arith.constant 160 : i32
    %add3A_8 = arith.constant 0 : i32
    %add3A_9 = arith.addi %mul3A_2, %add3A_8 : i32
    %mul3A_10 = arith.constant 128 : i32
    %mul3A_11 = arith.muli %add3A_9, %mul3A_10 : i32
    %dma_start3A = arith.constant 0 : i32
    %dma_start3A_12 = arith.constant 0 : i32
    %dma_start3A_13 = arith.constant 0 : i32
    %dma_start3A_14 = tpu.memref_slice %arg5[%dma_start3A_12, %dma_start3A_13] : memref<20x128xf32, #tpu.memory_space<vmem>> -> memref<1x128xf32, #tpu.memory_space<vmem>>
    %dma_start3A_15 = tpu.memref_squeeze %dma_start3A_14 : memref<1x128xf32, #tpu.memory_space<vmem>> -> memref<128xf32, #tpu.memory_space<vmem>>
    %dma_start3A_16 = arith.constant 0 : i32
    %dma_start3A_17 = tpu.memref_slice %arg4[%dma_start3A, %dma_start3A_16] : memref<20x128xi32, #tpu.memory_space<vmem>> -> memref<1x128xi32, #tpu.memory_space<vmem>>
    %dma_start3A_18 = tpu.memref_squeeze %dma_start3A_17 : memref<1x128xi32, #tpu.memory_space<vmem>> -> memref<128xi32, #tpu.memory_space<vmem>>
    %dma_start3A_19 = tpu.memref_slice %arg2[%mul3A_11] : memref<104857600xf32, #tpu.memory_space<hbm>> -> memref<65536xf32, #tpu.memory_space<hbm>>
    %dma_start3A_20 = arith.constant 0 : i32
    %dma_start3A_21 = tpu.memref_slice %dma_start3A_19[%dma_start3A_20] : memref<65536xf32, #tpu.memory_space<hbm>> -> memref<65536xf32, #tpu.memory_space<hbm>>
    tpu.enqueue_indirect_dma source(%dma_start3A_21 : memref<65536xf32, #tpu.memory_space<hbm>>) target(%dma_start3A_15 : memref<128xf32, #tpu.memory_space<vmem>>) offsets(%dma_start3A_18 : memref<128xi32, #tpu.memory_space<vmem>>) semaphore(%arg7 : memref<!tpu.dma_semaphore, #tpu.memory_space<semaphore_mem>>)
    %dma_start3A_22 = arith.constant 1 : i32
    %dma_start3A_23 = arith.constant 1 : i32
    %dma_start3A_24 = arith.constant 0 : i32
    %dma_start3A_25 = tpu.memref_slice %arg5[%dma_start3A_23, %dma_start3A_24] : memref<20x128xf32, #tpu.memory_space<vmem>> -> memref<1x128xf32, #tpu.memory_space<vmem>>
    %dma_start3A_26 = tpu.memref_squeeze %dma_start3A_25 : memref<1x128xf32, #tpu.memory_space<vmem>> -> memref<128xf32, #tpu.memory_space<vmem>>
    %dma_start3A_27 = arith.constant 0 : i32
    %dma_start3A_28 = tpu.memref_slice %arg4[%dma_start3A_22, %dma_start3A_27] : memref<20x128xi32, #tpu.memory_space<vmem>> -> memref<1x128xi32, #tpu.memory_space<vmem>>
    %dma_start3A_29 = tpu.memref_squeeze %dma_start3A_28 : memref<1x128xi32, #tpu.memory_space<vmem>> -> memref<128xi32, #tpu.memory_space<vmem>>
    %dma_start3A_30 = tpu.memref_slice %arg2[%mul3A_11] : memref<104857600xf32, #tpu.memory_space<hbm>> -> memref<65536xf32, #tpu.memory_space<hbm>>
    %dma_start3A_31 = arith.constant 0 : i32
    %dma_start3A_32 = tpu.memref_slice %dma_start3A_30[%dma_start3A_31] : memref<65536xf32, #tpu.memory_space<hbm>> -> memref<65536xf32, #tpu.memory_space<hbm>>
    tpu.enqueue_indirect_dma source(%dma_start3A_32 : memref<65536xf32, #tpu.memory_space<hbm>>) target(%dma_start3A_26 : memref<128xf32, #tpu.memory_space<vmem>>) offsets(%dma_start3A_29 : memref<128xi32, #tpu.memory_space<vmem>>) semaphore(%arg7 : memref<!tpu.dma_semaphore, #tpu.memory_space<semaphore_mem>>)
    %dma_start3A_33 = arith.constant 2 : i32
    %dma_start3A_34 = arith.constant 2 : i32
    %dma_start3A_35 = arith.constant 0 : i32
    %dma_start3A_36 = tpu.memref_slice %arg5[%dma_start3A_34, %dma_start3A_35] : memref<20x128xf32, #tpu.memory_space<vmem>> -> memref<1x128xf32, #tpu.memory_space<vmem>>
    %dma_start3A_37 = tpu.memref_squeeze %dma_start3A_36 : memref<1x128xf32, #tpu.memory_space<vmem>> -> memref<128xf32, #tpu.memory_space<vmem>>
    %dma_start3A_38 = arith.constant 0 : i32
    %dma_start3A_39 = tpu.memref_slice %arg4[%dma_start3A_33, %dma_start3A_38] : memref<20x128xi32, #tpu.memory_space<vmem>> -> memref<1x128xi32, #tpu.memory_space<vmem>>
    %dma_start3A_40 = tpu.memref_squeeze %dma_start3A_39 : memref<1x128xi32, #tpu.memory_space<vmem>> -> memref<128xi32, #tpu.memory_space<vmem>>
    %dma_start3A_41 = tpu.memref_slice %arg2[%mul3A_11] : memref<104857600xf32, #tpu.memory_space<hbm>> -> memref<65536xf32, #tpu.memory_space<hbm>>
    %dma_start3A_42 = arith.constant 0 : i32
    %dma_start3A_43 = tpu.memref_slice %dma_start3A_41[%dma_start3A_42] : memref<65536xf32, #tpu.memory_space<hbm>> -> memref<65536xf32, #tpu.memory_space<hbm>>
    tpu.enqueue_indirect_dma source(%dma_start3A_43 : memref<65536xf32, #tpu.memory_space<hbm>>) target(%dma_start3A_37 : memref<128xf32, #tpu.memory_space<vmem>>) offsets(%dma_start3A_40 : memref<128xi32, #tpu.memory_space<vmem>>) semaphore(%arg7 : memref<!tpu.dma_semaphore, #tpu.memory_space<semaphore_mem>>)
    %dma_start3A_44 = arith.constant 3 : i32
    %dma_start3A_45 = arith.constant 3 : i32
    %dma_start3A_46 = arith.constant 0 : i32
    %dma_start3A_47 = tpu.memref_slice %arg5[%dma_start3A_45, %dma_start3A_46] : memref<20x128xf32, #tpu.memory_space<vmem>> -> memref<1x128xf32, #tpu.memory_space<vmem>>
    %dma_start3A_48 = tpu.memref_squeeze %dma_start3A_47 : memref<1x128xf32, #tpu.memory_space<vmem>> -> memref<128xf32, #tpu.memory_space<vmem>>
    %dma_start3A_49 = arith.constant 0 : i32
    %dma_start3A_50 = tpu.memref_slice %arg4[%dma_start3A_44, %dma_start3A_49] : memref<20x128xi32, #tpu.memory_space<vmem>> -> memref<1x128xi32, #tpu.memory_space<vmem>>
    %dma_start3A_51 = tpu.memref_squeeze %dma_start3A_50 : memref<1x128xi32, #tpu.memory_space<vmem>> -> memref<128xi32, #tpu.memory_space<vmem>>
    %dma_start3A_52 = tpu.memref_slice %arg2[%mul3A_11] : memref<104857600xf32, #tpu.memory_space<hbm>> -> memref<65536xf32, #tpu.memory_space<hbm>>
    %dma_start3A_53 = arith.constant 0 : i32
    %dma_start3A_54 = tpu.memref_slice %dma_start3A_52[%dma_start3A_53] : memref<65536xf32, #tpu.memory_space<hbm>> -> memref<65536xf32, #tpu.memory_space<hbm>>
    tpu.enqueue_indirect_dma source(%dma_start3A_54 : memref<65536xf32, #tpu.memory_space<hbm>>) target(%dma_start3A_48 : memref<128xf32, #tpu.memory_space<vmem>>) offsets(%dma_start3A_51 : memref<128xi32, #tpu.memory_space<vmem>>) semaphore(%arg7 : memref<!tpu.dma_semaphore, #tpu.memory_space<semaphore_mem>>)
    %dma_start3A_55 = arith.constant 4 : i32
    %dma_start3A_56 = arith.constant 4 : i32
    %dma_start3A_57 = arith.constant 0 : i32
    %dma_start3A_58 = tpu.memref_slice %arg5[%dma_start3A_56, %dma_start3A_57] : memref<20x128xf32, #tpu.memory_space<vmem>> -> memref<1x128xf32, #tpu.memory_space<vmem>>
    %dma_start3A_59 = tpu.memref_squeeze %dma_start3A_58 : memref<1x128xf32, #tpu.memory_space<vmem>> -> memref<128xf32, #tpu.memory_space<vmem>>
    %dma_start3A_60 = arith.constant 0 : i32
    %dma_start3A_61 = tpu.memref_slice %arg4[%dma_start3A_55, %dma_start3A_60] : memref<20x128xi32, #tpu.memory_space<vmem>> -> memref<1x128xi32, #tpu.memory_space<vmem>>
    %dma_start3A_62 = tpu.memref_squeeze %dma_start3A_61 : memref<1x128xi32, #tpu.memory_space<vmem>> -> memref<128xi32, #tpu.memory_space<vmem>>
    %dma_start3A_63 = tpu.memref_slice %arg2[%mul3A_11] : memref<104857600xf32, #tpu.memory_space<hbm>> -> memref<65536xf32, #tpu.memory_space<hbm>>
    %dma_start3A_64 = arith.constant 0 : i32
    %dma_start3A_65 = tpu.memref_slice %dma_start3A_63[%dma_start3A_64] : memref<65536xf32, #tpu.memory_space<hbm>> -> memref<65536xf32, #tpu.memory_space<hbm>>
    tpu.enqueue_indirect_dma source(%dma_start3A_65 : memref<65536xf32, #tpu.memory_space<hbm>>) target(%dma_start3A_59 : memref<128xf32, #tpu.memory_space<vmem>>) offsets(%dma_start3A_62 : memref<128xi32, #tpu.memory_space<vmem>>) semaphore(%arg7 : memref<!tpu.dma_semaphore, #tpu.memory_space<semaphore_mem>>)
    %dma_start3A_66 = arith.constant 5 : i32
    %dma_start3A_67 = arith.constant 5 : i32
    %dma_start3A_68 = arith.constant 0 : i32
    %dma_start3A_69 = tpu.memref_slice %arg5[%dma_start3A_67, %dma_start3A_68] : memref<20x128xf32, #tpu.memory_space<vmem>> -> memref<1x128xf32, #tpu.memory_space<vmem>>
    %dma_start3A_70 = tpu.memref_squeeze %dma_start3A_69 : memref<1x128xf32, #tpu.memory_space<vmem>> -> memref<128xf32, #tpu.memory_space<vmem>>
    %dma_start3A_71 = arith.constant 0 : i32
    %dma_start3A_72 = tpu.memref_slice %arg4[%dma_start3A_66, %dma_start3A_71] : memref<20x128xi32, #tpu.memory_space<vmem>> -> memref<1x128xi32, #tpu.memory_space<vmem>>
    %dma_start3A_73 = tpu.memref_squeeze %dma_start3A_72 : memref<1x128xi32, #tpu.memory_space<vmem>> -> memref<128xi32, #tpu.memory_space<vmem>>
    %dma_start3A_74 = tpu.memref_slice %arg2[%mul3A_11] : memref<104857600xf32, #tpu.memory_space<hbm>> -> memref<65536xf32, #tpu.memory_space<hbm>>
    %dma_start3A_75 = arith.constant 0 : i32
    %dma_start3A_76 = tpu.memref_slice %dma_start3A_74[%dma_start3A_75] : memref<65536xf32, #tpu.memory_space<hbm>> -> memref<65536xf32, #tpu.memory_space<hbm>>
    tpu.enqueue_indirect_dma source(%dma_start3A_76 : memref<65536xf32, #tpu.memory_space<hbm>>) target(%dma_start3A_70 : memref<128xf32, #tpu.memory_space<vmem>>) offsets(%dma_start3A_73 : memref<128xi32, #tpu.memory_space<vmem>>) semaphore(%arg7 : memref<!tpu.dma_semaphore, #tpu.memory_space<semaphore_mem>>)
    %dma_start3A_77 = arith.constant 6 : i32
    %dma_start3A_78 = arith.constant 6 : i32
    %dma_start3A_79 = arith.constant 0 : i32
    %dma_start3A_80 = tpu.memref_slice %arg5[%dma_start3A_78, %dma_start3A_79] : memref<20x128xf32, #tpu.memory_space<vmem>> -> memref<1x128xf32, #tpu.memory_space<vmem>>
    %dma_start3A_81 = tpu.memref_squeeze %dma_start3A_80 : memref<1x128xf32, #tpu.memory_space<vmem>> -> memref<128xf32, #tpu.memory_space<vmem>>
    %dma_start3A_82 = arith.constant 0 : i32
    %dma_start3A_83 = tpu.memref_slice %arg4[%dma_start3A_77, %dma_start3A_82] : memref<20x128xi32, #tpu.memory_space<vmem>> -> memref<1x128xi32, #tpu.memory_space<vmem>>
    %dma_start3A_84 = tpu.memref_squeeze %dma_start3A_83 : memref<1x128xi32, #tpu.memory_space<vmem>> -> memref<128xi32, #tpu.memory_space<vmem>>
    %dma_start3A_85 = tpu.memref_slice %arg2[%mul3A_11] : memref<104857600xf32, #tpu.memory_space<hbm>> -> memref<65536xf32, #tpu.memory_space<hbm>>
    %dma_start3A_86 = arith.constant 0 : i32
    %dma_start3A_87 = tpu.memref_slice %dma_start3A_85[%dma_start3A_86] : memref<65536xf32, #tpu.memory_space<hbm>> -> memref<65536xf32, #tpu.memory_space<hbm>>
    tpu.enqueue_indirect_dma source(%dma_start3A_87 : memref<65536xf32, #tpu.memory_space<hbm>>) target(%dma_start3A_81 : memref<128xf32, #tpu.memory_space<vmem>>) offsets(%dma_start3A_84 : memref<128xi32, #tpu.memory_space<vmem>>) semaphore(%arg7 : memref<!tpu.dma_semaphore, #tpu.memory_space<semaphore_mem>>)
    %dma_start3A_88 = arith.constant 7 : i32
    %dma_start3A_89 = arith.constant 7 : i32
    %dma_start3A_90 = arith.constant 0 : i32
    %dma_start3A_91 = tpu.memref_slice %arg5[%dma_start3A_89, %dma_start3A_90] : memref<20x128xf32, #tpu.memory_space<vmem>> -> memref<1x128xf32, #tpu.memory_space<vmem>>
    %dma_start3A_92 = tpu.memref_squeeze %dma_start3A_91 : memref<1x128xf32, #tpu.memory_space<vmem>> -> memref<128xf32, #tpu.memory_space<vmem>>
    %dma_start3A_93 = arith.constant 0 : i32
    %dma_start3A_94 = tpu.memref_slice %arg4[%dma_start3A_88, %dma_start3A_93] : memref<20x128xi32, #tpu.memory_space<vmem>> -> memref<1x128xi32, #tpu.memory_space<vmem>>
    %dma_start3A_95 = tpu.memref_squeeze %dma_start3A_94 : memref<1x128xi32, #tpu.memory_space<vmem>> -> memref<128xi32, #tpu.memory_space<vmem>>
    %dma_start3A_96 = tpu.memref_slice %arg2[%mul3A_11] : memref<104857600xf32, #tpu.memory_space<hbm>> -> memref<65536xf32, #tpu.memory_space<hbm>>
    %dma_start3A_97 = arith.constant 0 : i32
    %dma_start3A_98 = tpu.memref_slice %dma_start3A_96[%dma_start3A_97] : memref<65536xf32, #tpu.memory_space<hbm>> -> memref<65536xf32, #tpu.memory_space<hbm>>
    tpu.enqueue_indirect_dma source(%dma_start3A_98 : memref<65536xf32, #tpu.memory_space<hbm>>) target(%dma_start3A_92 : memref<128xf32, #tpu.memory_space<vmem>>) offsets(%dma_start3A_95 : memref<128xi32, #tpu.memory_space<vmem>>) semaphore(%arg7 : memref<!tpu.dma_semaphore, #tpu.memory_space<semaphore_mem>>)
    %dma_start3A_99 = arith.constant 8 : i32
    %dma_start3A_100 = arith.constant 8 : i32
    %dma_start3A_101 = arith.constant 0 : i32
    %dma_start3A_102 = tpu.memref_slice %arg5[%dma_start3A_100, %dma_start3A_101] : memref<20x128xf32, #tpu.memory_space<vmem>> -> memref<1x128xf32, #tpu.memory_space<vmem>>
    %dma_start3A_103 = tpu.memref_squeeze %dma_start3A_102 : memref<1x128xf32, #tpu.memory_space<vmem>> -> memref<128xf32, #tpu.memory_space<vmem>>
    %dma_start3A_104 = arith.constant 0 : i32
    %dma_start3A_105 = tpu.memref_slice %arg4[%dma_start3A_99, %dma_start3A_104] : memref<20x128xi32, #tpu.memory_space<vmem>> -> memref<1x128xi32, #tpu.memory_space<vmem>>
    %dma_start3A_106 = tpu.memref_squeeze %dma_start3A_105 : memref<1x128xi32, #tpu.memory_space<vmem>> -> memref<128xi32, #tpu.memory_space<vmem>>
    %dma_start3A_107 = tpu.memref_slice %arg2[%mul3A_11] : memref<104857600xf32, #tpu.memory_space<hbm>> -> memref<65536xf32, #tpu.memory_space<hbm>>
    %dma_start3A_108 = arith.constant 0 : i32
    %dma_start3A_109 = tpu.memref_slice %dma_start3A_107[%dma_start3A_108] : memref<65536xf32, #tpu.memory_space<hbm>> -> memref<65536xf32, #tpu.memory_space<hbm>>
    tpu.enqueue_indirect_dma source(%dma_start3A_109 : memref<65536xf32, #tpu.memory_space<hbm>>) target(%dma_start3A_103 : memref<128xf32, #tpu.memory_space<vmem>>) offsets(%dma_start3A_106 : memref<128xi32, #tpu.memory_space<vmem>>) semaphore(%arg7 : memref<!tpu.dma_semaphore, #tpu.memory_space<semaphore_mem>>)
    %dma_start3A_110 = arith.constant 9 : i32
    %dma_start3A_111 = arith.constant 9 : i32
    %dma_start3A_112 = arith.constant 0 : i32
    %dma_start3A_113 = tpu.memref_slice %arg5[%dma_start3A_111, %dma_start3A_112] : memref<20x128xf32, #tpu.memory_space<vmem>> -> memref<1x128xf32, #tpu.memory_space<vmem>>
    %dma_start3A_114 = tpu.memref_squeeze %dma_start3A_113 : memref<1x128xf32, #tpu.memory_space<vmem>> -> memref<128xf32, #tpu.memory_space<vmem>>
    %dma_start3A_115 = arith.constant 0 : i32
    %dma_start3A_116 = tpu.memref_slice %arg4[%dma_start3A_110, %dma_start3A_115] : memref<20x128xi32, #tpu.memory_space<vmem>> -> memref<1x128xi32, #tpu.memory_space<vmem>>
    %dma_start3A_117 = tpu.memref_squeeze %dma_start3A_116 : memref<1x128xi32, #tpu.memory_space<vmem>> -> memref<128xi32, #tpu.memory_space<vmem>>
    %dma_start3A_118 = tpu.memref_slice %arg2[%mul3A_11] : memref<104857600xf32, #tpu.memory_space<hbm>> -> memref<65536xf32, #tpu.memory_space<hbm>>
    %dma_start3A_119 = arith.constant 0 : i32
    %dma_start3A_120 = tpu.memref_slice %dma_start3A_118[%dma_start3A_119] : memref<65536xf32, #tpu.memory_space<hbm>> -> memref<65536xf32, #tpu.memory_space<hbm>>
    tpu.enqueue_indirect_dma source(%dma_start3A_120 : memref<65536xf32, #tpu.memory_space<hbm>>) target(%dma_start3A_114 : memref<128xf32, #tpu.memory_space<vmem>>) offsets(%dma_start3A_117 : memref<128xi32, #tpu.memory_space<vmem>>) semaphore(%arg7 : memref<!tpu.dma_semaphore, #tpu.memory_space<semaphore_mem>>)
    %dma_start3A_121 = arith.constant 10 : i32
    %dma_start3A_122 = arith.constant 10 : i32
    %dma_start3A_123 = arith.constant 0 : i32
    %dma_start3A_124 = tpu.memref_slice %arg5[%dma_start3A_122, %dma_start3A_123] : memref<20x128xf32, #tpu.memory_space<vmem>> -> memref<1x128xf32, #tpu.memory_space<vmem>>
    %dma_start3A_125 = tpu.memref_squeeze %dma_start3A_124 : memref<1x128xf32, #tpu.memory_space<vmem>> -> memref<128xf32, #tpu.memory_space<vmem>>
    %dma_start3A_126 = arith.constant 0 : i32
    %dma_start3A_127 = tpu.memref_slice %arg4[%dma_start3A_121, %dma_start3A_126] : memref<20x128xi32, #tpu.memory_space<vmem>> -> memref<1x128xi32, #tpu.memory_space<vmem>>
    %dma_start3A_128 = tpu.memref_squeeze %dma_start3A_127 : memref<1x128xi32, #tpu.memory_space<vmem>> -> memref<128xi32, #tpu.memory_space<vmem>>
    %dma_start3A_129 = tpu.memref_slice %arg2[%mul3A_11] : memref<104857600xf32, #tpu.memory_space<hbm>> -> memref<65536xf32, #tpu.memory_space<hbm>>
    %dma_start3A_130 = arith.constant 0 : i32
    %dma_start3A_131 = tpu.memref_slice %dma_start3A_129[%dma_start3A_130] : memref<65536xf32, #tpu.memory_space<hbm>> -> memref<65536xf32, #tpu.memory_space<hbm>>
    tpu.enqueue_indirect_dma source(%dma_start3A_131 : memref<65536xf32, #tpu.memory_space<hbm>>) target(%dma_start3A_125 : memref<128xf32, #tpu.memory_space<vmem>>) offsets(%dma_start3A_128 : memref<128xi32, #tpu.memory_space<vmem>>) semaphore(%arg7 : memref<!tpu.dma_semaphore, #tpu.memory_space<semaphore_mem>>)
    %dma_start3A_132 = arith.constant 11 : i32
    %dma_start3A_133 = arith.constant 11 : i32
    %dma_start3A_134 = arith.constant 0 : i32
    %dma_start3A_135 = tpu.memref_slice %arg5[%dma_start3A_133, %dma_start3A_134] : memref<20x128xf32, #tpu.memory_space<vmem>> -> memref<1x128xf32, #tpu.memory_space<vmem>>
    %dma_start3A_136 = tpu.memref_squeeze %dma_start3A_135 : memref<1x128xf32, #tpu.memory_space<vmem>> -> memref<128xf32, #tpu.memory_space<vmem>>
    %dma_start3A_137 = arith.constant 0 : i32
    %dma_start3A_138 = tpu.memref_slice %arg4[%dma_start3A_132, %dma_start3A_137] : memref<20x128xi32, #tpu.memory_space<vmem>> -> memref<1x128xi32, #tpu.memory_space<vmem>>
    %dma_start3A_139 = tpu.memref_squeeze %dma_start3A_138 : memref<1x128xi32, #tpu.memory_space<vmem>> -> memref<128xi32, #tpu.memory_space<vmem>>
    %dma_start3A_140 = tpu.memref_slice %arg2[%mul3A_11] : memref<104857600xf32, #tpu.memory_space<hbm>> -> memref<65536xf32, #tpu.memory_space<hbm>>
    %dma_start3A_141 = arith.constant 0 : i32
    %dma_start3A_142 = tpu.memref_slice %dma_start3A_140[%dma_start3A_141] : memref<65536xf32, #tpu.memory_space<hbm>> -> memref<65536xf32, #tpu.memory_space<hbm>>
    tpu.enqueue_indirect_dma source(%dma_start3A_142 : memref<65536xf32, #tpu.memory_space<hbm>>) target(%dma_start3A_136 : memref<128xf32, #tpu.memory_space<vmem>>) offsets(%dma_start3A_139 : memref<128xi32, #tpu.memory_space<vmem>>) semaphore(%arg7 : memref<!tpu.dma_semaphore, #tpu.memory_space<semaphore_mem>>)
    %dma_start3A_143 = arith.constant 12 : i32
    %dma_start3A_144 = arith.constant 12 : i32
    %dma_start3A_145 = arith.constant 0 : i32
    %dma_start3A_146 = tpu.memref_slice %arg5[%dma_start3A_144, %dma_start3A_145] : memref<20x128xf32, #tpu.memory_space<vmem>> -> memref<1x128xf32, #tpu.memory_space<vmem>>
    %dma_start3A_147 = tpu.memref_squeeze %dma_start3A_146 : memref<1x128xf32, #tpu.memory_space<vmem>> -> memref<128xf32, #tpu.memory_space<vmem>>
    %dma_start3A_148 = arith.constant 0 : i32
    %dma_start3A_149 = tpu.memref_slice %arg4[%dma_start3A_143, %dma_start3A_148] : memref<20x128xi32, #tpu.memory_space<vmem>> -> memref<1x128xi32, #tpu.memory_space<vmem>>
    %dma_start3A_150 = tpu.memref_squeeze %dma_start3A_149 : memref<1x128xi32, #tpu.memory_space<vmem>> -> memref<128xi32, #tpu.memory_space<vmem>>
    %dma_start3A_151 = tpu.memref_slice %arg2[%mul3A_11] : memref<104857600xf32, #tpu.memory_space<hbm>> -> memref<65536xf32, #tpu.memory_space<hbm>>
    %dma_start3A_152 = arith.constant 0 : i32
    %dma_start3A_153 = tpu.memref_slice %dma_start3A_151[%dma_start3A_152] : memref<65536xf32, #tpu.memory_space<hbm>> -> memref<65536xf32, #tpu.memory_space<hbm>>
    tpu.enqueue_indirect_dma source(%dma_start3A_153 : memref<65536xf32, #tpu.memory_space<hbm>>) target(%dma_start3A_147 : memref<128xf32, #tpu.memory_space<vmem>>) offsets(%dma_start3A_150 : memref<128xi32, #tpu.memory_space<vmem>>) semaphore(%arg7 : memref<!tpu.dma_semaphore, #tpu.memory_space<semaphore_mem>>)
    %dma_start3A_154 = arith.constant 13 : i32
    %dma_start3A_155 = arith.constant 13 : i32
    %dma_start3A_156 = arith.constant 0 : i32
    %dma_start3A_157 = tpu.memref_slice %arg5[%dma_start3A_155, %dma_start3A_156] : memref<20x128xf32, #tpu.memory_space<vmem>> -> memref<1x128xf32, #tpu.memory_space<vmem>>
    %dma_start3A_158 = tpu.memref_squeeze %dma_start3A_157 : memref<1x128xf32, #tpu.memory_space<vmem>> -> memref<128xf32, #tpu.memory_space<vmem>>
    %dma_start3A_159 = arith.constant 0 : i32
    %dma_start3A_160 = tpu.memref_slice %arg4[%dma_start3A_154, %dma_start3A_159] : memref<20x128xi32, #tpu.memory_space<vmem>> -> memref<1x128xi32, #tpu.memory_space<vmem>>
    %dma_start3A_161 = tpu.memref_squeeze %dma_start3A_160 : memref<1x128xi32, #tpu.memory_space<vmem>> -> memref<128xi32, #tpu.memory_space<vmem>>
    %dma_start3A_162 = tpu.memref_slice %arg2[%mul3A_11] : memref<104857600xf32, #tpu.memory_space<hbm>> -> memref<65536xf32, #tpu.memory_space<hbm>>
    %dma_start3A_163 = arith.constant 0 : i32
    %dma_start3A_164 = tpu.memref_slice %dma_start3A_162[%dma_start3A_163] : memref<65536xf32, #tpu.memory_space<hbm>> -> memref<65536xf32, #tpu.memory_space<hbm>>
    tpu.enqueue_indirect_dma source(%dma_start3A_164 : memref<65536xf32, #tpu.memory_space<hbm>>) target(%dma_start3A_158 : memref<128xf32, #tpu.memory_space<vmem>>) offsets(%dma_start3A_161 : memref<128xi32, #tpu.memory_space<vmem>>) semaphore(%arg7 : memref<!tpu.dma_semaphore, #tpu.memory_space<semaphore_mem>>)
    %dma_start3A_165 = arith.constant 14 : i32
    %dma_start3A_166 = arith.constant 14 : i32
    %dma_start3A_167 = arith.constant 0 : i32
    %dma_start3A_168 = tpu.memref_slice %arg5[%dma_start3A_166, %dma_start3A_167] : memref<20x128xf32, #tpu.memory_space<vmem>> -> memref<1x128xf32, #tpu.memory_space<vmem>>
    %dma_start3A_169 = tpu.memref_squeeze %dma_start3A_168 : memref<1x128xf32, #tpu.memory_space<vmem>> -> memref<128xf32, #tpu.memory_space<vmem>>
    %dma_start3A_170 = arith.constant 0 : i32
    %dma_start3A_171 = tpu.memref_slice %arg4[%dma_start3A_165, %dma_start3A_170] : memref<20x128xi32, #tpu.memory_space<vmem>> -> memref<1x128xi32, #tpu.memory_space<vmem>>
    %dma_start3A_172 = tpu.memref_squeeze %dma_start3A_171 : memref<1x128xi32, #tpu.memory_space<vmem>> -> memref<128xi32, #tpu.memory_space<vmem>>
    %dma_start3A_173 = tpu.memref_slice %arg2[%mul3A_11] : memref<104857600xf32, #tpu.memory_space<hbm>> -> memref<65536xf32, #tpu.memory_space<hbm>>
    %dma_start3A_174 = arith.constant 0 : i32
    %dma_start3A_175 = tpu.memref_slice %dma_start3A_173[%dma_start3A_174] : memref<65536xf32, #tpu.memory_space<hbm>> -> memref<65536xf32, #tpu.memory_space<hbm>>
    tpu.enqueue_indirect_dma source(%dma_start3A_175 : memref<65536xf32, #tpu.memory_space<hbm>>) target(%dma_start3A_169 : memref<128xf32, #tpu.memory_space<vmem>>) offsets(%dma_start3A_172 : memref<128xi32, #tpu.memory_space<vmem>>) semaphore(%arg7 : memref<!tpu.dma_semaphore, #tpu.memory_space<semaphore_mem>>)
    %dma_start3A_176 = arith.constant 15 : i32
    %dma_start3A_177 = arith.constant 15 : i32
    %dma_start3A_178 = arith.constant 0 : i32
    %dma_start3A_179 = tpu.memref_slice %arg5[%dma_start3A_177, %dma_start3A_178] : memref<20x128xf32, #tpu.memory_space<vmem>> -> memref<1x128xf32, #tpu.memory_space<vmem>>
    %dma_start3A_180 = tpu.memref_squeeze %dma_start3A_179 : memref<1x128xf32, #tpu.memory_space<vmem>> -> memref<128xf32, #tpu.memory_space<vmem>>
    %dma_start3A_181 = arith.constant 0 : i32
    %dma_start3A_182 = tpu.memref_slice %arg4[%dma_start3A_176, %dma_start3A_181] : memref<20x128xi32, #tpu.memory_space<vmem>> -> memref<1x128xi32, #tpu.memory_space<vmem>>
    %dma_start3A_183 = tpu.memref_squeeze %dma_start3A_182 : memref<1x128xi32, #tpu.memory_space<vmem>> -> memref<128xi32, #tpu.memory_space<vmem>>
    %dma_start3A_184 = tpu.memref_slice %arg2[%mul3A_11] : memref<104857600xf32, #tpu.memory_space<hbm>> -> memref<65536xf32, #tpu.memory_space<hbm>>
    %dma_start3A_185 = arith.constant 0 : i32
    %dma_start3A_186 = tpu.memref_slice %dma_start3A_184[%dma_start3A_185] : memref<65536xf32, #tpu.memory_space<hbm>> -> memref<65536xf32, #tpu.memory_space<hbm>>
    tpu.enqueue_indirect_dma source(%dma_start3A_186 : memref<65536xf32, #tpu.memory_space<hbm>>) target(%dma_start3A_180 : memref<128xf32, #tpu.memory_space<vmem>>) offsets(%dma_start3A_183 : memref<128xi32, #tpu.memory_space<vmem>>) semaphore(%arg7 : memref<!tpu.dma_semaphore, #tpu.memory_space<semaphore_mem>>)
    %dma_start3A_187 = arith.constant 16 : i32
    %dma_start3A_188 = arith.constant 16 : i32
    %dma_start3A_189 = arith.constant 0 : i32
    %dma_start3A_190 = tpu.memref_slice %arg5[%dma_start3A_188, %dma_start3A_189] : memref<20x128xf32, #tpu.memory_space<vmem>> -> memref<1x128xf32, #tpu.memory_space<vmem>>
    %dma_start3A_191 = tpu.memref_squeeze %dma_start3A_190 : memref<1x128xf32, #tpu.memory_space<vmem>> -> memref<128xf32, #tpu.memory_space<vmem>>
    %dma_start3A_192 = arith.constant 0 : i32
    %dma_start3A_193 = tpu.memref_slice %arg4[%dma_start3A_187, %dma_start3A_192] : memref<20x128xi32, #tpu.memory_space<vmem>> -> memref<1x128xi32, #tpu.memory_space<vmem>>
    %dma_start3A_194 = tpu.memref_squeeze %dma_start3A_193 : memref<1x128xi32, #tpu.memory_space<vmem>> -> memref<128xi32, #tpu.memory_space<vmem>>
    %dma_start3A_195 = tpu.memref_slice %arg2[%mul3A_11] : memref<104857600xf32, #tpu.memory_space<hbm>> -> memref<65536xf32, #tpu.memory_space<hbm>>
    %dma_start3A_196 = arith.constant 0 : i32
    %dma_start3A_197 = tpu.memref_slice %dma_start3A_195[%dma_start3A_196] : memref<65536xf32, #tpu.memory_space<hbm>> -> memref<65536xf32, #tpu.memory_space<hbm>>
    tpu.enqueue_indirect_dma source(%dma_start3A_197 : memref<65536xf32, #tpu.memory_space<hbm>>) target(%dma_start3A_191 : memref<128xf32, #tpu.memory_space<vmem>>) offsets(%dma_start3A_194 : memref<128xi32, #tpu.memory_space<vmem>>) semaphore(%arg7 : memref<!tpu.dma_semaphore, #tpu.memory_space<semaphore_mem>>)
    %dma_start3A_198 = arith.constant 17 : i32
    %dma_start3A_199 = arith.constant 17 : i32
    %dma_start3A_200 = arith.constant 0 : i32
    %dma_start3A_201 = tpu.memref_slice %arg5[%dma_start3A_199, %dma_start3A_200] : memref<20x128xf32, #tpu.memory_space<vmem>> -> memref<1x128xf32, #tpu.memory_space<vmem>>
    %dma_start3A_202 = tpu.memref_squeeze %dma_start3A_201 : memref<1x128xf32, #tpu.memory_space<vmem>> -> memref<128xf32, #tpu.memory_space<vmem>>
    %dma_start3A_203 = arith.constant 0 : i32
    %dma_start3A_204 = tpu.memref_slice %arg4[%dma_start3A_198, %dma_start3A_203] : memref<20x128xi32, #tpu.memory_space<vmem>> -> memref<1x128xi32, #tpu.memory_space<vmem>>
    %dma_start3A_205 = tpu.memref_squeeze %dma_start3A_204 : memref<1x128xi32, #tpu.memory_space<vmem>> -> memref<128xi32, #tpu.memory_space<vmem>>
    %dma_start3A_206 = tpu.memref_slice %arg2[%mul3A_11] : memref<104857600xf32, #tpu.memory_space<hbm>> -> memref<65536xf32, #tpu.memory_space<hbm>>
    %dma_start3A_207 = arith.constant 0 : i32
    %dma_start3A_208 = tpu.memref_slice %dma_start3A_206[%dma_start3A_207] : memref<65536xf32, #tpu.memory_space<hbm>> -> memref<65536xf32, #tpu.memory_space<hbm>>
    tpu.enqueue_indirect_dma source(%dma_start3A_208 : memref<65536xf32, #tpu.memory_space<hbm>>) target(%dma_start3A_202 : memref<128xf32, #tpu.memory_space<vmem>>) offsets(%dma_start3A_205 : memref<128xi32, #tpu.memory_space<vmem>>) semaphore(%arg7 : memref<!tpu.dma_semaphore, #tpu.memory_space<semaphore_mem>>)
    %dma_start3A_209 = arith.constant 18 : i32
    %dma_start3A_210 = arith.constant 18 : i32
    %dma_start3A_211 = arith.constant 0 : i32
    %dma_start3A_212 = tpu.memref_slice %arg5[%dma_start3A_210, %dma_start3A_211] : memref<20x128xf32, #tpu.memory_space<vmem>> -> memref<1x128xf32, #tpu.memory_space<vmem>>
    %dma_start3A_213 = tpu.memref_squeeze %dma_start3A_212 : memref<1x128xf32, #tpu.memory_space<vmem>> -> memref<128xf32, #tpu.memory_space<vmem>>
    %dma_start3A_214 = arith.constant 0 : i32
    %dma_start3A_215 = tpu.memref_slice %arg4[%dma_start3A_209, %dma_start3A_214] : memref<20x128xi32, #tpu.memory_space<vmem>> -> memref<1x128xi32, #tpu.memory_space<vmem>>
    %dma_start3A_216 = tpu.memref_squeeze %dma_start3A_215 : memref<1x128xi32, #tpu.memory_space<vmem>> -> memref<128xi32, #tpu.memory_space<vmem>>
    %dma_start3A_217 = tpu.memref_slice %arg2[%mul3A_11] : memref<104857600xf32, #tpu.memory_space<hbm>> -> memref<65536xf32, #tpu.memory_space<hbm>>
    %dma_start3A_218 = arith.constant 0 : i32
    %dma_start3A_219 = tpu.memref_slice %dma_start3A_217[%dma_start3A_218] : memref<65536xf32, #tpu.memory_space<hbm>> -> memref<65536xf32, #tpu.memory_space<hbm>>
    tpu.enqueue_indirect_dma source(%dma_start3A_219 : memref<65536xf32, #tpu.memory_space<hbm>>) target(%dma_start3A_213 : memref<128xf32, #tpu.memory_space<vmem>>) offsets(%dma_start3A_216 : memref<128xi32, #tpu.memory_space<vmem>>) semaphore(%arg7 : memref<!tpu.dma_semaphore, #tpu.memory_space<semaphore_mem>>)
    %dma_start3A_220 = arith.constant 19 : i32
    %dma_start3A_221 = arith.constant 19 : i32
    %dma_start3A_222 = arith.constant 0 : i32
    %dma_start3A_223 = tpu.memref_slice %arg5[%dma_start3A_221, %dma_start3A_222] : memref<20x128xf32, #tpu.memory_space<vmem>> -> memref<1x128xf32, #tpu.memory_space<vmem>>
    %dma_start3A_224 = tpu.memref_squeeze %dma_start3A_223 : memref<1x128xf32, #tpu.memory_space<vmem>> -> memref<128xf32, #tpu.memory_space<vmem>>
    %dma_start3A_225 = arith.constant 0 : i32
    %dma_start3A_226 = tpu.memref_slice %arg4[%dma_start3A_220, %dma_start3A_225] : memref<20x128xi32, #tpu.memory_space<vmem>> -> memref<1x128xi32, #tpu.memory_space<vmem>>
    %dma_start3A_227 = tpu.memref_squeeze %dma_start3A_226 : memref<1x128xi32, #tpu.memory_space<vmem>> -> memref<128xi32, #tpu.memory_space<vmem>>
    %dma_start3A_228 = tpu.memref_slice %arg2[%mul3A_11] : memref<104857600xf32, #tpu.memory_space<hbm>> -> memref<65536xf32, #tpu.memory_space<hbm>>
    %dma_start3A_229 = arith.constant 0 : i32
    %dma_start3A_230 = tpu.memref_slice %dma_start3A_228[%dma_start3A_229] : memref<65536xf32, #tpu.memory_space<hbm>> -> memref<65536xf32, #tpu.memory_space<hbm>>
    tpu.enqueue_indirect_dma source(%dma_start3A_230 : memref<65536xf32, #tpu.memory_space<hbm>>) target(%dma_start3A_224 : memref<128xf32, #tpu.memory_space<vmem>>) offsets(%dma_start3A_227 : memref<128xi32, #tpu.memory_space<vmem>>) semaphore(%arg7 : memref<!tpu.dma_semaphore, #tpu.memory_space<semaphore_mem>>)
    %add3A_231 = arith.constant 512 : i32
    %add3A_232 = arith.addi %mul3A_2, %add3A_231 : i32
    %mul3A_233 = arith.constant 128 : i32
    %mul3A_234 = arith.muli %add3A_232, %mul3A_233 : i32
    %dma_start3A_235 = arith.constant 0 : i32
    %dma_start3A_236 = arith.constant 0 : i32
    %dma_start3A_237 = arith.constant 0 : i32
    %dma_start3A_238 = tpu.memref_slice %arg6[%dma_start3A_236, %dma_start3A_237] : memref<20x128xf32, #tpu.memory_space<vmem>> -> memref<1x128xf32, #tpu.memory_space<vmem>>
    %dma_start3A_239 = tpu.memref_squeeze %dma_start3A_238 : memref<1x128xf32, #tpu.memory_space<vmem>> -> memref<128xf32, #tpu.memory_space<vmem>>
    %dma_start3A_240 = arith.constant 0 : i32
    %dma_start3A_241 = tpu.memref_slice %arg4[%dma_start3A_235, %dma_start3A_240] : memref<20x128xi32, #tpu.memory_space<vmem>> -> memref<1x128xi32, #tpu.memory_space<vmem>>
    %dma_start3A_242 = tpu.memref_squeeze %dma_start3A_241 : memref<1x128xi32, #tpu.memory_space<vmem>> -> memref<128xi32, #tpu.memory_space<vmem>>
    %dma_start3A_243 = tpu.memref_slice %arg2[%mul3A_234] : memref<104857600xf32, #tpu.memory_space<hbm>> -> memref<65536xf32, #tpu.memory_space<hbm>>
    %dma_start3A_244 = arith.constant 0 : i32
    %dma_start3A_245 = tpu.memref_slice %dma_start3A_243[%dma_start3A_244] : memref<65536xf32, #tpu.memory_space<hbm>> -> memref<65536xf32, #tpu.memory_space<hbm>>
    tpu.enqueue_indirect_dma source(%dma_start3A_245 : memref<65536xf32, #tpu.memory_space<hbm>>) target(%dma_start3A_239 : memref<128xf32, #tpu.memory_space<vmem>>) offsets(%dma_start3A_242 : memref<128xi32, #tpu.memory_space<vmem>>) semaphore(%arg8 : memref<!tpu.dma_semaphore, #tpu.memory_space<semaphore_mem>>)
    %dma_start3A_246 = arith.constant 1 : i32
    %dma_start3A_247 = arith.constant 1 : i32
    %dma_start3A_248 = arith.constant 0 : i32
    %dma_start3A_249 = tpu.memref_slice %arg6[%dma_start3A_247, %dma_start3A_248] : memref<20x128xf32, #tpu.memory_space<vmem>> -> memref<1x128xf32, #tpu.memory_space<vmem>>
    %dma_start3A_250 = tpu.memref_squeeze %dma_start3A_249 : memref<1x128xf32, #tpu.memory_space<vmem>> -> memref<128xf32, #tpu.memory_space<vmem>>
    %dma_start3A_251 = arith.constant 0 : i32
    %dma_start3A_252 = tpu.memref_slice %arg4[%dma_start3A_246, %dma_start3A_251] : memref<20x128xi32, #tpu.memory_space<vmem>> -> memref<1x128xi32, #tpu.memory_space<vmem>>
    %dma_start3A_253 = tpu.memref_squeeze %dma_start3A_252 : memref<1x128xi32, #tpu.memory_space<vmem>> -> memref<128xi32, #tpu.memory_space<vmem>>
    %dma_start3A_254 = tpu.memref_slice %arg2[%mul3A_234] : memref<104857600xf32, #tpu.memory_space<hbm>> -> memref<65536xf32, #tpu.memory_space<hbm>>
    %dma_start3A_255 = arith.constant 0 : i32
    %dma_start3A_256 = tpu.memref_slice %dma_start3A_254[%dma_start3A_255] : memref<65536xf32, #tpu.memory_space<hbm>> -> memref<65536xf32, #tpu.memory_space<hbm>>
    tpu.enqueue_indirect_dma source(%dma_start3A_256 : memref<65536xf32, #tpu.memory_space<hbm>>) target(%dma_start3A_250 : memref<128xf32, #tpu.memory_space<vmem>>) offsets(%dma_start3A_253 : memref<128xi32, #tpu.memory_space<vmem>>) semaphore(%arg8 : memref<!tpu.dma_semaphore, #tpu.memory_space<semaphore_mem>>)
    %dma_start3A_257 = arith.constant 2 : i32
    %dma_start3A_258 = arith.constant 2 : i32
    %dma_start3A_259 = arith.constant 0 : i32
    %dma_start3A_260 = tpu.memref_slice %arg6[%dma_start3A_258, %dma_start3A_259] : memref<20x128xf32, #tpu.memory_space<vmem>> -> memref<1x128xf32, #tpu.memory_space<vmem>>
    %dma_start3A_261 = tpu.memref_squeeze %dma_start3A_260 : memref<1x128xf32, #tpu.memory_space<vmem>> -> memref<128xf32, #tpu.memory_space<vmem>>
    %dma_start3A_262 = arith.constant 0 : i32
    %dma_start3A_263 = tpu.memref_slice %arg4[%dma_start3A_257, %dma_start3A_262] : memref<20x128xi32, #tpu.memory_space<vmem>> -> memref<1x128xi32, #tpu.memory_space<vmem>>
    %dma_start3A_264 = tpu.memref_squeeze %dma_start3A_263 : memref<1x128xi32, #tpu.memory_space<vmem>> -> memref<128xi32, #tpu.memory_space<vmem>>
    %dma_start3A_265 = tpu.memref_slice %arg2[%mul3A_234] : memref<104857600xf32, #tpu.memory_space<hbm>> -> memref<65536xf32, #tpu.memory_space<hbm>>
    %dma_start3A_266 = arith.constant 0 : i32
    %dma_start3A_267 = tpu.memref_slice %dma_start3A_265[%dma_start3A_266] : memref<65536xf32, #tpu.memory_space<hbm>> -> memref<65536xf32, #tpu.memory_space<hbm>>
    tpu.enqueue_indirect_dma source(%dma_start3A_267 : memref<65536xf32, #tpu.memory_space<hbm>>) target(%dma_start3A_261 : memref<128xf32, #tpu.memory_space<vmem>>) offsets(%dma_start3A_264 : memref<128xi32, #tpu.memory_space<vmem>>) semaphore(%arg8 : memref<!tpu.dma_semaphore, #tpu.memory_space<semaphore_mem>>)
    %dma_start3A_268 = arith.constant 3 : i32
    %dma_start3A_269 = arith.constant 3 : i32
    %dma_start3A_270 = arith.constant 0 : i32
    %dma_start3A_271 = tpu.memref_slice %arg6[%dma_start3A_269, %dma_start3A_270] : memref<20x128xf32, #tpu.memory_space<vmem>> -> memref<1x128xf32, #tpu.memory_space<vmem>>
    %dma_start3A_272 = tpu.memref_squeeze %dma_start3A_271 : memref<1x128xf32, #tpu.memory_space<vmem>> -> memref<128xf32, #tpu.memory_space<vmem>>
    %dma_start3A_273 = arith.constant 0 : i32
    %dma_start3A_274 = tpu.memref_slice %arg4[%dma_start3A_268, %dma_start3A_273] : memref<20x128xi32, #tpu.memory_space<vmem>> -> memref<1x128xi32, #tpu.memory_space<vmem>>
    %dma_start3A_275 = tpu.memref_squeeze %dma_start3A_274 : memref<1x128xi32, #tpu.memory_space<vmem>> -> memref<128xi32, #tpu.memory_space<vmem>>
    %dma_start3A_276 = tpu.memref_slice %arg2[%mul3A_234] : memref<104857600xf32, #tpu.memory_space<hbm>> -> memref<65536xf32, #tpu.memory_space<hbm>>
    %dma_start3A_277 = arith.constant 0 : i32
    %dma_start3A_278 = tpu.memref_slice %dma_start3A_276[%dma_start3A_277] : memref<65536xf32, #tpu.memory_space<hbm>> -> memref<65536xf32, #tpu.memory_space<hbm>>
    tpu.enqueue_indirect_dma source(%dma_start3A_278 : memref<65536xf32, #tpu.memory_space<hbm>>) target(%dma_start3A_272 : memref<128xf32, #tpu.memory_space<vmem>>) offsets(%dma_start3A_275 : memref<128xi32, #tpu.memory_space<vmem>>) semaphore(%arg8 : memref<!tpu.dma_semaphore, #tpu.memory_space<semaphore_mem>>)
    %dma_start3A_279 = arith.constant 4 : i32
    %dma_start3A_280 = arith.constant 4 : i32
    %dma_start3A_281 = arith.constant 0 : i32
    %dma_start3A_282 = tpu.memref_slice %arg6[%dma_start3A_280, %dma_start3A_281] : memref<20x128xf32, #tpu.memory_space<vmem>> -> memref<1x128xf32, #tpu.memory_space<vmem>>
    %dma_start3A_283 = tpu.memref_squeeze %dma_start3A_282 : memref<1x128xf32, #tpu.memory_space<vmem>> -> memref<128xf32, #tpu.memory_space<vmem>>
    %dma_start3A_284 = arith.constant 0 : i32
    %dma_start3A_285 = tpu.memref_slice %arg4[%dma_start3A_279, %dma_start3A_284] : memref<20x128xi32, #tpu.memory_space<vmem>> -> memref<1x128xi32, #tpu.memory_space<vmem>>
    %dma_start3A_286 = tpu.memref_squeeze %dma_start3A_285 : memref<1x128xi32, #tpu.memory_space<vmem>> -> memref<128xi32, #tpu.memory_space<vmem>>
    %dma_start3A_287 = tpu.memref_slice %arg2[%mul3A_234] : memref<104857600xf32, #tpu.memory_space<hbm>> -> memref<65536xf32, #tpu.memory_space<hbm>>
    %dma_start3A_288 = arith.constant 0 : i32
    %dma_start3A_289 = tpu.memref_slice %dma_start3A_287[%dma_start3A_288] : memref<65536xf32, #tpu.memory_space<hbm>> -> memref<65536xf32, #tpu.memory_space<hbm>>
    tpu.enqueue_indirect_dma source(%dma_start3A_289 : memref<65536xf32, #tpu.memory_space<hbm>>) target(%dma_start3A_283 : memref<128xf32, #tpu.memory_space<vmem>>) offsets(%dma_start3A_286 : memref<128xi32, #tpu.memory_space<vmem>>) semaphore(%arg8 : memref<!tpu.dma_semaphore, #tpu.memory_space<semaphore_mem>>)
    %dma_start3A_290 = arith.constant 5 : i32
    %dma_start3A_291 = arith.constant 5 : i32
    %dma_start3A_292 = arith.constant 0 : i32
    %dma_start3A_293 = tpu.memref_slice %arg6[%dma_start3A_291, %dma_start3A_292] : memref<20x128xf32, #tpu.memory_space<vmem>> -> memref<1x128xf32, #tpu.memory_space<vmem>>
    %dma_start3A_294 = tpu.memref_squeeze %dma_start3A_293 : memref<1x128xf32, #tpu.memory_space<vmem>> -> memref<128xf32, #tpu.memory_space<vmem>>
    %dma_start3A_295 = arith.constant 0 : i32
    %dma_start3A_296 = tpu.memref_slice %arg4[%dma_start3A_290, %dma_start3A_295] : memref<20x128xi32, #tpu.memory_space<vmem>> -> memref<1x128xi32, #tpu.memory_space<vmem>>
    %dma_start3A_297 = tpu.memref_squeeze %dma_start3A_296 : memref<1x128xi32, #tpu.memory_space<vmem>> -> memref<128xi32, #tpu.memory_space<vmem>>
    %dma_start3A_298 = tpu.memref_slice %arg2[%mul3A_234] : memref<104857600xf32, #tpu.memory_space<hbm>> -> memref<65536xf32, #tpu.memory_space<hbm>>
    %dma_start3A_299 = arith.constant 0 : i32
    %dma_start3A_300 = tpu.memref_slice %dma_start3A_298[%dma_start3A_299] : memref<65536xf32, #tpu.memory_space<hbm>> -> memref<65536xf32, #tpu.memory_space<hbm>>
    tpu.enqueue_indirect_dma source(%dma_start3A_300 : memref<65536xf32, #tpu.memory_space<hbm>>) target(%dma_start3A_294 : memref<128xf32, #tpu.memory_space<vmem>>) offsets(%dma_start3A_297 : memref<128xi32, #tpu.memory_space<vmem>>) semaphore(%arg8 : memref<!tpu.dma_semaphore, #tpu.memory_space<semaphore_mem>>)
    %dma_start3A_301 = arith.constant 6 : i32
    %dma_start3A_302 = arith.constant 6 : i32
    %dma_start3A_303 = arith.constant 0 : i32
    %dma_start3A_304 = tpu.memref_slice %arg6[%dma_start3A_302, %dma_start3A_303] : memref<20x128xf32, #tpu.memory_space<vmem>> -> memref<1x128xf32, #tpu.memory_space<vmem>>
    %dma_start3A_305 = tpu.memref_squeeze %dma_start3A_304 : memref<1x128xf32, #tpu.memory_space<vmem>> -> memref<128xf32, #tpu.memory_space<vmem>>
    %dma_start3A_306 = arith.constant 0 : i32
    %dma_start3A_307 = tpu.memref_slice %arg4[%dma_start3A_301, %dma_start3A_306] : memref<20x128xi32, #tpu.memory_space<vmem>> -> memref<1x128xi32, #tpu.memory_space<vmem>>
    %dma_start3A_308 = tpu.memref_squeeze %dma_start3A_307 : memref<1x128xi32, #tpu.memory_space<vmem>> -> memref<128xi32, #tpu.memory_space<vmem>>
    %dma_start3A_309 = tpu.memref_slice %arg2[%mul3A_234] : memref<104857600xf32, #tpu.memory_space<hbm>> -> memref<65536xf32, #tpu.memory_space<hbm>>
    %dma_start3A_310 = arith.constant 0 : i32
    %dma_start3A_311 = tpu.memref_slice %dma_start3A_309[%dma_start3A_310] : memref<65536xf32, #tpu.memory_space<hbm>> -> memref<65536xf32, #tpu.memory_space<hbm>>
    tpu.enqueue_indirect_dma source(%dma_start3A_311 : memref<65536xf32, #tpu.memory_space<hbm>>) target(%dma_start3A_305 : memref<128xf32, #tpu.memory_space<vmem>>) offsets(%dma_start3A_308 : memref<128xi32, #tpu.memory_space<vmem>>) semaphore(%arg8 : memref<!tpu.dma_semaphore, #tpu.memory_space<semaphore_mem>>)
    %dma_start3A_312 = arith.constant 7 : i32
    %dma_start3A_313 = arith.constant 7 : i32
    %dma_start3A_314 = arith.constant 0 : i32
    %dma_start3A_315 = tpu.memref_slice %arg6[%dma_start3A_313, %dma_start3A_314] : memref<20x128xf32, #tpu.memory_space<vmem>> -> memref<1x128xf32, #tpu.memory_space<vmem>>
    %dma_start3A_316 = tpu.memref_squeeze %dma_start3A_315 : memref<1x128xf32, #tpu.memory_space<vmem>> -> memref<128xf32, #tpu.memory_space<vmem>>
    %dma_start3A_317 = arith.constant 0 : i32
    %dma_start3A_318 = tpu.memref_slice %arg4[%dma_start3A_312, %dma_start3A_317] : memref<20x128xi32, #tpu.memory_space<vmem>> -> memref<1x128xi32, #tpu.memory_space<vmem>>
    %dma_start3A_319 = tpu.memref_squeeze %dma_start3A_318 : memref<1x128xi32, #tpu.memory_space<vmem>> -> memref<128xi32, #tpu.memory_space<vmem>>
    %dma_start3A_320 = tpu.memref_slice %arg2[%mul3A_234] : memref<104857600xf32, #tpu.memory_space<hbm>> -> memref<65536xf32, #tpu.memory_space<hbm>>
    %dma_start3A_321 = arith.constant 0 : i32
    %dma_start3A_322 = tpu.memref_slice %dma_start3A_320[%dma_start3A_321] : memref<65536xf32, #tpu.memory_space<hbm>> -> memref<65536xf32, #tpu.memory_space<hbm>>
    tpu.enqueue_indirect_dma source(%dma_start3A_322 : memref<65536xf32, #tpu.memory_space<hbm>>) target(%dma_start3A_316 : memref<128xf32, #tpu.memory_space<vmem>>) offsets(%dma_start3A_319 : memref<128xi32, #tpu.memory_space<vmem>>) semaphore(%arg8 : memref<!tpu.dma_semaphore, #tpu.memory_space<semaphore_mem>>)
    %dma_start3A_323 = arith.constant 8 : i32
    %dma_start3A_324 = arith.constant 8 : i32
    %dma_start3A_325 = arith.constant 0 : i32
    %dma_start3A_326 = tpu.memref_slice %arg6[%dma_start3A_324, %dma_start3A_325] : memref<20x128xf32, #tpu.memory_space<vmem>> -> memref<1x128xf32, #tpu.memory_space<vmem>>
    %dma_start3A_327 = tpu.memref_squeeze %dma_start3A_326 : memref<1x128xf32, #tpu.memory_space<vmem>> -> memref<128xf32, #tpu.memory_space<vmem>>
    %dma_start3A_328 = arith.constant 0 : i32
    %dma_start3A_329 = tpu.memref_slice %arg4[%dma_start3A_323, %dma_start3A_328] : memref<20x128xi32, #tpu.memory_space<vmem>> -> memref<1x128xi32, #tpu.memory_space<vmem>>
    %dma_start3A_330 = tpu.memref_squeeze %dma_start3A_329 : memref<1x128xi32, #tpu.memory_space<vmem>> -> memref<128xi32, #tpu.memory_space<vmem>>
    %dma_start3A_331 = tpu.memref_slice %arg2[%mul3A_234] : memref<104857600xf32, #tpu.memory_space<hbm>> -> memref<65536xf32, #tpu.memory_space<hbm>>
    %dma_start3A_332 = arith.constant 0 : i32
    %dma_start3A_333 = tpu.memref_slice %dma_start3A_331[%dma_start3A_332] : memref<65536xf32, #tpu.memory_space<hbm>> -> memref<65536xf32, #tpu.memory_space<hbm>>
    tpu.enqueue_indirect_dma source(%dma_start3A_333 : memref<65536xf32, #tpu.memory_space<hbm>>) target(%dma_start3A_327 : memref<128xf32, #tpu.memory_space<vmem>>) offsets(%dma_start3A_330 : memref<128xi32, #tpu.memory_space<vmem>>) semaphore(%arg8 : memref<!tpu.dma_semaphore, #tpu.memory_space<semaphore_mem>>)
    %dma_start3A_334 = arith.constant 9 : i32
    %dma_start3A_335 = arith.constant 9 : i32
    %dma_start3A_336 = arith.constant 0 : i32
    %dma_start3A_337 = tpu.memref_slice %arg6[%dma_start3A_335, %dma_start3A_336] : memref<20x128xf32, #tpu.memory_space<vmem>> -> memref<1x128xf32, #tpu.memory_space<vmem>>
    %dma_start3A_338 = tpu.memref_squeeze %dma_start3A_337 : memref<1x128xf32, #tpu.memory_space<vmem>> -> memref<128xf32, #tpu.memory_space<vmem>>
    %dma_start3A_339 = arith.constant 0 : i32
    %dma_start3A_340 = tpu.memref_slice %arg4[%dma_start3A_334, %dma_start3A_339] : memref<20x128xi32, #tpu.memory_space<vmem>> -> memref<1x128xi32, #tpu.memory_space<vmem>>
    %dma_start3A_341 = tpu.memref_squeeze %dma_start3A_340 : memref<1x128xi32, #tpu.memory_space<vmem>> -> memref<128xi32, #tpu.memory_space<vmem>>
    %dma_start3A_342 = tpu.memref_slice %arg2[%mul3A_234] : memref<104857600xf32, #tpu.memory_space<hbm>> -> memref<65536xf32, #tpu.memory_space<hbm>>
    %dma_start3A_343 = arith.constant 0 : i32
    %dma_start3A_344 = tpu.memref_slice %dma_start3A_342[%dma_start3A_343] : memref<65536xf32, #tpu.memory_space<hbm>> -> memref<65536xf32, #tpu.memory_space<hbm>>
    tpu.enqueue_indirect_dma source(%dma_start3A_344 : memref<65536xf32, #tpu.memory_space<hbm>>) target(%dma_start3A_338 : memref<128xf32, #tpu.memory_space<vmem>>) offsets(%dma_start3A_341 : memref<128xi32, #tpu.memory_space<vmem>>) semaphore(%arg8 : memref<!tpu.dma_semaphore, #tpu.memory_space<semaphore_mem>>)
    %dma_start3A_345 = arith.constant 10 : i32
    %dma_start3A_346 = arith.constant 10 : i32
    %dma_start3A_347 = arith.constant 0 : i32
    %dma_start3A_348 = tpu.memref_slice %arg6[%dma_start3A_346, %dma_start3A_347] : memref<20x128xf32, #tpu.memory_space<vmem>> -> memref<1x128xf32, #tpu.memory_space<vmem>>
    %dma_start3A_349 = tpu.memref_squeeze %dma_start3A_348 : memref<1x128xf32, #tpu.memory_space<vmem>> -> memref<128xf32, #tpu.memory_space<vmem>>
    %dma_start3A_350 = arith.constant 0 : i32
    %dma_start3A_351 = tpu.memref_slice %arg4[%dma_start3A_345, %dma_start3A_350] : memref<20x128xi32, #tpu.memory_space<vmem>> -> memref<1x128xi32, #tpu.memory_space<vmem>>
    %dma_start3A_352 = tpu.memref_squeeze %dma_start3A_351 : memref<1x128xi32, #tpu.memory_space<vmem>> -> memref<128xi32, #tpu.memory_space<vmem>>
    %dma_start3A_353 = tpu.memref_slice %arg2[%mul3A_234] : memref<104857600xf32, #tpu.memory_space<hbm>> -> memref<65536xf32, #tpu.memory_space<hbm>>
    %dma_start3A_354 = arith.constant 0 : i32
    %dma_start3A_355 = tpu.memref_slice %dma_start3A_353[%dma_start3A_354] : memref<65536xf32, #tpu.memory_space<hbm>> -> memref<65536xf32, #tpu.memory_space<hbm>>
    tpu.enqueue_indirect_dma source(%dma_start3A_355 : memref<65536xf32, #tpu.memory_space<hbm>>) target(%dma_start3A_349 : memref<128xf32, #tpu.memory_space<vmem>>) offsets(%dma_start3A_352 : memref<128xi32, #tpu.memory_space<vmem>>) semaphore(%arg8 : memref<!tpu.dma_semaphore, #tpu.memory_space<semaphore_mem>>)
    %dma_start3A_356 = arith.constant 11 : i32
    %dma_start3A_357 = arith.constant 11 : i32
    %dma_start3A_358 = arith.constant 0 : i32
    %dma_start3A_359 = tpu.memref_slice %arg6[%dma_start3A_357, %dma_start3A_358] : memref<20x128xf32, #tpu.memory_space<vmem>> -> memref<1x128xf32, #tpu.memory_space<vmem>>
    %dma_start3A_360 = tpu.memref_squeeze %dma_start3A_359 : memref<1x128xf32, #tpu.memory_space<vmem>> -> memref<128xf32, #tpu.memory_space<vmem>>
    %dma_start3A_361 = arith.constant 0 : i32
    %dma_start3A_362 = tpu.memref_slice %arg4[%dma_start3A_356, %dma_start3A_361] : memref<20x128xi32, #tpu.memory_space<vmem>> -> memref<1x128xi32, #tpu.memory_space<vmem>>
    %dma_start3A_363 = tpu.memref_squeeze %dma_start3A_362 : memref<1x128xi32, #tpu.memory_space<vmem>> -> memref<128xi32, #tpu.memory_space<vmem>>
    %dma_start3A_364 = tpu.memref_slice %arg2[%mul3A_234] : memref<104857600xf32, #tpu.memory_space<hbm>> -> memref<65536xf32, #tpu.memory_space<hbm>>
    %dma_start3A_365 = arith.constant 0 : i32
    %dma_start3A_366 = tpu.memref_slice %dma_start3A_364[%dma_start3A_365] : memref<65536xf32, #tpu.memory_space<hbm>> -> memref<65536xf32, #tpu.memory_space<hbm>>
    tpu.enqueue_indirect_dma source(%dma_start3A_366 : memref<65536xf32, #tpu.memory_space<hbm>>) target(%dma_start3A_360 : memref<128xf32, #tpu.memory_space<vmem>>) offsets(%dma_start3A_363 : memref<128xi32, #tpu.memory_space<vmem>>) semaphore(%arg8 : memref<!tpu.dma_semaphore, #tpu.memory_space<semaphore_mem>>)
    %dma_start3A_367 = arith.constant 12 : i32
    %dma_start3A_368 = arith.constant 12 : i32
    %dma_start3A_369 = arith.constant 0 : i32
    %dma_start3A_370 = tpu.memref_slice %arg6[%dma_start3A_368, %dma_start3A_369] : memref<20x128xf32, #tpu.memory_space<vmem>> -> memref<1x128xf32, #tpu.memory_space<vmem>>
    %dma_start3A_371 = tpu.memref_squeeze %dma_start3A_370 : memref<1x128xf32, #tpu.memory_space<vmem>> -> memref<128xf32, #tpu.memory_space<vmem>>
    %dma_start3A_372 = arith.constant 0 : i32
    %dma_start3A_373 = tpu.memref_slice %arg4[%dma_start3A_367, %dma_start3A_372] : memref<20x128xi32, #tpu.memory_space<vmem>> -> memref<1x128xi32, #tpu.memory_space<vmem>>
    %dma_start3A_374 = tpu.memref_squeeze %dma_start3A_373 : memref<1x128xi32, #tpu.memory_space<vmem>> -> memref<128xi32, #tpu.memory_space<vmem>>
    %dma_start3A_375 = tpu.memref_slice %arg2[%mul3A_234] : memref<104857600xf32, #tpu.memory_space<hbm>> -> memref<65536xf32, #tpu.memory_space<hbm>>
    %dma_start3A_376 = arith.constant 0 : i32
    %dma_start3A_377 = tpu.memref_slice %dma_start3A_375[%dma_start3A_376] : memref<65536xf32, #tpu.memory_space<hbm>> -> memref<65536xf32, #tpu.memory_space<hbm>>
    tpu.enqueue_indirect_dma source(%dma_start3A_377 : memref<65536xf32, #tpu.memory_space<hbm>>) target(%dma_start3A_371 : memref<128xf32, #tpu.memory_space<vmem>>) offsets(%dma_start3A_374 : memref<128xi32, #tpu.memory_space<vmem>>) semaphore(%arg8 : memref<!tpu.dma_semaphore, #tpu.memory_space<semaphore_mem>>)
    %dma_start3A_378 = arith.constant 13 : i32
    %dma_start3A_379 = arith.constant 13 : i32
    %dma_start3A_380 = arith.constant 0 : i32
    %dma_start3A_381 = tpu.memref_slice %arg6[%dma_start3A_379, %dma_start3A_380] : memref<20x128xf32, #tpu.memory_space<vmem>> -> memref<1x128xf32, #tpu.memory_space<vmem>>
    %dma_start3A_382 = tpu.memref_squeeze %dma_start3A_381 : memref<1x128xf32, #tpu.memory_space<vmem>> -> memref<128xf32, #tpu.memory_space<vmem>>
    %dma_start3A_383 = arith.constant 0 : i32
    %dma_start3A_384 = tpu.memref_slice %arg4[%dma_start3A_378, %dma_start3A_383] : memref<20x128xi32, #tpu.memory_space<vmem>> -> memref<1x128xi32, #tpu.memory_space<vmem>>
    %dma_start3A_385 = tpu.memref_squeeze %dma_start3A_384 : memref<1x128xi32, #tpu.memory_space<vmem>> -> memref<128xi32, #tpu.memory_space<vmem>>
    %dma_start3A_386 = tpu.memref_slice %arg2[%mul3A_234] : memref<104857600xf32, #tpu.memory_space<hbm>> -> memref<65536xf32, #tpu.memory_space<hbm>>
    %dma_start3A_387 = arith.constant 0 : i32
    %dma_start3A_388 = tpu.memref_slice %dma_start3A_386[%dma_start3A_387] : memref<65536xf32, #tpu.memory_space<hbm>> -> memref<65536xf32, #tpu.memory_space<hbm>>
    tpu.enqueue_indirect_dma source(%dma_start3A_388 : memref<65536xf32, #tpu.memory_space<hbm>>) target(%dma_start3A_382 : memref<128xf32, #tpu.memory_space<vmem>>) offsets(%dma_start3A_385 : memref<128xi32, #tpu.memory_space<vmem>>) semaphore(%arg8 : memref<!tpu.dma_semaphore, #tpu.memory_space<semaphore_mem>>)
    %dma_start3A_389 = arith.constant 14 : i32
    %dma_start3A_390 = arith.constant 14 : i32
    %dma_start3A_391 = arith.constant 0 : i32
    %dma_start3A_392 = tpu.memref_slice %arg6[%dma_start3A_390, %dma_start3A_391] : memref<20x128xf32, #tpu.memory_space<vmem>> -> memref<1x128xf32, #tpu.memory_space<vmem>>
    %dma_start3A_393 = tpu.memref_squeeze %dma_start3A_392 : memref<1x128xf32, #tpu.memory_space<vmem>> -> memref<128xf32, #tpu.memory_space<vmem>>
    %dma_start3A_394 = arith.constant 0 : i32
    %dma_start3A_395 = tpu.memref_slice %arg4[%dma_start3A_389, %dma_start3A_394] : memref<20x128xi32, #tpu.memory_space<vmem>> -> memref<1x128xi32, #tpu.memory_space<vmem>>
    %dma_start3A_396 = tpu.memref_squeeze %dma_start3A_395 : memref<1x128xi32, #tpu.memory_space<vmem>> -> memref<128xi32, #tpu.memory_space<vmem>>
    %dma_start3A_397 = tpu.memref_slice %arg2[%mul3A_234] : memref<104857600xf32, #tpu.memory_space<hbm>> -> memref<65536xf32, #tpu.memory_space<hbm>>
    %dma_start3A_398 = arith.constant 0 : i32
    %dma_start3A_399 = tpu.memref_slice %dma_start3A_397[%dma_start3A_398] : memref<65536xf32, #tpu.memory_space<hbm>> -> memref<65536xf32, #tpu.memory_space<hbm>>
    tpu.enqueue_indirect_dma source(%dma_start3A_399 : memref<65536xf32, #tpu.memory_space<hbm>>) target(%dma_start3A_393 : memref<128xf32, #tpu.memory_space<vmem>>) offsets(%dma_start3A_396 : memref<128xi32, #tpu.memory_space<vmem>>) semaphore(%arg8 : memref<!tpu.dma_semaphore, #tpu.memory_space<semaphore_mem>>)
    %dma_start3A_400 = arith.constant 15 : i32
    %dma_start3A_401 = arith.constant 15 : i32
    %dma_start3A_402 = arith.constant 0 : i32
    %dma_start3A_403 = tpu.memref_slice %arg6[%dma_start3A_401, %dma_start3A_402] : memref<20x128xf32, #tpu.memory_space<vmem>> -> memref<1x128xf32, #tpu.memory_space<vmem>>
    %dma_start3A_404 = tpu.memref_squeeze %dma_start3A_403 : memref<1x128xf32, #tpu.memory_space<vmem>> -> memref<128xf32, #tpu.memory_space<vmem>>
    %dma_start3A_405 = arith.constant 0 : i32
    %dma_start3A_406 = tpu.memref_slice %arg4[%dma_start3A_400, %dma_start3A_405] : memref<20x128xi32, #tpu.memory_space<vmem>> -> memref<1x128xi32, #tpu.memory_space<vmem>>
    %dma_start3A_407 = tpu.memref_squeeze %dma_start3A_406 : memref<1x128xi32, #tpu.memory_space<vmem>> -> memref<128xi32, #tpu.memory_space<vmem>>
    %dma_start3A_408 = tpu.memref_slice %arg2[%mul3A_234] : memref<104857600xf32, #tpu.memory_space<hbm>> -> memref<65536xf32, #tpu.memory_space<hbm>>
    %dma_start3A_409 = arith.constant 0 : i32
    %dma_start3A_410 = tpu.memref_slice %dma_start3A_408[%dma_start3A_409] : memref<65536xf32, #tpu.memory_space<hbm>> -> memref<65536xf32, #tpu.memory_space<hbm>>
    tpu.enqueue_indirect_dma source(%dma_start3A_410 : memref<65536xf32, #tpu.memory_space<hbm>>) target(%dma_start3A_404 : memref<128xf32, #tpu.memory_space<vmem>>) offsets(%dma_start3A_407 : memref<128xi32, #tpu.memory_space<vmem>>) semaphore(%arg8 : memref<!tpu.dma_semaphore, #tpu.memory_space<semaphore_mem>>)
    %dma_start3A_411 = arith.constant 16 : i32
    %dma_start3A_412 = arith.constant 16 : i32
    %dma_start3A_413 = arith.constant 0 : i32
    %dma_start3A_414 = tpu.memref_slice %arg6[%dma_start3A_412, %dma_start3A_413] : memref<20x128xf32, #tpu.memory_space<vmem>> -> memref<1x128xf32, #tpu.memory_space<vmem>>
    %dma_start3A_415 = tpu.memref_squeeze %dma_start3A_414 : memref<1x128xf32, #tpu.memory_space<vmem>> -> memref<128xf32, #tpu.memory_space<vmem>>
    %dma_start3A_416 = arith.constant 0 : i32
    %dma_start3A_417 = tpu.memref_slice %arg4[%dma_start3A_411, %dma_start3A_416] : memref<20x128xi32, #tpu.memory_space<vmem>> -> memref<1x128xi32, #tpu.memory_space<vmem>>
    %dma_start3A_418 = tpu.memref_squeeze %dma_start3A_417 : memref<1x128xi32, #tpu.memory_space<vmem>> -> memref<128xi32, #tpu.memory_space<vmem>>
    %dma_start3A_419 = tpu.memref_slice %arg2[%mul3A_234] : memref<104857600xf32, #tpu.memory_space<hbm>> -> memref<65536xf32, #tpu.memory_space<hbm>>
    %dma_start3A_420 = arith.constant 0 : i32
    %dma_start3A_421 = tpu.memref_slice %dma_start3A_419[%dma_start3A_420] : memref<65536xf32, #tpu.memory_space<hbm>> -> memref<65536xf32, #tpu.memory_space<hbm>>
    tpu.enqueue_indirect_dma source(%dma_start3A_421 : memref<65536xf32, #tpu.memory_space<hbm>>) target(%dma_start3A_415 : memref<128xf32, #tpu.memory_space<vmem>>) offsets(%dma_start3A_418 : memref<128xi32, #tpu.memory_space<vmem>>) semaphore(%arg8 : memref<!tpu.dma_semaphore, #tpu.memory_space<semaphore_mem>>)
    %dma_start3A_422 = arith.constant 17 : i32
    %dma_start3A_423 = arith.constant 17 : i32
    %dma_start3A_424 = arith.constant 0 : i32
    %dma_start3A_425 = tpu.memref_slice %arg6[%dma_start3A_423, %dma_start3A_424] : memref<20x128xf32, #tpu.memory_space<vmem>> -> memref<1x128xf32, #tpu.memory_space<vmem>>
    %dma_start3A_426 = tpu.memref_squeeze %dma_start3A_425 : memref<1x128xf32, #tpu.memory_space<vmem>> -> memref<128xf32, #tpu.memory_space<vmem>>
    %dma_start3A_427 = arith.constant 0 : i32
    %dma_start3A_428 = tpu.memref_slice %arg4[%dma_start3A_422, %dma_start3A_427] : memref<20x128xi32, #tpu.memory_space<vmem>> -> memref<1x128xi32, #tpu.memory_space<vmem>>
    %dma_start3A_429 = tpu.memref_squeeze %dma_start3A_428 : memref<1x128xi32, #tpu.memory_space<vmem>> -> memref<128xi32, #tpu.memory_space<vmem>>
    %dma_start3A_430 = tpu.memref_slice %arg2[%mul3A_234] : memref<104857600xf32, #tpu.memory_space<hbm>> -> memref<65536xf32, #tpu.memory_space<hbm>>
    %dma_start3A_431 = arith.constant 0 : i32
    %dma_start3A_432 = tpu.memref_slice %dma_start3A_430[%dma_start3A_431] : memref<65536xf32, #tpu.memory_space<hbm>> -> memref<65536xf32, #tpu.memory_space<hbm>>
    tpu.enqueue_indirect_dma source(%dma_start3A_432 : memref<65536xf32, #tpu.memory_space<hbm>>) target(%dma_start3A_426 : memref<128xf32, #tpu.memory_space<vmem>>) offsets(%dma_start3A_429 : memref<128xi32, #tpu.memory_space<vmem>>) semaphore(%arg8 : memref<!tpu.dma_semaphore, #tpu.memory_space<semaphore_mem>>)
    %dma_start3A_433 = arith.constant 18 : i32
    %dma_start3A_434 = arith.constant 18 : i32
    %dma_start3A_435 = arith.constant 0 : i32
    %dma_start3A_436 = tpu.memref_slice %arg6[%dma_start3A_434, %dma_start3A_435] : memref<20x128xf32, #tpu.memory_space<vmem>> -> memref<1x128xf32, #tpu.memory_space<vmem>>
    %dma_start3A_437 = tpu.memref_squeeze %dma_start3A_436 : memref<1x128xf32, #tpu.memory_space<vmem>> -> memref<128xf32, #tpu.memory_space<vmem>>
    %dma_start3A_438 = arith.constant 0 : i32
    %dma_start3A_439 = tpu.memref_slice %arg4[%dma_start3A_433, %dma_start3A_438] : memref<20x128xi32, #tpu.memory_space<vmem>> -> memref<1x128xi32, #tpu.memory_space<vmem>>
    %dma_start3A_440 = tpu.memref_squeeze %dma_start3A_439 : memref<1x128xi32, #tpu.memory_space<vmem>> -> memref<128xi32, #tpu.memory_space<vmem>>
    %dma_start3A_441 = tpu.memref_slice %arg2[%mul3A_234] : memref<104857600xf32, #tpu.memory_space<hbm>> -> memref<65536xf32, #tpu.memory_space<hbm>>
    %dma_start3A_442 = arith.constant 0 : i32
    %dma_start3A_443 = tpu.memref_slice %dma_start3A_441[%dma_start3A_442] : memref<65536xf32, #tpu.memory_space<hbm>> -> memref<65536xf32, #tpu.memory_space<hbm>>
    tpu.enqueue_indirect_dma source(%dma_start3A_443 : memref<65536xf32, #tpu.memory_space<hbm>>) target(%dma_start3A_437 : memref<128xf32, #tpu.memory_space<vmem>>) offsets(%dma_start3A_440 : memref<128xi32, #tpu.memory_space<vmem>>) semaphore(%arg8 : memref<!tpu.dma_semaphore, #tpu.memory_space<semaphore_mem>>)
    %dma_start3A_444 = arith.constant 19 : i32
    %dma_start3A_445 = arith.constant 19 : i32
    %dma_start3A_446 = arith.constant 0 : i32
    %dma_start3A_447 = tpu.memref_slice %arg6[%dma_start3A_445, %dma_start3A_446] : memref<20x128xf32, #tpu.memory_space<vmem>> -> memref<1x128xf32, #tpu.memory_space<vmem>>
    %dma_start3A_448 = tpu.memref_squeeze %dma_start3A_447 : memref<1x128xf32, #tpu.memory_space<vmem>> -> memref<128xf32, #tpu.memory_space<vmem>>
    %dma_start3A_449 = arith.constant 0 : i32
    %dma_start3A_450 = tpu.memref_slice %arg4[%dma_start3A_444, %dma_start3A_449] : memref<20x128xi32, #tpu.memory_space<vmem>> -> memref<1x128xi32, #tpu.memory_space<vmem>>
    %dma_start3A_451 = tpu.memref_squeeze %dma_start3A_450 : memref<1x128xi32, #tpu.memory_space<vmem>> -> memref<128xi32, #tpu.memory_space<vmem>>
    %dma_start3A_452 = tpu.memref_slice %arg2[%mul3A_234] : memref<104857600xf32, #tpu.memory_space<hbm>> -> memref<65536xf32, #tpu.memory_space<hbm>>
    %dma_start3A_453 = arith.constant 0 : i32
    %dma_start3A_454 = tpu.memref_slice %dma_start3A_452[%dma_start3A_453] : memref<65536xf32, #tpu.memory_space<hbm>> -> memref<65536xf32, #tpu.memory_space<hbm>>
    tpu.enqueue_indirect_dma source(%dma_start3A_454 : memref<65536xf32, #tpu.memory_space<hbm>>) target(%dma_start3A_448 : memref<128xf32, #tpu.memory_space<vmem>>) offsets(%dma_start3A_451 : memref<128xi32, #tpu.memory_space<vmem>>) semaphore(%arg8 : memref<!tpu.dma_semaphore, #tpu.memory_space<semaphore_mem>>)
    %scan3A_455 = arith.constant 0 : i32
    %scan3A_456 = arith.constant 0 : i32
    %scan3A_457 = arith.constant 25 : i32
    %scan3A_458 = arith.addi %scan3A_456, %scan3A_457 : i32
    %scan3A_459 = arith.constant 1 : i32
    scf.for %scan3A_461 = %scan3A_456 to %scan3A_458 step %scan3A_459  : i32 {
      %mul3A_462 = arith.constant 2 : i32
      %mul3A_463 = arith.muli %mul3A_462, %scan3A_461 : i32
      %mul3A_464 = arith.constant 2 : i32
      %mul3A_465 = arith.muli %mul3A_464, %scan3A_461 : i32
      %add3A_466 = arith.constant 1 : i32
      %add3A_467 = arith.addi %mul3A_465, %add3A_466 : i32
      %mul3A_468 = arith.constant 512 : i32
      %mul3A_469 = arith.muli %mul3A_463, %mul3A_468 : i32
      %add3A_470 = arith.addi %mul3A_2, %mul3A_469 : i32
      %mul3A_471 = arith.constant 128 : i32
      %mul3A_472 = arith.muli %add3A_470, %mul3A_471 : i32
      %dma_wait3A = arith.constant 0 : i32
      %dma_wait3A_473 = arith.constant 0 : i32
      %dma_wait3A_474 = arith.constant 0 : i32
      %dma_wait3A_475 = tpu.memref_slice %arg5[%dma_wait3A_473, %dma_wait3A_474] : memref<20x128xf32, #tpu.memory_space<vmem>> -> memref<1x128xf32, #tpu.memory_space<vmem>>
      %dma_wait3A_476 = tpu.memref_squeeze %dma_wait3A_475 : memref<1x128xf32, #tpu.memory_space<vmem>> -> memref<128xf32, #tpu.memory_space<vmem>>
      %dma_wait3A_477 = arith.constant 0 : i32
      %dma_wait3A_478 = tpu.memref_slice %arg4[%dma_wait3A, %dma_wait3A_477] : memref<20x128xi32, #tpu.memory_space<vmem>> -> memref<1x128xi32, #tpu.memory_space<vmem>>
      %dma_wait3A_479 = tpu.memref_squeeze %dma_wait3A_478 : memref<1x128xi32, #tpu.memory_space<vmem>> -> memref<128xi32, #tpu.memory_space<vmem>>
      %dma_wait3A_480 = tpu.memref_slice %arg2[%mul3A_472] : memref<104857600xf32, #tpu.memory_space<hbm>> -> memref<65536xf32, #tpu.memory_space<hbm>>
      %dma_wait3A_481 = arith.constant 0 : i32
      %dma_wait3A_482 = tpu.memref_slice %dma_wait3A_480[%dma_wait3A_481] : memref<65536xf32, #tpu.memory_space<hbm>> -> memref<65536xf32, #tpu.memory_space<hbm>>
      tpu.wait_indirect_dma semaphore(%arg7 : memref<!tpu.dma_semaphore, #tpu.memory_space<semaphore_mem>>) src(%dma_wait3A_482 : memref<65536xf32, #tpu.memory_space<hbm>>) dst(%dma_wait3A_476 : memref<128xf32, #tpu.memory_space<vmem>>)
      %dma_wait3A_483 = arith.constant 1 : i32
      %dma_wait3A_484 = arith.constant 1 : i32
      %dma_wait3A_485 = arith.constant 0 : i32
      %dma_wait3A_486 = tpu.memref_slice %arg5[%dma_wait3A_484, %dma_wait3A_485] : memref<20x128xf32, #tpu.memory_space<vmem>> -> memref<1x128xf32, #tpu.memory_space<vmem>>
      %dma_wait3A_487 = tpu.memref_squeeze %dma_wait3A_486 : memref<1x128xf32, #tpu.memory_space<vmem>> -> memref<128xf32, #tpu.memory_space<vmem>>
      %dma_wait3A_488 = arith.constant 0 : i32
      %dma_wait3A_489 = tpu.memref_slice %arg4[%dma_wait3A_483, %dma_wait3A_488] : memref<20x128xi32, #tpu.memory_space<vmem>> -> memref<1x128xi32, #tpu.memory_space<vmem>>
      %dma_wait3A_490 = tpu.memref_squeeze %dma_wait3A_489 : memref<1x128xi32, #tpu.memory_space<vmem>> -> memref<128xi32, #tpu.memory_space<vmem>>
      %dma_wait3A_491 = tpu.memref_slice %arg2[%mul3A_472] : memref<104857600xf32, #tpu.memory_space<hbm>> -> memref<65536xf32, #tpu.memory_space<hbm>>
      %dma_wait3A_492 = arith.constant 0 : i32
      %dma_wait3A_493 = tpu.memref_slice %dma_wait3A_491[%dma_wait3A_492] : memref<65536xf32, #tpu.memory_space<hbm>> -> memref<65536xf32, #tpu.memory_space<hbm>>
      tpu.wait_indirect_dma semaphore(%arg7 : memref<!tpu.dma_semaphore, #tpu.memory_space<semaphore_mem>>) src(%dma_wait3A_493 : memref<65536xf32, #tpu.memory_space<hbm>>) dst(%dma_wait3A_487 : memref<128xf32, #tpu.memory_space<vmem>>)
      %dma_wait3A_494 = arith.constant 2 : i32
      %dma_wait3A_495 = arith.constant 2 : i32
      %dma_wait3A_496 = arith.constant 0 : i32
      %dma_wait3A_497 = tpu.memref_slice %arg5[%dma_wait3A_495, %dma_wait3A_496] : memref<20x128xf32, #tpu.memory_space<vmem>> -> memref<1x128xf32, #tpu.memory_space<vmem>>
      %dma_wait3A_498 = tpu.memref_squeeze %dma_wait3A_497 : memref<1x128xf32, #tpu.memory_space<vmem>> -> memref<128xf32, #tpu.memory_space<vmem>>
      %dma_wait3A_499 = arith.constant 0 : i32
      %dma_wait3A_500 = tpu.memref_slice %arg4[%dma_wait3A_494, %dma_wait3A_499] : memref<20x128xi32, #tpu.memory_space<vmem>> -> memref<1x128xi32, #tpu.memory_space<vmem>>
      %dma_wait3A_501 = tpu.memref_squeeze %dma_wait3A_500 : memref<1x128xi32, #tpu.memory_space<vmem>> -> memref<128xi32, #tpu.memory_space<vmem>>
      %dma_wait3A_502 = tpu.memref_slice %arg2[%mul3A_472] : memref<104857600xf32, #tpu.memory_space<hbm>> -> memref<65536xf32, #tpu.memory_space<hbm>>
      %dma_wait3A_503 = arith.constant 0 : i32
      %dma_wait3A_504 = tpu.memref_slice %dma_wait3A_502[%dma_wait3A_503] : memref<65536xf32, #tpu.memory_space<hbm>> -> memref<65536xf32, #tpu.memory_space<hbm>>
      tpu.wait_indirect_dma semaphore(%arg7 : memref<!tpu.dma_semaphore, #tpu.memory_space<semaphore_mem>>) src(%dma_wait3A_504 : memref<65536xf32, #tpu.memory_space<hbm>>) dst(%dma_wait3A_498 : memref<128xf32, #tpu.memory_space<vmem>>)
      %dma_wait3A_505 = arith.constant 3 : i32
      %dma_wait3A_506 = arith.constant 3 : i32
      %dma_wait3A_507 = arith.constant 0 : i32
      %dma_wait3A_508 = tpu.memref_slice %arg5[%dma_wait3A_506, %dma_wait3A_507] : memref<20x128xf32, #tpu.memory_space<vmem>> -> memref<1x128xf32, #tpu.memory_space<vmem>>
      %dma_wait3A_509 = tpu.memref_squeeze %dma_wait3A_508 : memref<1x128xf32, #tpu.memory_space<vmem>> -> memref<128xf32, #tpu.memory_space<vmem>>
      %dma_wait3A_510 = arith.constant 0 : i32
      %dma_wait3A_511 = tpu.memref_slice %arg4[%dma_wait3A_505, %dma_wait3A_510] : memref<20x128xi32, #tpu.memory_space<vmem>> -> memref<1x128xi32, #tpu.memory_space<vmem>>
      %dma_wait3A_512 = tpu.memref_squeeze %dma_wait3A_511 : memref<1x128xi32, #tpu.memory_space<vmem>> -> memref<128xi32, #tpu.memory_space<vmem>>
      %dma_wait3A_513 = tpu.memref_slice %arg2[%mul3A_472] : memref<104857600xf32, #tpu.memory_space<hbm>> -> memref<65536xf32, #tpu.memory_space<hbm>>
      %dma_wait3A_514 = arith.constant 0 : i32
      %dma_wait3A_515 = tpu.memref_slice %dma_wait3A_513[%dma_wait3A_514] : memref<65536xf32, #tpu.memory_space<hbm>> -> memref<65536xf32, #tpu.memory_space<hbm>>
      tpu.wait_indirect_dma semaphore(%arg7 : memref<!tpu.dma_semaphore, #tpu.memory_space<semaphore_mem>>) src(%dma_wait3A_515 : memref<65536xf32, #tpu.memory_space<hbm>>) dst(%dma_wait3A_509 : memref<128xf32, #tpu.memory_space<vmem>>)
      %dma_wait3A_516 = arith.constant 4 : i32
      %dma_wait3A_517 = arith.constant 4 : i32
      %dma_wait3A_518 = arith.constant 0 : i32
      %dma_wait3A_519 = tpu.memref_slice %arg5[%dma_wait3A_517, %dma_wait3A_518] : memref<20x128xf32, #tpu.memory_space<vmem>> -> memref<1x128xf32, #tpu.memory_space<vmem>>
      %dma_wait3A_520 = tpu.memref_squeeze %dma_wait3A_519 : memref<1x128xf32, #tpu.memory_space<vmem>> -> memref<128xf32, #tpu.memory_space<vmem>>
      %dma_wait3A_521 = arith.constant 0 : i32
      %dma_wait3A_522 = tpu.memref_slice %arg4[%dma_wait3A_516, %dma_wait3A_521] : memref<20x128xi32, #tpu.memory_space<vmem>> -> memref<1x128xi32, #tpu.memory_space<vmem>>
      %dma_wait3A_523 = tpu.memref_squeeze %dma_wait3A_522 : memref<1x128xi32, #tpu.memory_space<vmem>> -> memref<128xi32, #tpu.memory_space<vmem>>
      %dma_wait3A_524 = tpu.memref_slice %arg2[%mul3A_472] : memref<104857600xf32, #tpu.memory_space<hbm>> -> memref<65536xf32, #tpu.memory_space<hbm>>
      %dma_wait3A_525 = arith.constant 0 : i32
      %dma_wait3A_526 = tpu.memref_slice %dma_wait3A_524[%dma_wait3A_525] : memref<65536xf32, #tpu.memory_space<hbm>> -> memref<65536xf32, #tpu.memory_space<hbm>>
      tpu.wait_indirect_dma semaphore(%arg7 : memref<!tpu.dma_semaphore, #tpu.memory_space<semaphore_mem>>) src(%dma_wait3A_526 : memref<65536xf32, #tpu.memory_space<hbm>>) dst(%dma_wait3A_520 : memref<128xf32, #tpu.memory_space<vmem>>)
      %dma_wait3A_527 = arith.constant 5 : i32
      %dma_wait3A_528 = arith.constant 5 : i32
      %dma_wait3A_529 = arith.constant 0 : i32
      %dma_wait3A_530 = tpu.memref_slice %arg5[%dma_wait3A_528, %dma_wait3A_529] : memref<20x128xf32, #tpu.memory_space<vmem>> -> memref<1x128xf32, #tpu.memory_space<vmem>>
      %dma_wait3A_531 = tpu.memref_squeeze %dma_wait3A_530 : memref<1x128xf32, #tpu.memory_space<vmem>> -> memref<128xf32, #tpu.memory_space<vmem>>
      %dma_wait3A_532 = arith.constant 0 : i32
      %dma_wait3A_533 = tpu.memref_slice %arg4[%dma_wait3A_527, %dma_wait3A_532] : memref<20x128xi32, #tpu.memory_space<vmem>> -> memref<1x128xi32, #tpu.memory_space<vmem>>
      %dma_wait3A_534 = tpu.memref_squeeze %dma_wait3A_533 : memref<1x128xi32, #tpu.memory_space<vmem>> -> memref<128xi32, #tpu.memory_space<vmem>>
      %dma_wait3A_535 = tpu.memref_slice %arg2[%mul3A_472] : memref<104857600xf32, #tpu.memory_space<hbm>> -> memref<65536xf32, #tpu.memory_space<hbm>>
      %dma_wait3A_536 = arith.constant 0 : i32
      %dma_wait3A_537 = tpu.memref_slice %dma_wait3A_535[%dma_wait3A_536] : memref<65536xf32, #tpu.memory_space<hbm>> -> memref<65536xf32, #tpu.memory_space<hbm>>
      tpu.wait_indirect_dma semaphore(%arg7 : memref<!tpu.dma_semaphore, #tpu.memory_space<semaphore_mem>>) src(%dma_wait3A_537 : memref<65536xf32, #tpu.memory_space<hbm>>) dst(%dma_wait3A_531 : memref<128xf32, #tpu.memory_space<vmem>>)
      %dma_wait3A_538 = arith.constant 6 : i32
      %dma_wait3A_539 = arith.constant 6 : i32
      %dma_wait3A_540 = arith.constant 0 : i32
      %dma_wait3A_541 = tpu.memref_slice %arg5[%dma_wait3A_539, %dma_wait3A_540] : memref<20x128xf32, #tpu.memory_space<vmem>> -> memref<1x128xf32, #tpu.memory_space<vmem>>
      %dma_wait3A_542 = tpu.memref_squeeze %dma_wait3A_541 : memref<1x128xf32, #tpu.memory_space<vmem>> -> memref<128xf32, #tpu.memory_space<vmem>>
      %dma_wait3A_543 = arith.constant 0 : i32
      %dma_wait3A_544 = tpu.memref_slice %arg4[%dma_wait3A_538, %dma_wait3A_543] : memref<20x128xi32, #tpu.memory_space<vmem>> -> memref<1x128xi32, #tpu.memory_space<vmem>>
      %dma_wait3A_545 = tpu.memref_squeeze %dma_wait3A_544 : memref<1x128xi32, #tpu.memory_space<vmem>> -> memref<128xi32, #tpu.memory_space<vmem>>
      %dma_wait3A_546 = tpu.memref_slice %arg2[%mul3A_472] : memref<104857600xf32, #tpu.memory_space<hbm>> -> memref<65536xf32, #tpu.memory_space<hbm>>
      %dma_wait3A_547 = arith.constant 0 : i32
      %dma_wait3A_548 = tpu.memref_slice %dma_wait3A_546[%dma_wait3A_547] : memref<65536xf32, #tpu.memory_space<hbm>> -> memref<65536xf32, #tpu.memory_space<hbm>>
      tpu.wait_indirect_dma semaphore(%arg7 : memref<!tpu.dma_semaphore, #tpu.memory_space<semaphore_mem>>) src(%dma_wait3A_548 : memref<65536xf32, #tpu.memory_space<hbm>>) dst(%dma_wait3A_542 : memref<128xf32, #tpu.memory_space<vmem>>)
      %dma_wait3A_549 = arith.constant 7 : i32
      %dma_wait3A_550 = arith.constant 7 : i32
      %dma_wait3A_551 = arith.constant 0 : i32
      %dma_wait3A_552 = tpu.memref_slice %arg5[%dma_wait3A_550, %dma_wait3A_551] : memref<20x128xf32, #tpu.memory_space<vmem>> -> memref<1x128xf32, #tpu.memory_space<vmem>>
      %dma_wait3A_553 = tpu.memref_squeeze %dma_wait3A_552 : memref<1x128xf32, #tpu.memory_space<vmem>> -> memref<128xf32, #tpu.memory_space<vmem>>
      %dma_wait3A_554 = arith.constant 0 : i32
      %dma_wait3A_555 = tpu.memref_slice %arg4[%dma_wait3A_549, %dma_wait3A_554] : memref<20x128xi32, #tpu.memory_space<vmem>> -> memref<1x128xi32, #tpu.memory_space<vmem>>
      %dma_wait3A_556 = tpu.memref_squeeze %dma_wait3A_555 : memref<1x128xi32, #tpu.memory_space<vmem>> -> memref<128xi32, #tpu.memory_space<vmem>>
      %dma_wait3A_557 = tpu.memref_slice %arg2[%mul3A_472] : memref<104857600xf32, #tpu.memory_space<hbm>> -> memref<65536xf32, #tpu.memory_space<hbm>>
      %dma_wait3A_558 = arith.constant 0 : i32
      %dma_wait3A_559 = tpu.memref_slice %dma_wait3A_557[%dma_wait3A_558] : memref<65536xf32, #tpu.memory_space<hbm>> -> memref<65536xf32, #tpu.memory_space<hbm>>
      tpu.wait_indirect_dma semaphore(%arg7 : memref<!tpu.dma_semaphore, #tpu.memory_space<semaphore_mem>>) src(%dma_wait3A_559 : memref<65536xf32, #tpu.memory_space<hbm>>) dst(%dma_wait3A_553 : memref<128xf32, #tpu.memory_space<vmem>>)
      %dma_wait3A_560 = arith.constant 8 : i32
      %dma_wait3A_561 = arith.constant 8 : i32
      %dma_wait3A_562 = arith.constant 0 : i32
      %dma_wait3A_563 = tpu.memref_slice %arg5[%dma_wait3A_561, %dma_wait3A_562] : memref<20x128xf32, #tpu.memory_space<vmem>> -> memref<1x128xf32, #tpu.memory_space<vmem>>
      %dma_wait3A_564 = tpu.memref_squeeze %dma_wait3A_563 : memref<1x128xf32, #tpu.memory_space<vmem>> -> memref<128xf32, #tpu.memory_space<vmem>>
      %dma_wait3A_565 = arith.constant 0 : i32
      %dma_wait3A_566 = tpu.memref_slice %arg4[%dma_wait3A_560, %dma_wait3A_565] : memref<20x128xi32, #tpu.memory_space<vmem>> -> memref<1x128xi32, #tpu.memory_space<vmem>>
      %dma_wait3A_567 = tpu.memref_squeeze %dma_wait3A_566 : memref<1x128xi32, #tpu.memory_space<vmem>> -> memref<128xi32, #tpu.memory_space<vmem>>
      %dma_wait3A_568 = tpu.memref_slice %arg2[%mul3A_472] : memref<104857600xf32, #tpu.memory_space<hbm>> -> memref<65536xf32, #tpu.memory_space<hbm>>
      %dma_wait3A_569 = arith.constant 0 : i32
      %dma_wait3A_570 = tpu.memref_slice %dma_wait3A_568[%dma_wait3A_569] : memref<65536xf32, #tpu.memory_space<hbm>> -> memref<65536xf32, #tpu.memory_space<hbm>>
      tpu.wait_indirect_dma semaphore(%arg7 : memref<!tpu.dma_semaphore, #tpu.memory_space<semaphore_mem>>) src(%dma_wait3A_570 : memref<65536xf32, #tpu.memory_space<hbm>>) dst(%dma_wait3A_564 : memref<128xf32, #tpu.memory_space<vmem>>)
      %dma_wait3A_571 = arith.constant 9 : i32
      %dma_wait3A_572 = arith.constant 9 : i32
      %dma_wait3A_573 = arith.constant 0 : i32
      %dma_wait3A_574 = tpu.memref_slice %arg5[%dma_wait3A_572, %dma_wait3A_573] : memref<20x128xf32, #tpu.memory_space<vmem>> -> memref<1x128xf32, #tpu.memory_space<vmem>>
      %dma_wait3A_575 = tpu.memref_squeeze %dma_wait3A_574 : memref<1x128xf32, #tpu.memory_space<vmem>> -> memref<128xf32, #tpu.memory_space<vmem>>
      %dma_wait3A_576 = arith.constant 0 : i32
      %dma_wait3A_577 = tpu.memref_slice %arg4[%dma_wait3A_571, %dma_wait3A_576] : memref<20x128xi32, #tpu.memory_space<vmem>> -> memref<1x128xi32, #tpu.memory_space<vmem>>
      %dma_wait3A_578 = tpu.memref_squeeze %dma_wait3A_577 : memref<1x128xi32, #tpu.memory_space<vmem>> -> memref<128xi32, #tpu.memory_space<vmem>>
      %dma_wait3A_579 = tpu.memref_slice %arg2[%mul3A_472] : memref<104857600xf32, #tpu.memory_space<hbm>> -> memref<65536xf32, #tpu.memory_space<hbm>>
      %dma_wait3A_580 = arith.constant 0 : i32
      %dma_wait3A_581 = tpu.memref_slice %dma_wait3A_579[%dma_wait3A_580] : memref<65536xf32, #tpu.memory_space<hbm>> -> memref<65536xf32, #tpu.memory_space<hbm>>
      tpu.wait_indirect_dma semaphore(%arg7 : memref<!tpu.dma_semaphore, #tpu.memory_space<semaphore_mem>>) src(%dma_wait3A_581 : memref<65536xf32, #tpu.memory_space<hbm>>) dst(%dma_wait3A_575 : memref<128xf32, #tpu.memory_space<vmem>>)
      %dma_wait3A_582 = arith.constant 10 : i32
      %dma_wait3A_583 = arith.constant 10 : i32
      %dma_wait3A_584 = arith.constant 0 : i32
      %dma_wait3A_585 = tpu.memref_slice %arg5[%dma_wait3A_583, %dma_wait3A_584] : memref<20x128xf32, #tpu.memory_space<vmem>> -> memref<1x128xf32, #tpu.memory_space<vmem>>
      %dma_wait3A_586 = tpu.memref_squeeze %dma_wait3A_585 : memref<1x128xf32, #tpu.memory_space<vmem>> -> memref<128xf32, #tpu.memory_space<vmem>>
      %dma_wait3A_587 = arith.constant 0 : i32
      %dma_wait3A_588 = tpu.memref_slice %arg4[%dma_wait3A_582, %dma_wait3A_587] : memref<20x128xi32, #tpu.memory_space<vmem>> -> memref<1x128xi32, #tpu.memory_space<vmem>>
      %dma_wait3A_589 = tpu.memref_squeeze %dma_wait3A_588 : memref<1x128xi32, #tpu.memory_space<vmem>> -> memref<128xi32, #tpu.memory_space<vmem>>
      %dma_wait3A_590 = tpu.memref_slice %arg2[%mul3A_472] : memref<104857600xf32, #tpu.memory_space<hbm>> -> memref<65536xf32, #tpu.memory_space<hbm>>
      %dma_wait3A_591 = arith.constant 0 : i32
      %dma_wait3A_592 = tpu.memref_slice %dma_wait3A_590[%dma_wait3A_591] : memref<65536xf32, #tpu.memory_space<hbm>> -> memref<65536xf32, #tpu.memory_space<hbm>>
      tpu.wait_indirect_dma semaphore(%arg7 : memref<!tpu.dma_semaphore, #tpu.memory_space<semaphore_mem>>) src(%dma_wait3A_592 : memref<65536xf32, #tpu.memory_space<hbm>>) dst(%dma_wait3A_586 : memref<128xf32, #tpu.memory_space<vmem>>)
      %dma_wait3A_593 = arith.constant 11 : i32
      %dma_wait3A_594 = arith.constant 11 : i32
      %dma_wait3A_595 = arith.constant 0 : i32
      %dma_wait3A_596 = tpu.memref_slice %arg5[%dma_wait3A_594, %dma_wait3A_595] : memref<20x128xf32, #tpu.memory_space<vmem>> -> memref<1x128xf32, #tpu.memory_space<vmem>>
      %dma_wait3A_597 = tpu.memref_squeeze %dma_wait3A_596 : memref<1x128xf32, #tpu.memory_space<vmem>> -> memref<128xf32, #tpu.memory_space<vmem>>
      %dma_wait3A_598 = arith.constant 0 : i32
      %dma_wait3A_599 = tpu.memref_slice %arg4[%dma_wait3A_593, %dma_wait3A_598] : memref<20x128xi32, #tpu.memory_space<vmem>> -> memref<1x128xi32, #tpu.memory_space<vmem>>
      %dma_wait3A_600 = tpu.memref_squeeze %dma_wait3A_599 : memref<1x128xi32, #tpu.memory_space<vmem>> -> memref<128xi32, #tpu.memory_space<vmem>>
      %dma_wait3A_601 = tpu.memref_slice %arg2[%mul3A_472] : memref<104857600xf32, #tpu.memory_space<hbm>> -> memref<65536xf32, #tpu.memory_space<hbm>>
      %dma_wait3A_602 = arith.constant 0 : i32
      %dma_wait3A_603 = tpu.memref_slice %dma_wait3A_601[%dma_wait3A_602] : memref<65536xf32, #tpu.memory_space<hbm>> -> memref<65536xf32, #tpu.memory_space<hbm>>
      tpu.wait_indirect_dma semaphore(%arg7 : memref<!tpu.dma_semaphore, #tpu.memory_space<semaphore_mem>>) src(%dma_wait3A_603 : memref<65536xf32, #tpu.memory_space<hbm>>) dst(%dma_wait3A_597 : memref<128xf32, #tpu.memory_space<vmem>>)
      %dma_wait3A_604 = arith.constant 12 : i32
      %dma_wait3A_605 = arith.constant 12 : i32
      %dma_wait3A_606 = arith.constant 0 : i32
      %dma_wait3A_607 = tpu.memref_slice %arg5[%dma_wait3A_605, %dma_wait3A_606] : memref<20x128xf32, #tpu.memory_space<vmem>> -> memref<1x128xf32, #tpu.memory_space<vmem>>
      %dma_wait3A_608 = tpu.memref_squeeze %dma_wait3A_607 : memref<1x128xf32, #tpu.memory_space<vmem>> -> memref<128xf32, #tpu.memory_space<vmem>>
      %dma_wait3A_609 = arith.constant 0 : i32
      %dma_wait3A_610 = tpu.memref_slice %arg4[%dma_wait3A_604, %dma_wait3A_609] : memref<20x128xi32, #tpu.memory_space<vmem>> -> memref<1x128xi32, #tpu.memory_space<vmem>>
      %dma_wait3A_611 = tpu.memref_squeeze %dma_wait3A_610 : memref<1x128xi32, #tpu.memory_space<vmem>> -> memref<128xi32, #tpu.memory_space<vmem>>
      %dma_wait3A_612 = tpu.memref_slice %arg2[%mul3A_472] : memref<104857600xf32, #tpu.memory_space<hbm>> -> memref<65536xf32, #tpu.memory_space<hbm>>
      %dma_wait3A_613 = arith.constant 0 : i32
      %dma_wait3A_614 = tpu.memref_slice %dma_wait3A_612[%dma_wait3A_613] : memref<65536xf32, #tpu.memory_space<hbm>> -> memref<65536xf32, #tpu.memory_space<hbm>>
      tpu.wait_indirect_dma semaphore(%arg7 : memref<!tpu.dma_semaphore, #tpu.memory_space<semaphore_mem>>) src(%dma_wait3A_614 : memref<65536xf32, #tpu.memory_space<hbm>>) dst(%dma_wait3A_608 : memref<128xf32, #tpu.memory_space<vmem>>)
      %dma_wait3A_615 = arith.constant 13 : i32
      %dma_wait3A_616 = arith.constant 13 : i32
      %dma_wait3A_617 = arith.constant 0 : i32
      %dma_wait3A_618 = tpu.memref_slice %arg5[%dma_wait3A_616, %dma_wait3A_617] : memref<20x128xf32, #tpu.memory_space<vmem>> -> memref<1x128xf32, #tpu.memory_space<vmem>>
      %dma_wait3A_619 = tpu.memref_squeeze %dma_wait3A_618 : memref<1x128xf32, #tpu.memory_space<vmem>> -> memref<128xf32, #tpu.memory_space<vmem>>
      %dma_wait3A_620 = arith.constant 0 : i32
      %dma_wait3A_621 = tpu.memref_slice %arg4[%dma_wait3A_615, %dma_wait3A_620] : memref<20x128xi32, #tpu.memory_space<vmem>> -> memref<1x128xi32, #tpu.memory_space<vmem>>
      %dma_wait3A_622 = tpu.memref_squeeze %dma_wait3A_621 : memref<1x128xi32, #tpu.memory_space<vmem>> -> memref<128xi32, #tpu.memory_space<vmem>>
      %dma_wait3A_623 = tpu.memref_slice %arg2[%mul3A_472] : memref<104857600xf32, #tpu.memory_space<hbm>> -> memref<65536xf32, #tpu.memory_space<hbm>>
      %dma_wait3A_624 = arith.constant 0 : i32
      %dma_wait3A_625 = tpu.memref_slice %dma_wait3A_623[%dma_wait3A_624] : memref<65536xf32, #tpu.memory_space<hbm>> -> memref<65536xf32, #tpu.memory_space<hbm>>
      tpu.wait_indirect_dma semaphore(%arg7 : memref<!tpu.dma_semaphore, #tpu.memory_space<semaphore_mem>>) src(%dma_wait3A_625 : memref<65536xf32, #tpu.memory_space<hbm>>) dst(%dma_wait3A_619 : memref<128xf32, #tpu.memory_space<vmem>>)
      %dma_wait3A_626 = arith.constant 14 : i32
      %dma_wait3A_627 = arith.constant 14 : i32
      %dma_wait3A_628 = arith.constant 0 : i32
      %dma_wait3A_629 = tpu.memref_slice %arg5[%dma_wait3A_627, %dma_wait3A_628] : memref<20x128xf32, #tpu.memory_space<vmem>> -> memref<1x128xf32, #tpu.memory_space<vmem>>
      %dma_wait3A_630 = tpu.memref_squeeze %dma_wait3A_629 : memref<1x128xf32, #tpu.memory_space<vmem>> -> memref<128xf32, #tpu.memory_space<vmem>>
      %dma_wait3A_631 = arith.constant 0 : i32
      %dma_wait3A_632 = tpu.memref_slice %arg4[%dma_wait3A_626, %dma_wait3A_631] : memref<20x128xi32, #tpu.memory_space<vmem>> -> memref<1x128xi32, #tpu.memory_space<vmem>>
      %dma_wait3A_633 = tpu.memref_squeeze %dma_wait3A_632 : memref<1x128xi32, #tpu.memory_space<vmem>> -> memref<128xi32, #tpu.memory_space<vmem>>
      %dma_wait3A_634 = tpu.memref_slice %arg2[%mul3A_472] : memref<104857600xf32, #tpu.memory_space<hbm>> -> memref<65536xf32, #tpu.memory_space<hbm>>
      %dma_wait3A_635 = arith.constant 0 : i32
      %dma_wait3A_636 = tpu.memref_slice %dma_wait3A_634[%dma_wait3A_635] : memref<65536xf32, #tpu.memory_space<hbm>> -> memref<65536xf32, #tpu.memory_space<hbm>>
      tpu.wait_indirect_dma semaphore(%arg7 : memref<!tpu.dma_semaphore, #tpu.memory_space<semaphore_mem>>) src(%dma_wait3A_636 : memref<65536xf32, #tpu.memory_space<hbm>>) dst(%dma_wait3A_630 : memref<128xf32, #tpu.memory_space<vmem>>)
      %dma_wait3A_637 = arith.constant 15 : i32
      %dma_wait3A_638 = arith.constant 15 : i32
      %dma_wait3A_639 = arith.constant 0 : i32
      %dma_wait3A_640 = tpu.memref_slice %arg5[%dma_wait3A_638, %dma_wait3A_639] : memref<20x128xf32, #tpu.memory_space<vmem>> -> memref<1x128xf32, #tpu.memory_space<vmem>>
      %dma_wait3A_641 = tpu.memref_squeeze %dma_wait3A_640 : memref<1x128xf32, #tpu.memory_space<vmem>> -> memref<128xf32, #tpu.memory_space<vmem>>
      %dma_wait3A_642 = arith.constant 0 : i32
      %dma_wait3A_643 = tpu.memref_slice %arg4[%dma_wait3A_637, %dma_wait3A_642] : memref<20x128xi32, #tpu.memory_space<vmem>> -> memref<1x128xi32, #tpu.memory_space<vmem>>
      %dma_wait3A_644 = tpu.memref_squeeze %dma_wait3A_643 : memref<1x128xi32, #tpu.memory_space<vmem>> -> memref<128xi32, #tpu.memory_space<vmem>>
      %dma_wait3A_645 = tpu.memref_slice %arg2[%mul3A_472] : memref<104857600xf32, #tpu.memory_space<hbm>> -> memref<65536xf32, #tpu.memory_space<hbm>>
      %dma_wait3A_646 = arith.constant 0 : i32
      %dma_wait3A_647 = tpu.memref_slice %dma_wait3A_645[%dma_wait3A_646] : memref<65536xf32, #tpu.memory_space<hbm>> -> memref<65536xf32, #tpu.memory_space<hbm>>
      tpu.wait_indirect_dma semaphore(%arg7 : memref<!tpu.dma_semaphore, #tpu.memory_space<semaphore_mem>>) src(%dma_wait3A_647 : memref<65536xf32, #tpu.memory_space<hbm>>) dst(%dma_wait3A_641 : memref<128xf32, #tpu.memory_space<vmem>>)
      %dma_wait3A_648 = arith.constant 16 : i32
      %dma_wait3A_649 = arith.constant 16 : i32
      %dma_wait3A_650 = arith.constant 0 : i32
      %dma_wait3A_651 = tpu.memref_slice %arg5[%dma_wait3A_649, %dma_wait3A_650] : memref<20x128xf32, #tpu.memory_space<vmem>> -> memref<1x128xf32, #tpu.memory_space<vmem>>
      %dma_wait3A_652 = tpu.memref_squeeze %dma_wait3A_651 : memref<1x128xf32, #tpu.memory_space<vmem>> -> memref<128xf32, #tpu.memory_space<vmem>>
      %dma_wait3A_653 = arith.constant 0 : i32
      %dma_wait3A_654 = tpu.memref_slice %arg4[%dma_wait3A_648, %dma_wait3A_653] : memref<20x128xi32, #tpu.memory_space<vmem>> -> memref<1x128xi32, #tpu.memory_space<vmem>>
      %dma_wait3A_655 = tpu.memref_squeeze %dma_wait3A_654 : memref<1x128xi32, #tpu.memory_space<vmem>> -> memref<128xi32, #tpu.memory_space<vmem>>
      %dma_wait3A_656 = tpu.memref_slice %arg2[%mul3A_472] : memref<104857600xf32, #tpu.memory_space<hbm>> -> memref<65536xf32, #tpu.memory_space<hbm>>
      %dma_wait3A_657 = arith.constant 0 : i32
      %dma_wait3A_658 = tpu.memref_slice %dma_wait3A_656[%dma_wait3A_657] : memref<65536xf32, #tpu.memory_space<hbm>> -> memref<65536xf32, #tpu.memory_space<hbm>>
      tpu.wait_indirect_dma semaphore(%arg7 : memref<!tpu.dma_semaphore, #tpu.memory_space<semaphore_mem>>) src(%dma_wait3A_658 : memref<65536xf32, #tpu.memory_space<hbm>>) dst(%dma_wait3A_652 : memref<128xf32, #tpu.memory_space<vmem>>)
      %dma_wait3A_659 = arith.constant 17 : i32
      %dma_wait3A_660 = arith.constant 17 : i32
      %dma_wait3A_661 = arith.constant 0 : i32
      %dma_wait3A_662 = tpu.memref_slice %arg5[%dma_wait3A_660, %dma_wait3A_661] : memref<20x128xf32, #tpu.memory_space<vmem>> -> memref<1x128xf32, #tpu.memory_space<vmem>>
      %dma_wait3A_663 = tpu.memref_squeeze %dma_wait3A_662 : memref<1x128xf32, #tpu.memory_space<vmem>> -> memref<128xf32, #tpu.memory_space<vmem>>
      %dma_wait3A_664 = arith.constant 0 : i32
      %dma_wait3A_665 = tpu.memref_slice %arg4[%dma_wait3A_659, %dma_wait3A_664] : memref<20x128xi32, #tpu.memory_space<vmem>> -> memref<1x128xi32, #tpu.memory_space<vmem>>
      %dma_wait3A_666 = tpu.memref_squeeze %dma_wait3A_665 : memref<1x128xi32, #tpu.memory_space<vmem>> -> memref<128xi32, #tpu.memory_space<vmem>>
      %dma_wait3A_667 = tpu.memref_slice %arg2[%mul3A_472] : memref<104857600xf32, #tpu.memory_space<hbm>> -> memref<65536xf32, #tpu.memory_space<hbm>>
      %dma_wait3A_668 = arith.constant 0 : i32
      %dma_wait3A_669 = tpu.memref_slice %dma_wait3A_667[%dma_wait3A_668] : memref<65536xf32, #tpu.memory_space<hbm>> -> memref<65536xf32, #tpu.memory_space<hbm>>
      tpu.wait_indirect_dma semaphore(%arg7 : memref<!tpu.dma_semaphore, #tpu.memory_space<semaphore_mem>>) src(%dma_wait3A_669 : memref<65536xf32, #tpu.memory_space<hbm>>) dst(%dma_wait3A_663 : memref<128xf32, #tpu.memory_space<vmem>>)
      %dma_wait3A_670 = arith.constant 18 : i32
      %dma_wait3A_671 = arith.constant 18 : i32
      %dma_wait3A_672 = arith.constant 0 : i32
      %dma_wait3A_673 = tpu.memref_slice %arg5[%dma_wait3A_671, %dma_wait3A_672] : memref<20x128xf32, #tpu.memory_space<vmem>> -> memref<1x128xf32, #tpu.memory_space<vmem>>
      %dma_wait3A_674 = tpu.memref_squeeze %dma_wait3A_673 : memref<1x128xf32, #tpu.memory_space<vmem>> -> memref<128xf32, #tpu.memory_space<vmem>>
      %dma_wait3A_675 = arith.constant 0 : i32
      %dma_wait3A_676 = tpu.memref_slice %arg4[%dma_wait3A_670, %dma_wait3A_675] : memref<20x128xi32, #tpu.memory_space<vmem>> -> memref<1x128xi32, #tpu.memory_space<vmem>>
      %dma_wait3A_677 = tpu.memref_squeeze %dma_wait3A_676 : memref<1x128xi32, #tpu.memory_space<vmem>> -> memref<128xi32, #tpu.memory_space<vmem>>
      %dma_wait3A_678 = tpu.memref_slice %arg2[%mul3A_472] : memref<104857600xf32, #tpu.memory_space<hbm>> -> memref<65536xf32, #tpu.memory_space<hbm>>
      %dma_wait3A_679 = arith.constant 0 : i32
      %dma_wait3A_680 = tpu.memref_slice %dma_wait3A_678[%dma_wait3A_679] : memref<65536xf32, #tpu.memory_space<hbm>> -> memref<65536xf32, #tpu.memory_space<hbm>>
      tpu.wait_indirect_dma semaphore(%arg7 : memref<!tpu.dma_semaphore, #tpu.memory_space<semaphore_mem>>) src(%dma_wait3A_680 : memref<65536xf32, #tpu.memory_space<hbm>>) dst(%dma_wait3A_674 : memref<128xf32, #tpu.memory_space<vmem>>)
      %dma_wait3A_681 = arith.constant 19 : i32
      %dma_wait3A_682 = arith.constant 19 : i32
      %dma_wait3A_683 = arith.constant 0 : i32
      %dma_wait3A_684 = tpu.memref_slice %arg5[%dma_wait3A_682, %dma_wait3A_683] : memref<20x128xf32, #tpu.memory_space<vmem>> -> memref<1x128xf32, #tpu.memory_space<vmem>>
      %dma_wait3A_685 = tpu.memref_squeeze %dma_wait3A_684 : memref<1x128xf32, #tpu.memory_space<vmem>> -> memref<128xf32, #tpu.memory_space<vmem>>
      %dma_wait3A_686 = arith.constant 0 : i32
      %dma_wait3A_687 = tpu.memref_slice %arg4[%dma_wait3A_681, %dma_wait3A_686] : memref<20x128xi32, #tpu.memory_space<vmem>> -> memref<1x128xi32, #tpu.memory_space<vmem>>
      %dma_wait3A_688 = tpu.memref_squeeze %dma_wait3A_687 : memref<1x128xi32, #tpu.memory_space<vmem>> -> memref<128xi32, #tpu.memory_space<vmem>>
      %dma_wait3A_689 = tpu.memref_slice %arg2[%mul3A_472] : memref<104857600xf32, #tpu.memory_space<hbm>> -> memref<65536xf32, #tpu.memory_space<hbm>>
      %dma_wait3A_690 = arith.constant 0 : i32
      %dma_wait3A_691 = tpu.memref_slice %dma_wait3A_689[%dma_wait3A_690] : memref<65536xf32, #tpu.memory_space<hbm>> -> memref<65536xf32, #tpu.memory_space<hbm>>
      tpu.wait_indirect_dma semaphore(%arg7 : memref<!tpu.dma_semaphore, #tpu.memory_space<semaphore_mem>>) src(%dma_wait3A_691 : memref<65536xf32, #tpu.memory_space<hbm>>) dst(%dma_wait3A_685 : memref<128xf32, #tpu.memory_space<vmem>>)
      %mul3A_692 = arith.constant 1000 : i32
      %mul3A_693 = arith.muli %add3A, %mul3A_692 : i32
      %mul3A_694 = arith.constant 20 : i32
      %mul3A_695 = arith.muli %mul3A_463, %mul3A_694 : i32
      %add3A_696 = arith.addi %mul3A_693, %mul3A_695 : i32
      "tpu.region"() ({
        %run_scoped3A = tpu.sem_alloc : memref<!tpu.dma_semaphore, #tpu.memory_space<semaphore_mem>>
        %dma_start3A_938 = arith.constant 0 : i32
        %dma_start3A_939 = tpu.memref_slice %arg3[%add3A_696, %dma_start3A_938] : memref<32000x128xf32, #tpu.memory_space<hbm>> -> memref<20x128xf32, #tpu.memory_space<hbm>>
        %dma_start3A_940 = arith.constant 0 : i32
        %dma_start3A_941 = tpu.memref_slice %arg3[%add3A_696, %dma_start3A_940] : memref<32000x128xf32, #tpu.memory_space<hbm>> -> memref<20x128xf32, #tpu.memory_space<hbm>>
        tpu.enqueue_dma source(%arg5 : memref<20x128xf32, #tpu.memory_space<vmem>>) target(%dma_start3A_941 : memref<20x128xf32, #tpu.memory_space<hbm>>) target_semaphore(%run_scoped3A : memref<!tpu.dma_semaphore, #tpu.memory_space<semaphore_mem>>)
        %dma_wait3A_942 = arith.constant 0 : i32
        %dma_wait3A_943 = tpu.memref_slice %arg3[%add3A_696, %dma_wait3A_942] : memref<32000x128xf32, #tpu.memory_space<hbm>> -> memref<20x128xf32, #tpu.memory_space<hbm>>
        %dma_wait3A_944 = arith.constant 0 : i32
        %dma_wait3A_945 = tpu.memref_slice %arg3[%add3A_696, %dma_wait3A_944] : memref<32000x128xf32, #tpu.memory_space<hbm>> -> memref<20x128xf32, #tpu.memory_space<hbm>>
        tpu.wait_dma2 semaphore(%run_scoped3A : memref<!tpu.dma_semaphore, #tpu.memory_space<semaphore_mem>>) src(%arg5 : memref<20x128xf32, #tpu.memory_space<vmem>>) dst(%dma_wait3A_945 : memref<20x128xf32, #tpu.memory_space<hbm>>)
        tpu.yield
      }) : () -> ()
      %add3A_697 = arith.constant 2 : i32
      %add3A_698 = arith.addi %mul3A_463, %add3A_697 : i32
      %lt3A = arith.constant 50 : i32
      %lt3A_699 = arith.cmpi slt, %add3A_698, %lt3A : i32
      %convert_element_type3A = arith.extui %lt3A_699 : i1 to i32
      %cond3A = arith.constant 0 : i32
      %cond3A_700 = arith.cmpi ne, %convert_element_type3A, %cond3A : i32
      scf.if %cond3A_700 {
        %add3A_938 = arith.constant 2 : i32
        %add3A_939 = arith.addi %mul3A_463, %add3A_938 : i32
        %mul3A_940 = arith.constant 512 : i32
        %mul3A_941 = arith.muli %add3A_939, %mul3A_940 : i32
        %add3A_942 = arith.addi %mul3A_2, %mul3A_941 : i32
        %mul3A_943 = arith.constant 128 : i32
        %mul3A_944 = arith.muli %add3A_942, %mul3A_943 : i32
        %dma_start3A_945 = arith.constant 0 : i32
        %dma_start3A_946 = arith.constant 0 : i32
        %dma_start3A_947 = arith.constant 0 : i32
        %dma_start3A_948 = tpu.memref_slice %arg5[%dma_start3A_946, %dma_start3A_947] : memref<20x128xf32, #tpu.memory_space<vmem>> -> memref<1x128xf32, #tpu.memory_space<vmem>>
        %dma_start3A_949 = tpu.memref_squeeze %dma_start3A_948 : memref<1x128xf32, #tpu.memory_space<vmem>> -> memref<128xf32, #tpu.memory_space<vmem>>
        %dma_start3A_950 = arith.constant 0 : i32
        %dma_start3A_951 = tpu.memref_slice %arg4[%dma_start3A_945, %dma_start3A_950] : memref<20x128xi32, #tpu.memory_space<vmem>> -> memref<1x128xi32, #tpu.memory_space<vmem>>
        %dma_start3A_952 = tpu.memref_squeeze %dma_start3A_951 : memref<1x128xi32, #tpu.memory_space<vmem>> -> memref<128xi32, #tpu.memory_space<vmem>>
        %dma_start3A_953 = tpu.memref_slice %arg2[%mul3A_944] : memref<104857600xf32, #tpu.memory_space<hbm>> -> memref<65536xf32, #tpu.memory_space<hbm>>
        %dma_start3A_954 = arith.constant 0 : i32
        %dma_start3A_955 = tpu.memref_slice %dma_start3A_953[%dma_start3A_954] : memref<65536xf32, #tpu.memory_space<hbm>> -> memref<65536xf32, #tpu.memory_space<hbm>>
        tpu.enqueue_indirect_dma source(%dma_start3A_955 : memref<65536xf32, #tpu.memory_space<hbm>>) target(%dma_start3A_949 : memref<128xf32, #tpu.memory_space<vmem>>) offsets(%dma_start3A_952 : memref<128xi32, #tpu.memory_space<vmem>>) semaphore(%arg7 : memref<!tpu.dma_semaphore, #tpu.memory_space<semaphore_mem>>)
        %dma_start3A_956 = arith.constant 1 : i32
        %dma_start3A_957 = arith.constant 1 : i32
        %dma_start3A_958 = arith.constant 0 : i32
        %dma_start3A_959 = tpu.memref_slice %arg5[%dma_start3A_957, %dma_start3A_958] : memref<20x128xf32, #tpu.memory_space<vmem>> -> memref<1x128xf32, #tpu.memory_space<vmem>>
        %dma_start3A_960 = tpu.memref_squeeze %dma_start3A_959 : memref<1x128xf32, #tpu.memory_space<vmem>> -> memref<128xf32, #tpu.memory_space<vmem>>
        %dma_start3A_961 = arith.constant 0 : i32
        %dma_start3A_962 = tpu.memref_slice %arg4[%dma_start3A_956, %dma_start3A_961] : memref<20x128xi32, #tpu.memory_space<vmem>> -> memref<1x128xi32, #tpu.memory_space<vmem>>
        %dma_start3A_963 = tpu.memref_squeeze %dma_start3A_962 : memref<1x128xi32, #tpu.memory_space<vmem>> -> memref<128xi32, #tpu.memory_space<vmem>>
        %dma_start3A_964 = tpu.memref_slice %arg2[%mul3A_944] : memref<104857600xf32, #tpu.memory_space<hbm>> -> memref<65536xf32, #tpu.memory_space<hbm>>
        %dma_start3A_965 = arith.constant 0 : i32
        %dma_start3A_966 = tpu.memref_slice %dma_start3A_964[%dma_start3A_965] : memref<65536xf32, #tpu.memory_space<hbm>> -> memref<65536xf32, #tpu.memory_space<hbm>>
        tpu.enqueue_indirect_dma source(%dma_start3A_966 : memref<65536xf32, #tpu.memory_space<hbm>>) target(%dma_start3A_960 : memref<128xf32, #tpu.memory_space<vmem>>) offsets(%dma_start3A_963 : memref<128xi32, #tpu.memory_space<vmem>>) semaphore(%arg7 : memref<!tpu.dma_semaphore, #tpu.memory_space<semaphore_mem>>)
        %dma_start3A_967 = arith.constant 2 : i32
        %dma_start3A_968 = arith.constant 2 : i32
        %dma_start3A_969 = arith.constant 0 : i32
        %dma_start3A_970 = tpu.memref_slice %arg5[%dma_start3A_968, %dma_start3A_969] : memref<20x128xf32, #tpu.memory_space<vmem>> -> memref<1x128xf32, #tpu.memory_space<vmem>>
        %dma_start3A_971 = tpu.memref_squeeze %dma_start3A_970 : memref<1x128xf32, #tpu.memory_space<vmem>> -> memref<128xf32, #tpu.memory_space<vmem>>
        %dma_start3A_972 = arith.constant 0 : i32
        %dma_start3A_973 = tpu.memref_slice %arg4[%dma_start3A_967, %dma_start3A_972] : memref<20x128xi32, #tpu.memory_space<vmem>> -> memref<1x128xi32, #tpu.memory_space<vmem>>
        %dma_start3A_974 = tpu.memref_squeeze %dma_start3A_973 : memref<1x128xi32, #tpu.memory_space<vmem>> -> memref<128xi32, #tpu.memory_space<vmem>>
        %dma_start3A_975 = tpu.memref_slice %arg2[%mul3A_944] : memref<104857600xf32, #tpu.memory_space<hbm>> -> memref<65536xf32, #tpu.memory_space<hbm>>
        %dma_start3A_976 = arith.constant 0 : i32
        %dma_start3A_977 = tpu.memref_slice %dma_start3A_975[%dma_start3A_976] : memref<65536xf32, #tpu.memory_space<hbm>> -> memref<65536xf32, #tpu.memory_space<hbm>>
        tpu.enqueue_indirect_dma source(%dma_start3A_977 : memref<65536xf32, #tpu.memory_space<hbm>>) target(%dma_start3A_971 : memref<128xf32, #tpu.memory_space<vmem>>) offsets(%dma_start3A_974 : memref<128xi32, #tpu.memory_space<vmem>>) semaphore(%arg7 : memref<!tpu.dma_semaphore, #tpu.memory_space<semaphore_mem>>)
        %dma_start3A_978 = arith.constant 3 : i32
        %dma_start3A_979 = arith.constant 3 : i32
        %dma_start3A_980 = arith.constant 0 : i32
        %dma_start3A_981 = tpu.memref_slice %arg5[%dma_start3A_979, %dma_start3A_980] : memref<20x128xf32, #tpu.memory_space<vmem>> -> memref<1x128xf32, #tpu.memory_space<vmem>>
        %dma_start3A_982 = tpu.memref_squeeze %dma_start3A_981 : memref<1x128xf32, #tpu.memory_space<vmem>> -> memref<128xf32, #tpu.memory_space<vmem>>
        %dma_start3A_983 = arith.constant 0 : i32
        %dma_start3A_984 = tpu.memref_slice %arg4[%dma_start3A_978, %dma_start3A_983] : memref<20x128xi32, #tpu.memory_space<vmem>> -> memref<1x128xi32, #tpu.memory_space<vmem>>
        %dma_start3A_985 = tpu.memref_squeeze %dma_start3A_984 : memref<1x128xi32, #tpu.memory_space<vmem>> -> memref<128xi32, #tpu.memory_space<vmem>>
        %dma_start3A_986 = tpu.memref_slice %arg2[%mul3A_944] : memref<104857600xf32, #tpu.memory_space<hbm>> -> memref<65536xf32, #tpu.memory_space<hbm>>
        %dma_start3A_987 = arith.constant 0 : i32
        %dma_start3A_988 = tpu.memref_slice %dma_start3A_986[%dma_start3A_987] : memref<65536xf32, #tpu.memory_space<hbm>> -> memref<65536xf32, #tpu.memory_space<hbm>>
        tpu.enqueue_indirect_dma source(%dma_start3A_988 : memref<65536xf32, #tpu.memory_space<hbm>>) target(%dma_start3A_982 : memref<128xf32, #tpu.memory_space<vmem>>) offsets(%dma_start3A_985 : memref<128xi32, #tpu.memory_space<vmem>>) semaphore(%arg7 : memref<!tpu.dma_semaphore, #tpu.memory_space<semaphore_mem>>)
        %dma_start3A_989 = arith.constant 4 : i32
        %dma_start3A_990 = arith.constant 4 : i32
        %dma_start3A_991 = arith.constant 0 : i32
        %dma_start3A_992 = tpu.memref_slice %arg5[%dma_start3A_990, %dma_start3A_991] : memref<20x128xf32, #tpu.memory_space<vmem>> -> memref<1x128xf32, #tpu.memory_space<vmem>>
        %dma_start3A_993 = tpu.memref_squeeze %dma_start3A_992 : memref<1x128xf32, #tpu.memory_space<vmem>> -> memref<128xf32, #tpu.memory_space<vmem>>
        %dma_start3A_994 = arith.constant 0 : i32
        %dma_start3A_995 = tpu.memref_slice %arg4[%dma_start3A_989, %dma_start3A_994] : memref<20x128xi32, #tpu.memory_space<vmem>> -> memref<1x128xi32, #tpu.memory_space<vmem>>
        %dma_start3A_996 = tpu.memref_squeeze %dma_start3A_995 : memref<1x128xi32, #tpu.memory_space<vmem>> -> memref<128xi32, #tpu.memory_space<vmem>>
        %dma_start3A_997 = tpu.memref_slice %arg2[%mul3A_944] : memref<104857600xf32, #tpu.memory_space<hbm>> -> memref<65536xf32, #tpu.memory_space<hbm>>
        %dma_start3A_998 = arith.constant 0 : i32
        %dma_start3A_999 = tpu.memref_slice %dma_start3A_997[%dma_start3A_998] : memref<65536xf32, #tpu.memory_space<hbm>> -> memref<65536xf32, #tpu.memory_space<hbm>>
        tpu.enqueue_indirect_dma source(%dma_start3A_999 : memref<65536xf32, #tpu.memory_space<hbm>>) target(%dma_start3A_993 : memref<128xf32, #tpu.memory_space<vmem>>) offsets(%dma_start3A_996 : memref<128xi32, #tpu.memory_space<vmem>>) semaphore(%arg7 : memref<!tpu.dma_semaphore, #tpu.memory_space<semaphore_mem>>)
        %dma_start3A_1000 = arith.constant 5 : i32
        %dma_start3A_1001 = arith.constant 5 : i32
        %dma_start3A_1002 = arith.constant 0 : i32
        %dma_start3A_1003 = tpu.memref_slice %arg5[%dma_start3A_1001, %dma_start3A_1002] : memref<20x128xf32, #tpu.memory_space<vmem>> -> memref<1x128xf32, #tpu.memory_space<vmem>>
        %dma_start3A_1004 = tpu.memref_squeeze %dma_start3A_1003 : memref<1x128xf32, #tpu.memory_space<vmem>> -> memref<128xf32, #tpu.memory_space<vmem>>
        %dma_start3A_1005 = arith.constant 0 : i32
        %dma_start3A_1006 = tpu.memref_slice %arg4[%dma_start3A_1000, %dma_start3A_1005] : memref<20x128xi32, #tpu.memory_space<vmem>> -> memref<1x128xi32, #tpu.memory_space<vmem>>
        %dma_start3A_1007 = tpu.memref_squeeze %dma_start3A_1006 : memref<1x128xi32, #tpu.memory_space<vmem>> -> memref<128xi32, #tpu.memory_space<vmem>>
        %dma_start3A_1008 = tpu.memref_slice %arg2[%mul3A_944] : memref<104857600xf32, #tpu.memory_space<hbm>> -> memref<65536xf32, #tpu.memory_space<hbm>>
        %dma_start3A_1009 = arith.constant 0 : i32
        %dma_start3A_1010 = tpu.memref_slice %dma_start3A_1008[%dma_start3A_1009] : memref<65536xf32, #tpu.memory_space<hbm>> -> memref<65536xf32, #tpu.memory_space<hbm>>
        tpu.enqueue_indirect_dma source(%dma_start3A_1010 : memref<65536xf32, #tpu.memory_space<hbm>>) target(%dma_start3A_1004 : memref<128xf32, #tpu.memory_space<vmem>>) offsets(%dma_start3A_1007 : memref<128xi32, #tpu.memory_space<vmem>>) semaphore(%arg7 : memref<!tpu.dma_semaphore, #tpu.memory_space<semaphore_mem>>)
        %dma_start3A_1011 = arith.constant 6 : i32
        %dma_start3A_1012 = arith.constant 6 : i32
        %dma_start3A_1013 = arith.constant 0 : i32
        %dma_start3A_1014 = tpu.memref_slice %arg5[%dma_start3A_1012, %dma_start3A_1013] : memref<20x128xf32, #tpu.memory_space<vmem>> -> memref<1x128xf32, #tpu.memory_space<vmem>>
        %dma_start3A_1015 = tpu.memref_squeeze %dma_start3A_1014 : memref<1x128xf32, #tpu.memory_space<vmem>> -> memref<128xf32, #tpu.memory_space<vmem>>
        %dma_start3A_1016 = arith.constant 0 : i32
        %dma_start3A_1017 = tpu.memref_slice %arg4[%dma_start3A_1011, %dma_start3A_1016] : memref<20x128xi32, #tpu.memory_space<vmem>> -> memref<1x128xi32, #tpu.memory_space<vmem>>
        %dma_start3A_1018 = tpu.memref_squeeze %dma_start3A_1017 : memref<1x128xi32, #tpu.memory_space<vmem>> -> memref<128xi32, #tpu.memory_space<vmem>>
        %dma_start3A_1019 = tpu.memref_slice %arg2[%mul3A_944] : memref<104857600xf32, #tpu.memory_space<hbm>> -> memref<65536xf32, #tpu.memory_space<hbm>>
        %dma_start3A_1020 = arith.constant 0 : i32
        %dma_start3A_1021 = tpu.memref_slice %dma_start3A_1019[%dma_start3A_1020] : memref<65536xf32, #tpu.memory_space<hbm>> -> memref<65536xf32, #tpu.memory_space<hbm>>
        tpu.enqueue_indirect_dma source(%dma_start3A_1021 : memref<65536xf32, #tpu.memory_space<hbm>>) target(%dma_start3A_1015 : memref<128xf32, #tpu.memory_space<vmem>>) offsets(%dma_start3A_1018 : memref<128xi32, #tpu.memory_space<vmem>>) semaphore(%arg7 : memref<!tpu.dma_semaphore, #tpu.memory_space<semaphore_mem>>)
        %dma_start3A_1022 = arith.constant 7 : i32
        %dma_start3A_1023 = arith.constant 7 : i32
        %dma_start3A_1024 = arith.constant 0 : i32
        %dma_start3A_1025 = tpu.memref_slice %arg5[%dma_start3A_1023, %dma_start3A_1024] : memref<20x128xf32, #tpu.memory_space<vmem>> -> memref<1x128xf32, #tpu.memory_space<vmem>>
        %dma_start3A_1026 = tpu.memref_squeeze %dma_start3A_1025 : memref<1x128xf32, #tpu.memory_space<vmem>> -> memref<128xf32, #tpu.memory_space<vmem>>
        %dma_start3A_1027 = arith.constant 0 : i32
        %dma_start3A_1028 = tpu.memref_slice %arg4[%dma_start3A_1022, %dma_start3A_1027] : memref<20x128xi32, #tpu.memory_space<vmem>> -> memref<1x128xi32, #tpu.memory_space<vmem>>
        %dma_start3A_1029 = tpu.memref_squeeze %dma_start3A_1028 : memref<1x128xi32, #tpu.memory_space<vmem>> -> memref<128xi32, #tpu.memory_space<vmem>>
        %dma_start3A_1030 = tpu.memref_slice %arg2[%mul3A_944] : memref<104857600xf32, #tpu.memory_space<hbm>> -> memref<65536xf32, #tpu.memory_space<hbm>>
        %dma_start3A_1031 = arith.constant 0 : i32
        %dma_start3A_1032 = tpu.memref_slice %dma_start3A_1030[%dma_start3A_1031] : memref<65536xf32, #tpu.memory_space<hbm>> -> memref<65536xf32, #tpu.memory_space<hbm>>
        tpu.enqueue_indirect_dma source(%dma_start3A_1032 : memref<65536xf32, #tpu.memory_space<hbm>>) target(%dma_start3A_1026 : memref<128xf32, #tpu.memory_space<vmem>>) offsets(%dma_start3A_1029 : memref<128xi32, #tpu.memory_space<vmem>>) semaphore(%arg7 : memref<!tpu.dma_semaphore, #tpu.memory_space<semaphore_mem>>)
        %dma_start3A_1033 = arith.constant 8 : i32
        %dma_start3A_1034 = arith.constant 8 : i32
        %dma_start3A_1035 = arith.constant 0 : i32
        %dma_start3A_1036 = tpu.memref_slice %arg5[%dma_start3A_1034, %dma_start3A_1035] : memref<20x128xf32, #tpu.memory_space<vmem>> -> memref<1x128xf32, #tpu.memory_space<vmem>>
        %dma_start3A_1037 = tpu.memref_squeeze %dma_start3A_1036 : memref<1x128xf32, #tpu.memory_space<vmem>> -> memref<128xf32, #tpu.memory_space<vmem>>
        %dma_start3A_1038 = arith.constant 0 : i32
        %dma_start3A_1039 = tpu.memref_slice %arg4[%dma_start3A_1033, %dma_start3A_1038] : memref<20x128xi32, #tpu.memory_space<vmem>> -> memref<1x128xi32, #tpu.memory_space<vmem>>
        %dma_start3A_1040 = tpu.memref_squeeze %dma_start3A_1039 : memref<1x128xi32, #tpu.memory_space<vmem>> -> memref<128xi32, #tpu.memory_space<vmem>>
        %dma_start3A_1041 = tpu.memref_slice %arg2[%mul3A_944] : memref<104857600xf32, #tpu.memory_space<hbm>> -> memref<65536xf32, #tpu.memory_space<hbm>>
        %dma_start3A_1042 = arith.constant 0 : i32
        %dma_start3A_1043 = tpu.memref_slice %dma_start3A_1041[%dma_start3A_1042] : memref<65536xf32, #tpu.memory_space<hbm>> -> memref<65536xf32, #tpu.memory_space<hbm>>
        tpu.enqueue_indirect_dma source(%dma_start3A_1043 : memref<65536xf32, #tpu.memory_space<hbm>>) target(%dma_start3A_1037 : memref<128xf32, #tpu.memory_space<vmem>>) offsets(%dma_start3A_1040 : memref<128xi32, #tpu.memory_space<vmem>>) semaphore(%arg7 : memref<!tpu.dma_semaphore, #tpu.memory_space<semaphore_mem>>)
        %dma_start3A_1044 = arith.constant 9 : i32
        %dma_start3A_1045 = arith.constant 9 : i32
        %dma_start3A_1046 = arith.constant 0 : i32
        %dma_start3A_1047 = tpu.memref_slice %arg5[%dma_start3A_1045, %dma_start3A_1046] : memref<20x128xf32, #tpu.memory_space<vmem>> -> memref<1x128xf32, #tpu.memory_space<vmem>>
        %dma_start3A_1048 = tpu.memref_squeeze %dma_start3A_1047 : memref<1x128xf32, #tpu.memory_space<vmem>> -> memref<128xf32, #tpu.memory_space<vmem>>
        %dma_start3A_1049 = arith.constant 0 : i32
        %dma_start3A_1050 = tpu.memref_slice %arg4[%dma_start3A_1044, %dma_start3A_1049] : memref<20x128xi32, #tpu.memory_space<vmem>> -> memref<1x128xi32, #tpu.memory_space<vmem>>
        %dma_start3A_1051 = tpu.memref_squeeze %dma_start3A_1050 : memref<1x128xi32, #tpu.memory_space<vmem>> -> memref<128xi32, #tpu.memory_space<vmem>>
        %dma_start3A_1052 = tpu.memref_slice %arg2[%mul3A_944] : memref<104857600xf32, #tpu.memory_space<hbm>> -> memref<65536xf32, #tpu.memory_space<hbm>>
        %dma_start3A_1053 = arith.constant 0 : i32
        %dma_start3A_1054 = tpu.memref_slice %dma_start3A_1052[%dma_start3A_1053] : memref<65536xf32, #tpu.memory_space<hbm>> -> memref<65536xf32, #tpu.memory_space<hbm>>
        tpu.enqueue_indirect_dma source(%dma_start3A_1054 : memref<65536xf32, #tpu.memory_space<hbm>>) target(%dma_start3A_1048 : memref<128xf32, #tpu.memory_space<vmem>>) offsets(%dma_start3A_1051 : memref<128xi32, #tpu.memory_space<vmem>>) semaphore(%arg7 : memref<!tpu.dma_semaphore, #tpu.memory_space<semaphore_mem>>)
        %dma_start3A_1055 = arith.constant 10 : i32
        %dma_start3A_1056 = arith.constant 10 : i32
        %dma_start3A_1057 = arith.constant 0 : i32
        %dma_start3A_1058 = tpu.memref_slice %arg5[%dma_start3A_1056, %dma_start3A_1057] : memref<20x128xf32, #tpu.memory_space<vmem>> -> memref<1x128xf32, #tpu.memory_space<vmem>>
        %dma_start3A_1059 = tpu.memref_squeeze %dma_start3A_1058 : memref<1x128xf32, #tpu.memory_space<vmem>> -> memref<128xf32, #tpu.memory_space<vmem>>
        %dma_start3A_1060 = arith.constant 0 : i32
        %dma_start3A_1061 = tpu.memref_slice %arg4[%dma_start3A_1055, %dma_start3A_1060] : memref<20x128xi32, #tpu.memory_space<vmem>> -> memref<1x128xi32, #tpu.memory_space<vmem>>
        %dma_start3A_1062 = tpu.memref_squeeze %dma_start3A_1061 : memref<1x128xi32, #tpu.memory_space<vmem>> -> memref<128xi32, #tpu.memory_space<vmem>>
        %dma_start3A_1063 = tpu.memref_slice %arg2[%mul3A_944] : memref<104857600xf32, #tpu.memory_space<hbm>> -> memref<65536xf32, #tpu.memory_space<hbm>>
        %dma_start3A_1064 = arith.constant 0 : i32
        %dma_start3A_1065 = tpu.memref_slice %dma_start3A_1063[%dma_start3A_1064] : memref<65536xf32, #tpu.memory_space<hbm>> -> memref<65536xf32, #tpu.memory_space<hbm>>
        tpu.enqueue_indirect_dma source(%dma_start3A_1065 : memref<65536xf32, #tpu.memory_space<hbm>>) target(%dma_start3A_1059 : memref<128xf32, #tpu.memory_space<vmem>>) offsets(%dma_start3A_1062 : memref<128xi32, #tpu.memory_space<vmem>>) semaphore(%arg7 : memref<!tpu.dma_semaphore, #tpu.memory_space<semaphore_mem>>)
        %dma_start3A_1066 = arith.constant 11 : i32
        %dma_start3A_1067 = arith.constant 11 : i32
        %dma_start3A_1068 = arith.constant 0 : i32
        %dma_start3A_1069 = tpu.memref_slice %arg5[%dma_start3A_1067, %dma_start3A_1068] : memref<20x128xf32, #tpu.memory_space<vmem>> -> memref<1x128xf32, #tpu.memory_space<vmem>>
        %dma_start3A_1070 = tpu.memref_squeeze %dma_start3A_1069 : memref<1x128xf32, #tpu.memory_space<vmem>> -> memref<128xf32, #tpu.memory_space<vmem>>
        %dma_start3A_1071 = arith.constant 0 : i32
        %dma_start3A_1072 = tpu.memref_slice %arg4[%dma_start3A_1066, %dma_start3A_1071] : memref<20x128xi32, #tpu.memory_space<vmem>> -> memref<1x128xi32, #tpu.memory_space<vmem>>
        %dma_start3A_1073 = tpu.memref_squeeze %dma_start3A_1072 : memref<1x128xi32, #tpu.memory_space<vmem>> -> memref<128xi32, #tpu.memory_space<vmem>>
        %dma_start3A_1074 = tpu.memref_slice %arg2[%mul3A_944] : memref<104857600xf32, #tpu.memory_space<hbm>> -> memref<65536xf32, #tpu.memory_space<hbm>>
        %dma_start3A_1075 = arith.constant 0 : i32
        %dma_start3A_1076 = tpu.memref_slice %dma_start3A_1074[%dma_start3A_1075] : memref<65536xf32, #tpu.memory_space<hbm>> -> memref<65536xf32, #tpu.memory_space<hbm>>
        tpu.enqueue_indirect_dma source(%dma_start3A_1076 : memref<65536xf32, #tpu.memory_space<hbm>>) target(%dma_start3A_1070 : memref<128xf32, #tpu.memory_space<vmem>>) offsets(%dma_start3A_1073 : memref<128xi32, #tpu.memory_space<vmem>>) semaphore(%arg7 : memref<!tpu.dma_semaphore, #tpu.memory_space<semaphore_mem>>)
        %dma_start3A_1077 = arith.constant 12 : i32
        %dma_start3A_1078 = arith.constant 12 : i32
        %dma_start3A_1079 = arith.constant 0 : i32
        %dma_start3A_1080 = tpu.memref_slice %arg5[%dma_start3A_1078, %dma_start3A_1079] : memref<20x128xf32, #tpu.memory_space<vmem>> -> memref<1x128xf32, #tpu.memory_space<vmem>>
        %dma_start3A_1081 = tpu.memref_squeeze %dma_start3A_1080 : memref<1x128xf32, #tpu.memory_space<vmem>> -> memref<128xf32, #tpu.memory_space<vmem>>
        %dma_start3A_1082 = arith.constant 0 : i32
        %dma_start3A_1083 = tpu.memref_slice %arg4[%dma_start3A_1077, %dma_start3A_1082] : memref<20x128xi32, #tpu.memory_space<vmem>> -> memref<1x128xi32, #tpu.memory_space<vmem>>
        %dma_start3A_1084 = tpu.memref_squeeze %dma_start3A_1083 : memref<1x128xi32, #tpu.memory_space<vmem>> -> memref<128xi32, #tpu.memory_space<vmem>>
        %dma_start3A_1085 = tpu.memref_slice %arg2[%mul3A_944] : memref<104857600xf32, #tpu.memory_space<hbm>> -> memref<65536xf32, #tpu.memory_space<hbm>>
        %dma_start3A_1086 = arith.constant 0 : i32
        %dma_start3A_1087 = tpu.memref_slice %dma_start3A_1085[%dma_start3A_1086] : memref<65536xf32, #tpu.memory_space<hbm>> -> memref<65536xf32, #tpu.memory_space<hbm>>
        tpu.enqueue_indirect_dma source(%dma_start3A_1087 : memref<65536xf32, #tpu.memory_space<hbm>>) target(%dma_start3A_1081 : memref<128xf32, #tpu.memory_space<vmem>>) offsets(%dma_start3A_1084 : memref<128xi32, #tpu.memory_space<vmem>>) semaphore(%arg7 : memref<!tpu.dma_semaphore, #tpu.memory_space<semaphore_mem>>)
        %dma_start3A_1088 = arith.constant 13 : i32
        %dma_start3A_1089 = arith.constant 13 : i32
        %dma_start3A_1090 = arith.constant 0 : i32
        %dma_start3A_1091 = tpu.memref_slice %arg5[%dma_start3A_1089, %dma_start3A_1090] : memref<20x128xf32, #tpu.memory_space<vmem>> -> memref<1x128xf32, #tpu.memory_space<vmem>>
        %dma_start3A_1092 = tpu.memref_squeeze %dma_start3A_1091 : memref<1x128xf32, #tpu.memory_space<vmem>> -> memref<128xf32, #tpu.memory_space<vmem>>
        %dma_start3A_1093 = arith.constant 0 : i32
        %dma_start3A_1094 = tpu.memref_slice %arg4[%dma_start3A_1088, %dma_start3A_1093] : memref<20x128xi32, #tpu.memory_space<vmem>> -> memref<1x128xi32, #tpu.memory_space<vmem>>
        %dma_start3A_1095 = tpu.memref_squeeze %dma_start3A_1094 : memref<1x128xi32, #tpu.memory_space<vmem>> -> memref<128xi32, #tpu.memory_space<vmem>>
        %dma_start3A_1096 = tpu.memref_slice %arg2[%mul3A_944] : memref<104857600xf32, #tpu.memory_space<hbm>> -> memref<65536xf32, #tpu.memory_space<hbm>>
        %dma_start3A_1097 = arith.constant 0 : i32
        %dma_start3A_1098 = tpu.memref_slice %dma_start3A_1096[%dma_start3A_1097] : memref<65536xf32, #tpu.memory_space<hbm>> -> memref<65536xf32, #tpu.memory_space<hbm>>
        tpu.enqueue_indirect_dma source(%dma_start3A_1098 : memref<65536xf32, #tpu.memory_space<hbm>>) target(%dma_start3A_1092 : memref<128xf32, #tpu.memory_space<vmem>>) offsets(%dma_start3A_1095 : memref<128xi32, #tpu.memory_space<vmem>>) semaphore(%arg7 : memref<!tpu.dma_semaphore, #tpu.memory_space<semaphore_mem>>)
        %dma_start3A_1099 = arith.constant 14 : i32
        %dma_start3A_1100 = arith.constant 14 : i32
        %dma_start3A_1101 = arith.constant 0 : i32
        %dma_start3A_1102 = tpu.memref_slice %arg5[%dma_start3A_1100, %dma_start3A_1101] : memref<20x128xf32, #tpu.memory_space<vmem>> -> memref<1x128xf32, #tpu.memory_space<vmem>>
        %dma_start3A_1103 = tpu.memref_squeeze %dma_start3A_1102 : memref<1x128xf32, #tpu.memory_space<vmem>> -> memref<128xf32, #tpu.memory_space<vmem>>
        %dma_start3A_1104 = arith.constant 0 : i32
        %dma_start3A_1105 = tpu.memref_slice %arg4[%dma_start3A_1099, %dma_start3A_1104] : memref<20x128xi32, #tpu.memory_space<vmem>> -> memref<1x128xi32, #tpu.memory_space<vmem>>
        %dma_start3A_1106 = tpu.memref_squeeze %dma_start3A_1105 : memref<1x128xi32, #tpu.memory_space<vmem>> -> memref<128xi32, #tpu.memory_space<vmem>>
        %dma_start3A_1107 = tpu.memref_slice %arg2[%mul3A_944] : memref<104857600xf32, #tpu.memory_space<hbm>> -> memref<65536xf32, #tpu.memory_space<hbm>>
        %dma_start3A_1108 = arith.constant 0 : i32
        %dma_start3A_1109 = tpu.memref_slice %dma_start3A_1107[%dma_start3A_1108] : memref<65536xf32, #tpu.memory_space<hbm>> -> memref<65536xf32, #tpu.memory_space<hbm>>
        tpu.enqueue_indirect_dma source(%dma_start3A_1109 : memref<65536xf32, #tpu.memory_space<hbm>>) target(%dma_start3A_1103 : memref<128xf32, #tpu.memory_space<vmem>>) offsets(%dma_start3A_1106 : memref<128xi32, #tpu.memory_space<vmem>>) semaphore(%arg7 : memref<!tpu.dma_semaphore, #tpu.memory_space<semaphore_mem>>)
        %dma_start3A_1110 = arith.constant 15 : i32
        %dma_start3A_1111 = arith.constant 15 : i32
        %dma_start3A_1112 = arith.constant 0 : i32
        %dma_start3A_1113 = tpu.memref_slice %arg5[%dma_start3A_1111, %dma_start3A_1112] : memref<20x128xf32, #tpu.memory_space<vmem>> -> memref<1x128xf32, #tpu.memory_space<vmem>>
        %dma_start3A_1114 = tpu.memref_squeeze %dma_start3A_1113 : memref<1x128xf32, #tpu.memory_space<vmem>> -> memref<128xf32, #tpu.memory_space<vmem>>
        %dma_start3A_1115 = arith.constant 0 : i32
        %dma_start3A_1116 = tpu.memref_slice %arg4[%dma_start3A_1110, %dma_start3A_1115] : memref<20x128xi32, #tpu.memory_space<vmem>> -> memref<1x128xi32, #tpu.memory_space<vmem>>
        %dma_start3A_1117 = tpu.memref_squeeze %dma_start3A_1116 : memref<1x128xi32, #tpu.memory_space<vmem>> -> memref<128xi32, #tpu.memory_space<vmem>>
        %dma_start3A_1118 = tpu.memref_slice %arg2[%mul3A_944] : memref<104857600xf32, #tpu.memory_space<hbm>> -> memref<65536xf32, #tpu.memory_space<hbm>>
        %dma_start3A_1119 = arith.constant 0 : i32
        %dma_start3A_1120 = tpu.memref_slice %dma_start3A_1118[%dma_start3A_1119] : memref<65536xf32, #tpu.memory_space<hbm>> -> memref<65536xf32, #tpu.memory_space<hbm>>
        tpu.enqueue_indirect_dma source(%dma_start3A_1120 : memref<65536xf32, #tpu.memory_space<hbm>>) target(%dma_start3A_1114 : memref<128xf32, #tpu.memory_space<vmem>>) offsets(%dma_start3A_1117 : memref<128xi32, #tpu.memory_space<vmem>>) semaphore(%arg7 : memref<!tpu.dma_semaphore, #tpu.memory_space<semaphore_mem>>)
        %dma_start3A_1121 = arith.constant 16 : i32
        %dma_start3A_1122 = arith.constant 16 : i32
        %dma_start3A_1123 = arith.constant 0 : i32
        %dma_start3A_1124 = tpu.memref_slice %arg5[%dma_start3A_1122, %dma_start3A_1123] : memref<20x128xf32, #tpu.memory_space<vmem>> -> memref<1x128xf32, #tpu.memory_space<vmem>>
        %dma_start3A_1125 = tpu.memref_squeeze %dma_start3A_1124 : memref<1x128xf32, #tpu.memory_space<vmem>> -> memref<128xf32, #tpu.memory_space<vmem>>
        %dma_start3A_1126 = arith.constant 0 : i32
        %dma_start3A_1127 = tpu.memref_slice %arg4[%dma_start3A_1121, %dma_start3A_1126] : memref<20x128xi32, #tpu.memory_space<vmem>> -> memref<1x128xi32, #tpu.memory_space<vmem>>
        %dma_start3A_1128 = tpu.memref_squeeze %dma_start3A_1127 : memref<1x128xi32, #tpu.memory_space<vmem>> -> memref<128xi32, #tpu.memory_space<vmem>>
        %dma_start3A_1129 = tpu.memref_slice %arg2[%mul3A_944] : memref<104857600xf32, #tpu.memory_space<hbm>> -> memref<65536xf32, #tpu.memory_space<hbm>>
        %dma_start3A_1130 = arith.constant 0 : i32
        %dma_start3A_1131 = tpu.memref_slice %dma_start3A_1129[%dma_start3A_1130] : memref<65536xf32, #tpu.memory_space<hbm>> -> memref<65536xf32, #tpu.memory_space<hbm>>
        tpu.enqueue_indirect_dma source(%dma_start3A_1131 : memref<65536xf32, #tpu.memory_space<hbm>>) target(%dma_start3A_1125 : memref<128xf32, #tpu.memory_space<vmem>>) offsets(%dma_start3A_1128 : memref<128xi32, #tpu.memory_space<vmem>>) semaphore(%arg7 : memref<!tpu.dma_semaphore, #tpu.memory_space<semaphore_mem>>)
        %dma_start3A_1132 = arith.constant 17 : i32
        %dma_start3A_1133 = arith.constant 17 : i32
        %dma_start3A_1134 = arith.constant 0 : i32
        %dma_start3A_1135 = tpu.memref_slice %arg5[%dma_start3A_1133, %dma_start3A_1134] : memref<20x128xf32, #tpu.memory_space<vmem>> -> memref<1x128xf32, #tpu.memory_space<vmem>>
        %dma_start3A_1136 = tpu.memref_squeeze %dma_start3A_1135 : memref<1x128xf32, #tpu.memory_space<vmem>> -> memref<128xf32, #tpu.memory_space<vmem>>
        %dma_start3A_1137 = arith.constant 0 : i32
        %dma_start3A_1138 = tpu.memref_slice %arg4[%dma_start3A_1132, %dma_start3A_1137] : memref<20x128xi32, #tpu.memory_space<vmem>> -> memref<1x128xi32, #tpu.memory_space<vmem>>
        %dma_start3A_1139 = tpu.memref_squeeze %dma_start3A_1138 : memref<1x128xi32, #tpu.memory_space<vmem>> -> memref<128xi32, #tpu.memory_space<vmem>>
        %dma_start3A_1140 = tpu.memref_slice %arg2[%mul3A_944] : memref<104857600xf32, #tpu.memory_space<hbm>> -> memref<65536xf32, #tpu.memory_space<hbm>>
        %dma_start3A_1141 = arith.constant 0 : i32
        %dma_start3A_1142 = tpu.memref_slice %dma_start3A_1140[%dma_start3A_1141] : memref<65536xf32, #tpu.memory_space<hbm>> -> memref<65536xf32, #tpu.memory_space<hbm>>
        tpu.enqueue_indirect_dma source(%dma_start3A_1142 : memref<65536xf32, #tpu.memory_space<hbm>>) target(%dma_start3A_1136 : memref<128xf32, #tpu.memory_space<vmem>>) offsets(%dma_start3A_1139 : memref<128xi32, #tpu.memory_space<vmem>>) semaphore(%arg7 : memref<!tpu.dma_semaphore, #tpu.memory_space<semaphore_mem>>)
        %dma_start3A_1143 = arith.constant 18 : i32
        %dma_start3A_1144 = arith.constant 18 : i32
        %dma_start3A_1145 = arith.constant 0 : i32
        %dma_start3A_1146 = tpu.memref_slice %arg5[%dma_start3A_1144, %dma_start3A_1145] : memref<20x128xf32, #tpu.memory_space<vmem>> -> memref<1x128xf32, #tpu.memory_space<vmem>>
        %dma_start3A_1147 = tpu.memref_squeeze %dma_start3A_1146 : memref<1x128xf32, #tpu.memory_space<vmem>> -> memref<128xf32, #tpu.memory_space<vmem>>
        %dma_start3A_1148 = arith.constant 0 : i32
        %dma_start3A_1149 = tpu.memref_slice %arg4[%dma_start3A_1143, %dma_start3A_1148] : memref<20x128xi32, #tpu.memory_space<vmem>> -> memref<1x128xi32, #tpu.memory_space<vmem>>
        %dma_start3A_1150 = tpu.memref_squeeze %dma_start3A_1149 : memref<1x128xi32, #tpu.memory_space<vmem>> -> memref<128xi32, #tpu.memory_space<vmem>>
        %dma_start3A_1151 = tpu.memref_slice %arg2[%mul3A_944] : memref<104857600xf32, #tpu.memory_space<hbm>> -> memref<65536xf32, #tpu.memory_space<hbm>>
        %dma_start3A_1152 = arith.constant 0 : i32
        %dma_start3A_1153 = tpu.memref_slice %dma_start3A_1151[%dma_start3A_1152] : memref<65536xf32, #tpu.memory_space<hbm>> -> memref<65536xf32, #tpu.memory_space<hbm>>
        tpu.enqueue_indirect_dma source(%dma_start3A_1153 : memref<65536xf32, #tpu.memory_space<hbm>>) target(%dma_start3A_1147 : memref<128xf32, #tpu.memory_space<vmem>>) offsets(%dma_start3A_1150 : memref<128xi32, #tpu.memory_space<vmem>>) semaphore(%arg7 : memref<!tpu.dma_semaphore, #tpu.memory_space<semaphore_mem>>)
        %dma_start3A_1154 = arith.constant 19 : i32
        %dma_start3A_1155 = arith.constant 19 : i32
        %dma_start3A_1156 = arith.constant 0 : i32
        %dma_start3A_1157 = tpu.memref_slice %arg5[%dma_start3A_1155, %dma_start3A_1156] : memref<20x128xf32, #tpu.memory_space<vmem>> -> memref<1x128xf32, #tpu.memory_space<vmem>>
        %dma_start3A_1158 = tpu.memref_squeeze %dma_start3A_1157 : memref<1x128xf32, #tpu.memory_space<vmem>> -> memref<128xf32, #tpu.memory_space<vmem>>
        %dma_start3A_1159 = arith.constant 0 : i32
        %dma_start3A_1160 = tpu.memref_slice %arg4[%dma_start3A_1154, %dma_start3A_1159] : memref<20x128xi32, #tpu.memory_space<vmem>> -> memref<1x128xi32, #tpu.memory_space<vmem>>
        %dma_start3A_1161 = tpu.memref_squeeze %dma_start3A_1160 : memref<1x128xi32, #tpu.memory_space<vmem>> -> memref<128xi32, #tpu.memory_space<vmem>>
        %dma_start3A_1162 = tpu.memref_slice %arg2[%mul3A_944] : memref<104857600xf32, #tpu.memory_space<hbm>> -> memref<65536xf32, #tpu.memory_space<hbm>>
        %dma_start3A_1163 = arith.constant 0 : i32
        %dma_start3A_1164 = tpu.memref_slice %dma_start3A_1162[%dma_start3A_1163] : memref<65536xf32, #tpu.memory_space<hbm>> -> memref<65536xf32, #tpu.memory_space<hbm>>
        tpu.enqueue_indirect_dma source(%dma_start3A_1164 : memref<65536xf32, #tpu.memory_space<hbm>>) target(%dma_start3A_1158 : memref<128xf32, #tpu.memory_space<vmem>>) offsets(%dma_start3A_1161 : memref<128xi32, #tpu.memory_space<vmem>>) semaphore(%arg7 : memref<!tpu.dma_semaphore, #tpu.memory_space<semaphore_mem>>)
      } else {
      }
      %mul3A_701 = arith.constant 512 : i32
      %mul3A_702 = arith.muli %add3A_467, %mul3A_701 : i32
      %add3A_703 = arith.addi %mul3A_2, %mul3A_702 : i32
      %mul3A_704 = arith.constant 128 : i32
      %mul3A_705 = arith.muli %add3A_703, %mul3A_704 : i32
      %dma_wait3A_706 = arith.constant 0 : i32
      %dma_wait3A_707 = arith.constant 0 : i32
      %dma_wait3A_708 = arith.constant 0 : i32
      %dma_wait3A_709 = tpu.memref_slice %arg6[%dma_wait3A_707, %dma_wait3A_708] : memref<20x128xf32, #tpu.memory_space<vmem>> -> memref<1x128xf32, #tpu.memory_space<vmem>>
      %dma_wait3A_710 = tpu.memref_squeeze %dma_wait3A_709 : memref<1x128xf32, #tpu.memory_space<vmem>> -> memref<128xf32, #tpu.memory_space<vmem>>
      %dma_wait3A_711 = arith.constant 0 : i32
      %dma_wait3A_712 = tpu.memref_slice %arg4[%dma_wait3A_706, %dma_wait3A_711] : memref<20x128xi32, #tpu.memory_space<vmem>> -> memref<1x128xi32, #tpu.memory_space<vmem>>
      %dma_wait3A_713 = tpu.memref_squeeze %dma_wait3A_712 : memref<1x128xi32, #tpu.memory_space<vmem>> -> memref<128xi32, #tpu.memory_space<vmem>>
      %dma_wait3A_714 = tpu.memref_slice %arg2[%mul3A_705] : memref<104857600xf32, #tpu.memory_space<hbm>> -> memref<65536xf32, #tpu.memory_space<hbm>>
      %dma_wait3A_715 = arith.constant 0 : i32
      %dma_wait3A_716 = tpu.memref_slice %dma_wait3A_714[%dma_wait3A_715] : memref<65536xf32, #tpu.memory_space<hbm>> -> memref<65536xf32, #tpu.memory_space<hbm>>
      tpu.wait_indirect_dma semaphore(%arg8 : memref<!tpu.dma_semaphore, #tpu.memory_space<semaphore_mem>>) src(%dma_wait3A_716 : memref<65536xf32, #tpu.memory_space<hbm>>) dst(%dma_wait3A_710 : memref<128xf32, #tpu.memory_space<vmem>>)
      %dma_wait3A_717 = arith.constant 1 : i32
      %dma_wait3A_718 = arith.constant 1 : i32
      %dma_wait3A_719 = arith.constant 0 : i32
      %dma_wait3A_720 = tpu.memref_slice %arg6[%dma_wait3A_718, %dma_wait3A_719] : memref<20x128xf32, #tpu.memory_space<vmem>> -> memref<1x128xf32, #tpu.memory_space<vmem>>
      %dma_wait3A_721 = tpu.memref_squeeze %dma_wait3A_720 : memref<1x128xf32, #tpu.memory_space<vmem>> -> memref<128xf32, #tpu.memory_space<vmem>>
      %dma_wait3A_722 = arith.constant 0 : i32
      %dma_wait3A_723 = tpu.memref_slice %arg4[%dma_wait3A_717, %dma_wait3A_722] : memref<20x128xi32, #tpu.memory_space<vmem>> -> memref<1x128xi32, #tpu.memory_space<vmem>>
      %dma_wait3A_724 = tpu.memref_squeeze %dma_wait3A_723 : memref<1x128xi32, #tpu.memory_space<vmem>> -> memref<128xi32, #tpu.memory_space<vmem>>
      %dma_wait3A_725 = tpu.memref_slice %arg2[%mul3A_705] : memref<104857600xf32, #tpu.memory_space<hbm>> -> memref<65536xf32, #tpu.memory_space<hbm>>
      %dma_wait3A_726 = arith.constant 0 : i32
      %dma_wait3A_727 = tpu.memref_slice %dma_wait3A_725[%dma_wait3A_726] : memref<65536xf32, #tpu.memory_space<hbm>> -> memref<65536xf32, #tpu.memory_space<hbm>>
      tpu.wait_indirect_dma semaphore(%arg8 : memref<!tpu.dma_semaphore, #tpu.memory_space<semaphore_mem>>) src(%dma_wait3A_727 : memref<65536xf32, #tpu.memory_space<hbm>>) dst(%dma_wait3A_721 : memref<128xf32, #tpu.memory_space<vmem>>)
      %dma_wait3A_728 = arith.constant 2 : i32
      %dma_wait3A_729 = arith.constant 2 : i32
      %dma_wait3A_730 = arith.constant 0 : i32
      %dma_wait3A_731 = tpu.memref_slice %arg6[%dma_wait3A_729, %dma_wait3A_730] : memref<20x128xf32, #tpu.memory_space<vmem>> -> memref<1x128xf32, #tpu.memory_space<vmem>>
      %dma_wait3A_732 = tpu.memref_squeeze %dma_wait3A_731 : memref<1x128xf32, #tpu.memory_space<vmem>> -> memref<128xf32, #tpu.memory_space<vmem>>
      %dma_wait3A_733 = arith.constant 0 : i32
      %dma_wait3A_734 = tpu.memref_slice %arg4[%dma_wait3A_728, %dma_wait3A_733] : memref<20x128xi32, #tpu.memory_space<vmem>> -> memref<1x128xi32, #tpu.memory_space<vmem>>
      %dma_wait3A_735 = tpu.memref_squeeze %dma_wait3A_734 : memref<1x128xi32, #tpu.memory_space<vmem>> -> memref<128xi32, #tpu.memory_space<vmem>>
      %dma_wait3A_736 = tpu.memref_slice %arg2[%mul3A_705] : memref<104857600xf32, #tpu.memory_space<hbm>> -> memref<65536xf32, #tpu.memory_space<hbm>>
      %dma_wait3A_737 = arith.constant 0 : i32
      %dma_wait3A_738 = tpu.memref_slice %dma_wait3A_736[%dma_wait3A_737] : memref<65536xf32, #tpu.memory_space<hbm>> -> memref<65536xf32, #tpu.memory_space<hbm>>
      tpu.wait_indirect_dma semaphore(%arg8 : memref<!tpu.dma_semaphore, #tpu.memory_space<semaphore_mem>>) src(%dma_wait3A_738 : memref<65536xf32, #tpu.memory_space<hbm>>) dst(%dma_wait3A_732 : memref<128xf32, #tpu.memory_space<vmem>>)
      %dma_wait3A_739 = arith.constant 3 : i32
      %dma_wait3A_740 = arith.constant 3 : i32
      %dma_wait3A_741 = arith.constant 0 : i32
      %dma_wait3A_742 = tpu.memref_slice %arg6[%dma_wait3A_740, %dma_wait3A_741] : memref<20x128xf32, #tpu.memory_space<vmem>> -> memref<1x128xf32, #tpu.memory_space<vmem>>
      %dma_wait3A_743 = tpu.memref_squeeze %dma_wait3A_742 : memref<1x128xf32, #tpu.memory_space<vmem>> -> memref<128xf32, #tpu.memory_space<vmem>>
      %dma_wait3A_744 = arith.constant 0 : i32
      %dma_wait3A_745 = tpu.memref_slice %arg4[%dma_wait3A_739, %dma_wait3A_744] : memref<20x128xi32, #tpu.memory_space<vmem>> -> memref<1x128xi32, #tpu.memory_space<vmem>>
      %dma_wait3A_746 = tpu.memref_squeeze %dma_wait3A_745 : memref<1x128xi32, #tpu.memory_space<vmem>> -> memref<128xi32, #tpu.memory_space<vmem>>
      %dma_wait3A_747 = tpu.memref_slice %arg2[%mul3A_705] : memref<104857600xf32, #tpu.memory_space<hbm>> -> memref<65536xf32, #tpu.memory_space<hbm>>
      %dma_wait3A_748 = arith.constant 0 : i32
      %dma_wait3A_749 = tpu.memref_slice %dma_wait3A_747[%dma_wait3A_748] : memref<65536xf32, #tpu.memory_space<hbm>> -> memref<65536xf32, #tpu.memory_space<hbm>>
      tpu.wait_indirect_dma semaphore(%arg8 : memref<!tpu.dma_semaphore, #tpu.memory_space<semaphore_mem>>) src(%dma_wait3A_749 : memref<65536xf32, #tpu.memory_space<hbm>>) dst(%dma_wait3A_743 : memref<128xf32, #tpu.memory_space<vmem>>)
      %dma_wait3A_750 = arith.constant 4 : i32
      %dma_wait3A_751 = arith.constant 4 : i32
      %dma_wait3A_752 = arith.constant 0 : i32
      %dma_wait3A_753 = tpu.memref_slice %arg6[%dma_wait3A_751, %dma_wait3A_752] : memref<20x128xf32, #tpu.memory_space<vmem>> -> memref<1x128xf32, #tpu.memory_space<vmem>>
      %dma_wait3A_754 = tpu.memref_squeeze %dma_wait3A_753 : memref<1x128xf32, #tpu.memory_space<vmem>> -> memref<128xf32, #tpu.memory_space<vmem>>
      %dma_wait3A_755 = arith.constant 0 : i32
      %dma_wait3A_756 = tpu.memref_slice %arg4[%dma_wait3A_750, %dma_wait3A_755] : memref<20x128xi32, #tpu.memory_space<vmem>> -> memref<1x128xi32, #tpu.memory_space<vmem>>
      %dma_wait3A_757 = tpu.memref_squeeze %dma_wait3A_756 : memref<1x128xi32, #tpu.memory_space<vmem>> -> memref<128xi32, #tpu.memory_space<vmem>>
      %dma_wait3A_758 = tpu.memref_slice %arg2[%mul3A_705] : memref<104857600xf32, #tpu.memory_space<hbm>> -> memref<65536xf32, #tpu.memory_space<hbm>>
      %dma_wait3A_759 = arith.constant 0 : i32
      %dma_wait3A_760 = tpu.memref_slice %dma_wait3A_758[%dma_wait3A_759] : memref<65536xf32, #tpu.memory_space<hbm>> -> memref<65536xf32, #tpu.memory_space<hbm>>
      tpu.wait_indirect_dma semaphore(%arg8 : memref<!tpu.dma_semaphore, #tpu.memory_space<semaphore_mem>>) src(%dma_wait3A_760 : memref<65536xf32, #tpu.memory_space<hbm>>) dst(%dma_wait3A_754 : memref<128xf32, #tpu.memory_space<vmem>>)
      %dma_wait3A_761 = arith.constant 5 : i32
      %dma_wait3A_762 = arith.constant 5 : i32
      %dma_wait3A_763 = arith.constant 0 : i32
      %dma_wait3A_764 = tpu.memref_slice %arg6[%dma_wait3A_762, %dma_wait3A_763] : memref<20x128xf32, #tpu.memory_space<vmem>> -> memref<1x128xf32, #tpu.memory_space<vmem>>
      %dma_wait3A_765 = tpu.memref_squeeze %dma_wait3A_764 : memref<1x128xf32, #tpu.memory_space<vmem>> -> memref<128xf32, #tpu.memory_space<vmem>>
      %dma_wait3A_766 = arith.constant 0 : i32
      %dma_wait3A_767 = tpu.memref_slice %arg4[%dma_wait3A_761, %dma_wait3A_766] : memref<20x128xi32, #tpu.memory_space<vmem>> -> memref<1x128xi32, #tpu.memory_space<vmem>>
      %dma_wait3A_768 = tpu.memref_squeeze %dma_wait3A_767 : memref<1x128xi32, #tpu.memory_space<vmem>> -> memref<128xi32, #tpu.memory_space<vmem>>
      %dma_wait3A_769 = tpu.memref_slice %arg2[%mul3A_705] : memref<104857600xf32, #tpu.memory_space<hbm>> -> memref<65536xf32, #tpu.memory_space<hbm>>
      %dma_wait3A_770 = arith.constant 0 : i32
      %dma_wait3A_771 = tpu.memref_slice %dma_wait3A_769[%dma_wait3A_770] : memref<65536xf32, #tpu.memory_space<hbm>> -> memref<65536xf32, #tpu.memory_space<hbm>>
      tpu.wait_indirect_dma semaphore(%arg8 : memref<!tpu.dma_semaphore, #tpu.memory_space<semaphore_mem>>) src(%dma_wait3A_771 : memref<65536xf32, #tpu.memory_space<hbm>>) dst(%dma_wait3A_765 : memref<128xf32, #tpu.memory_space<vmem>>)
      %dma_wait3A_772 = arith.constant 6 : i32
      %dma_wait3A_773 = arith.constant 6 : i32
      %dma_wait3A_774 = arith.constant 0 : i32
      %dma_wait3A_775 = tpu.memref_slice %arg6[%dma_wait3A_773, %dma_wait3A_774] : memref<20x128xf32, #tpu.memory_space<vmem>> -> memref<1x128xf32, #tpu.memory_space<vmem>>
      %dma_wait3A_776 = tpu.memref_squeeze %dma_wait3A_775 : memref<1x128xf32, #tpu.memory_space<vmem>> -> memref<128xf32, #tpu.memory_space<vmem>>
      %dma_wait3A_777 = arith.constant 0 : i32
      %dma_wait3A_778 = tpu.memref_slice %arg4[%dma_wait3A_772, %dma_wait3A_777] : memref<20x128xi32, #tpu.memory_space<vmem>> -> memref<1x128xi32, #tpu.memory_space<vmem>>
      %dma_wait3A_779 = tpu.memref_squeeze %dma_wait3A_778 : memref<1x128xi32, #tpu.memory_space<vmem>> -> memref<128xi32, #tpu.memory_space<vmem>>
      %dma_wait3A_780 = tpu.memref_slice %arg2[%mul3A_705] : memref<104857600xf32, #tpu.memory_space<hbm>> -> memref<65536xf32, #tpu.memory_space<hbm>>
      %dma_wait3A_781 = arith.constant 0 : i32
      %dma_wait3A_782 = tpu.memref_slice %dma_wait3A_780[%dma_wait3A_781] : memref<65536xf32, #tpu.memory_space<hbm>> -> memref<65536xf32, #tpu.memory_space<hbm>>
      tpu.wait_indirect_dma semaphore(%arg8 : memref<!tpu.dma_semaphore, #tpu.memory_space<semaphore_mem>>) src(%dma_wait3A_782 : memref<65536xf32, #tpu.memory_space<hbm>>) dst(%dma_wait3A_776 : memref<128xf32, #tpu.memory_space<vmem>>)
      %dma_wait3A_783 = arith.constant 7 : i32
      %dma_wait3A_784 = arith.constant 7 : i32
      %dma_wait3A_785 = arith.constant 0 : i32
      %dma_wait3A_786 = tpu.memref_slice %arg6[%dma_wait3A_784, %dma_wait3A_785] : memref<20x128xf32, #tpu.memory_space<vmem>> -> memref<1x128xf32, #tpu.memory_space<vmem>>
      %dma_wait3A_787 = tpu.memref_squeeze %dma_wait3A_786 : memref<1x128xf32, #tpu.memory_space<vmem>> -> memref<128xf32, #tpu.memory_space<vmem>>
      %dma_wait3A_788 = arith.constant 0 : i32
      %dma_wait3A_789 = tpu.memref_slice %arg4[%dma_wait3A_783, %dma_wait3A_788] : memref<20x128xi32, #tpu.memory_space<vmem>> -> memref<1x128xi32, #tpu.memory_space<vmem>>
      %dma_wait3A_790 = tpu.memref_squeeze %dma_wait3A_789 : memref<1x128xi32, #tpu.memory_space<vmem>> -> memref<128xi32, #tpu.memory_space<vmem>>
      %dma_wait3A_791 = tpu.memref_slice %arg2[%mul3A_705] : memref<104857600xf32, #tpu.memory_space<hbm>> -> memref<65536xf32, #tpu.memory_space<hbm>>
      %dma_wait3A_792 = arith.constant 0 : i32
      %dma_wait3A_793 = tpu.memref_slice %dma_wait3A_791[%dma_wait3A_792] : memref<65536xf32, #tpu.memory_space<hbm>> -> memref<65536xf32, #tpu.memory_space<hbm>>
      tpu.wait_indirect_dma semaphore(%arg8 : memref<!tpu.dma_semaphore, #tpu.memory_space<semaphore_mem>>) src(%dma_wait3A_793 : memref<65536xf32, #tpu.memory_space<hbm>>) dst(%dma_wait3A_787 : memref<128xf32, #tpu.memory_space<vmem>>)
      %dma_wait3A_794 = arith.constant 8 : i32
      %dma_wait3A_795 = arith.constant 8 : i32
      %dma_wait3A_796 = arith.constant 0 : i32
      %dma_wait3A_797 = tpu.memref_slice %arg6[%dma_wait3A_795, %dma_wait3A_796] : memref<20x128xf32, #tpu.memory_space<vmem>> -> memref<1x128xf32, #tpu.memory_space<vmem>>
      %dma_wait3A_798 = tpu.memref_squeeze %dma_wait3A_797 : memref<1x128xf32, #tpu.memory_space<vmem>> -> memref<128xf32, #tpu.memory_space<vmem>>
      %dma_wait3A_799 = arith.constant 0 : i32
      %dma_wait3A_800 = tpu.memref_slice %arg4[%dma_wait3A_794, %dma_wait3A_799] : memref<20x128xi32, #tpu.memory_space<vmem>> -> memref<1x128xi32, #tpu.memory_space<vmem>>
      %dma_wait3A_801 = tpu.memref_squeeze %dma_wait3A_800 : memref<1x128xi32, #tpu.memory_space<vmem>> -> memref<128xi32, #tpu.memory_space<vmem>>
      %dma_wait3A_802 = tpu.memref_slice %arg2[%mul3A_705] : memref<104857600xf32, #tpu.memory_space<hbm>> -> memref<65536xf32, #tpu.memory_space<hbm>>
      %dma_wait3A_803 = arith.constant 0 : i32
      %dma_wait3A_804 = tpu.memref_slice %dma_wait3A_802[%dma_wait3A_803] : memref<65536xf32, #tpu.memory_space<hbm>> -> memref<65536xf32, #tpu.memory_space<hbm>>
      tpu.wait_indirect_dma semaphore(%arg8 : memref<!tpu.dma_semaphore, #tpu.memory_space<semaphore_mem>>) src(%dma_wait3A_804 : memref<65536xf32, #tpu.memory_space<hbm>>) dst(%dma_wait3A_798 : memref<128xf32, #tpu.memory_space<vmem>>)
      %dma_wait3A_805 = arith.constant 9 : i32
      %dma_wait3A_806 = arith.constant 9 : i32
      %dma_wait3A_807 = arith.constant 0 : i32
      %dma_wait3A_808 = tpu.memref_slice %arg6[%dma_wait3A_806, %dma_wait3A_807] : memref<20x128xf32, #tpu.memory_space<vmem>> -> memref<1x128xf32, #tpu.memory_space<vmem>>
      %dma_wait3A_809 = tpu.memref_squeeze %dma_wait3A_808 : memref<1x128xf32, #tpu.memory_space<vmem>> -> memref<128xf32, #tpu.memory_space<vmem>>
      %dma_wait3A_810 = arith.constant 0 : i32
      %dma_wait3A_811 = tpu.memref_slice %arg4[%dma_wait3A_805, %dma_wait3A_810] : memref<20x128xi32, #tpu.memory_space<vmem>> -> memref<1x128xi32, #tpu.memory_space<vmem>>
      %dma_wait3A_812 = tpu.memref_squeeze %dma_wait3A_811 : memref<1x128xi32, #tpu.memory_space<vmem>> -> memref<128xi32, #tpu.memory_space<vmem>>
      %dma_wait3A_813 = tpu.memref_slice %arg2[%mul3A_705] : memref<104857600xf32, #tpu.memory_space<hbm>> -> memref<65536xf32, #tpu.memory_space<hbm>>
      %dma_wait3A_814 = arith.constant 0 : i32
      %dma_wait3A_815 = tpu.memref_slice %dma_wait3A_813[%dma_wait3A_814] : memref<65536xf32, #tpu.memory_space<hbm>> -> memref<65536xf32, #tpu.memory_space<hbm>>
      tpu.wait_indirect_dma semaphore(%arg8 : memref<!tpu.dma_semaphore, #tpu.memory_space<semaphore_mem>>) src(%dma_wait3A_815 : memref<65536xf32, #tpu.memory_space<hbm>>) dst(%dma_wait3A_809 : memref<128xf32, #tpu.memory_space<vmem>>)
      %dma_wait3A_816 = arith.constant 10 : i32
      %dma_wait3A_817 = arith.constant 10 : i32
      %dma_wait3A_818 = arith.constant 0 : i32
      %dma_wait3A_819 = tpu.memref_slice %arg6[%dma_wait3A_817, %dma_wait3A_818] : memref<20x128xf32, #tpu.memory_space<vmem>> -> memref<1x128xf32, #tpu.memory_space<vmem>>
      %dma_wait3A_820 = tpu.memref_squeeze %dma_wait3A_819 : memref<1x128xf32, #tpu.memory_space<vmem>> -> memref<128xf32, #tpu.memory_space<vmem>>
      %dma_wait3A_821 = arith.constant 0 : i32
      %dma_wait3A_822 = tpu.memref_slice %arg4[%dma_wait3A_816, %dma_wait3A_821] : memref<20x128xi32, #tpu.memory_space<vmem>> -> memref<1x128xi32, #tpu.memory_space<vmem>>
      %dma_wait3A_823 = tpu.memref_squeeze %dma_wait3A_822 : memref<1x128xi32, #tpu.memory_space<vmem>> -> memref<128xi32, #tpu.memory_space<vmem>>
      %dma_wait3A_824 = tpu.memref_slice %arg2[%mul3A_705] : memref<104857600xf32, #tpu.memory_space<hbm>> -> memref<65536xf32, #tpu.memory_space<hbm>>
      %dma_wait3A_825 = arith.constant 0 : i32
      %dma_wait3A_826 = tpu.memref_slice %dma_wait3A_824[%dma_wait3A_825] : memref<65536xf32, #tpu.memory_space<hbm>> -> memref<65536xf32, #tpu.memory_space<hbm>>
      tpu.wait_indirect_dma semaphore(%arg8 : memref<!tpu.dma_semaphore, #tpu.memory_space<semaphore_mem>>) src(%dma_wait3A_826 : memref<65536xf32, #tpu.memory_space<hbm>>) dst(%dma_wait3A_820 : memref<128xf32, #tpu.memory_space<vmem>>)
      %dma_wait3A_827 = arith.constant 11 : i32
      %dma_wait3A_828 = arith.constant 11 : i32
      %dma_wait3A_829 = arith.constant 0 : i32
      %dma_wait3A_830 = tpu.memref_slice %arg6[%dma_wait3A_828, %dma_wait3A_829] : memref<20x128xf32, #tpu.memory_space<vmem>> -> memref<1x128xf32, #tpu.memory_space<vmem>>
      %dma_wait3A_831 = tpu.memref_squeeze %dma_wait3A_830 : memref<1x128xf32, #tpu.memory_space<vmem>> -> memref<128xf32, #tpu.memory_space<vmem>>
      %dma_wait3A_832 = arith.constant 0 : i32
      %dma_wait3A_833 = tpu.memref_slice %arg4[%dma_wait3A_827, %dma_wait3A_832] : memref<20x128xi32, #tpu.memory_space<vmem>> -> memref<1x128xi32, #tpu.memory_space<vmem>>
      %dma_wait3A_834 = tpu.memref_squeeze %dma_wait3A_833 : memref<1x128xi32, #tpu.memory_space<vmem>> -> memref<128xi32, #tpu.memory_space<vmem>>
      %dma_wait3A_835 = tpu.memref_slice %arg2[%mul3A_705] : memref<104857600xf32, #tpu.memory_space<hbm>> -> memref<65536xf32, #tpu.memory_space<hbm>>
      %dma_wait3A_836 = arith.constant 0 : i32
      %dma_wait3A_837 = tpu.memref_slice %dma_wait3A_835[%dma_wait3A_836] : memref<65536xf32, #tpu.memory_space<hbm>> -> memref<65536xf32, #tpu.memory_space<hbm>>
      tpu.wait_indirect_dma semaphore(%arg8 : memref<!tpu.dma_semaphore, #tpu.memory_space<semaphore_mem>>) src(%dma_wait3A_837 : memref<65536xf32, #tpu.memory_space<hbm>>) dst(%dma_wait3A_831 : memref<128xf32, #tpu.memory_space<vmem>>)
      %dma_wait3A_838 = arith.constant 12 : i32
      %dma_wait3A_839 = arith.constant 12 : i32
      %dma_wait3A_840 = arith.constant 0 : i32
      %dma_wait3A_841 = tpu.memref_slice %arg6[%dma_wait3A_839, %dma_wait3A_840] : memref<20x128xf32, #tpu.memory_space<vmem>> -> memref<1x128xf32, #tpu.memory_space<vmem>>
      %dma_wait3A_842 = tpu.memref_squeeze %dma_wait3A_841 : memref<1x128xf32, #tpu.memory_space<vmem>> -> memref<128xf32, #tpu.memory_space<vmem>>
      %dma_wait3A_843 = arith.constant 0 : i32
      %dma_wait3A_844 = tpu.memref_slice %arg4[%dma_wait3A_838, %dma_wait3A_843] : memref<20x128xi32, #tpu.memory_space<vmem>> -> memref<1x128xi32, #tpu.memory_space<vmem>>
      %dma_wait3A_845 = tpu.memref_squeeze %dma_wait3A_844 : memref<1x128xi32, #tpu.memory_space<vmem>> -> memref<128xi32, #tpu.memory_space<vmem>>
      %dma_wait3A_846 = tpu.memref_slice %arg2[%mul3A_705] : memref<104857600xf32, #tpu.memory_space<hbm>> -> memref<65536xf32, #tpu.memory_space<hbm>>
      %dma_wait3A_847 = arith.constant 0 : i32
      %dma_wait3A_848 = tpu.memref_slice %dma_wait3A_846[%dma_wait3A_847] : memref<65536xf32, #tpu.memory_space<hbm>> -> memref<65536xf32, #tpu.memory_space<hbm>>
      tpu.wait_indirect_dma semaphore(%arg8 : memref<!tpu.dma_semaphore, #tpu.memory_space<semaphore_mem>>) src(%dma_wait3A_848 : memref<65536xf32, #tpu.memory_space<hbm>>) dst(%dma_wait3A_842 : memref<128xf32, #tpu.memory_space<vmem>>)
      %dma_wait3A_849 = arith.constant 13 : i32
      %dma_wait3A_850 = arith.constant 13 : i32
      %dma_wait3A_851 = arith.constant 0 : i32
      %dma_wait3A_852 = tpu.memref_slice %arg6[%dma_wait3A_850, %dma_wait3A_851] : memref<20x128xf32, #tpu.memory_space<vmem>> -> memref<1x128xf32, #tpu.memory_space<vmem>>
      %dma_wait3A_853 = tpu.memref_squeeze %dma_wait3A_852 : memref<1x128xf32, #tpu.memory_space<vmem>> -> memref<128xf32, #tpu.memory_space<vmem>>
      %dma_wait3A_854 = arith.constant 0 : i32
      %dma_wait3A_855 = tpu.memref_slice %arg4[%dma_wait3A_849, %dma_wait3A_854] : memref<20x128xi32, #tpu.memory_space<vmem>> -> memref<1x128xi32, #tpu.memory_space<vmem>>
      %dma_wait3A_856 = tpu.memref_squeeze %dma_wait3A_855 : memref<1x128xi32, #tpu.memory_space<vmem>> -> memref<128xi32, #tpu.memory_space<vmem>>
      %dma_wait3A_857 = tpu.memref_slice %arg2[%mul3A_705] : memref<104857600xf32, #tpu.memory_space<hbm>> -> memref<65536xf32, #tpu.memory_space<hbm>>
      %dma_wait3A_858 = arith.constant 0 : i32
      %dma_wait3A_859 = tpu.memref_slice %dma_wait3A_857[%dma_wait3A_858] : memref<65536xf32, #tpu.memory_space<hbm>> -> memref<65536xf32, #tpu.memory_space<hbm>>
      tpu.wait_indirect_dma semaphore(%arg8 : memref<!tpu.dma_semaphore, #tpu.memory_space<semaphore_mem>>) src(%dma_wait3A_859 : memref<65536xf32, #tpu.memory_space<hbm>>) dst(%dma_wait3A_853 : memref<128xf32, #tpu.memory_space<vmem>>)
      %dma_wait3A_860 = arith.constant 14 : i32
      %dma_wait3A_861 = arith.constant 14 : i32
      %dma_wait3A_862 = arith.constant 0 : i32
      %dma_wait3A_863 = tpu.memref_slice %arg6[%dma_wait3A_861, %dma_wait3A_862] : memref<20x128xf32, #tpu.memory_space<vmem>> -> memref<1x128xf32, #tpu.memory_space<vmem>>
      %dma_wait3A_864 = tpu.memref_squeeze %dma_wait3A_863 : memref<1x128xf32, #tpu.memory_space<vmem>> -> memref<128xf32, #tpu.memory_space<vmem>>
      %dma_wait3A_865 = arith.constant 0 : i32
      %dma_wait3A_866 = tpu.memref_slice %arg4[%dma_wait3A_860, %dma_wait3A_865] : memref<20x128xi32, #tpu.memory_space<vmem>> -> memref<1x128xi32, #tpu.memory_space<vmem>>
      %dma_wait3A_867 = tpu.memref_squeeze %dma_wait3A_866 : memref<1x128xi32, #tpu.memory_space<vmem>> -> memref<128xi32, #tpu.memory_space<vmem>>
      %dma_wait3A_868 = tpu.memref_slice %arg2[%mul3A_705] : memref<104857600xf32, #tpu.memory_space<hbm>> -> memref<65536xf32, #tpu.memory_space<hbm>>
      %dma_wait3A_869 = arith.constant 0 : i32
      %dma_wait3A_870 = tpu.memref_slice %dma_wait3A_868[%dma_wait3A_869] : memref<65536xf32, #tpu.memory_space<hbm>> -> memref<65536xf32, #tpu.memory_space<hbm>>
      tpu.wait_indirect_dma semaphore(%arg8 : memref<!tpu.dma_semaphore, #tpu.memory_space<semaphore_mem>>) src(%dma_wait3A_870 : memref<65536xf32, #tpu.memory_space<hbm>>) dst(%dma_wait3A_864 : memref<128xf32, #tpu.memory_space<vmem>>)
      %dma_wait3A_871 = arith.constant 15 : i32
      %dma_wait3A_872 = arith.constant 15 : i32
      %dma_wait3A_873 = arith.constant 0 : i32
      %dma_wait3A_874 = tpu.memref_slice %arg6[%dma_wait3A_872, %dma_wait3A_873] : memref<20x128xf32, #tpu.memory_space<vmem>> -> memref<1x128xf32, #tpu.memory_space<vmem>>
      %dma_wait3A_875 = tpu.memref_squeeze %dma_wait3A_874 : memref<1x128xf32, #tpu.memory_space<vmem>> -> memref<128xf32, #tpu.memory_space<vmem>>
      %dma_wait3A_876 = arith.constant 0 : i32
      %dma_wait3A_877 = tpu.memref_slice %arg4[%dma_wait3A_871, %dma_wait3A_876] : memref<20x128xi32, #tpu.memory_space<vmem>> -> memref<1x128xi32, #tpu.memory_space<vmem>>
      %dma_wait3A_878 = tpu.memref_squeeze %dma_wait3A_877 : memref<1x128xi32, #tpu.memory_space<vmem>> -> memref<128xi32, #tpu.memory_space<vmem>>
      %dma_wait3A_879 = tpu.memref_slice %arg2[%mul3A_705] : memref<104857600xf32, #tpu.memory_space<hbm>> -> memref<65536xf32, #tpu.memory_space<hbm>>
      %dma_wait3A_880 = arith.constant 0 : i32
      %dma_wait3A_881 = tpu.memref_slice %dma_wait3A_879[%dma_wait3A_880] : memref<65536xf32, #tpu.memory_space<hbm>> -> memref<65536xf32, #tpu.memory_space<hbm>>
      tpu.wait_indirect_dma semaphore(%arg8 : memref<!tpu.dma_semaphore, #tpu.memory_space<semaphore_mem>>) src(%dma_wait3A_881 : memref<65536xf32, #tpu.memory_space<hbm>>) dst(%dma_wait3A_875 : memref<128xf32, #tpu.memory_space<vmem>>)
      %dma_wait3A_882 = arith.constant 16 : i32
      %dma_wait3A_883 = arith.constant 16 : i32
      %dma_wait3A_884 = arith.constant 0 : i32
      %dma_wait3A_885 = tpu.memref_slice %arg6[%dma_wait3A_883, %dma_wait3A_884] : memref<20x128xf32, #tpu.memory_space<vmem>> -> memref<1x128xf32, #tpu.memory_space<vmem>>
      %dma_wait3A_886 = tpu.memref_squeeze %dma_wait3A_885 : memref<1x128xf32, #tpu.memory_space<vmem>> -> memref<128xf32, #tpu.memory_space<vmem>>
      %dma_wait3A_887 = arith.constant 0 : i32
      %dma_wait3A_888 = tpu.memref_slice %arg4[%dma_wait3A_882, %dma_wait3A_887] : memref<20x128xi32, #tpu.memory_space<vmem>> -> memref<1x128xi32, #tpu.memory_space<vmem>>
      %dma_wait3A_889 = tpu.memref_squeeze %dma_wait3A_888 : memref<1x128xi32, #tpu.memory_space<vmem>> -> memref<128xi32, #tpu.memory_space<vmem>>
      %dma_wait3A_890 = tpu.memref_slice %arg2[%mul3A_705] : memref<104857600xf32, #tpu.memory_space<hbm>> -> memref<65536xf32, #tpu.memory_space<hbm>>
      %dma_wait3A_891 = arith.constant 0 : i32
      %dma_wait3A_892 = tpu.memref_slice %dma_wait3A_890[%dma_wait3A_891] : memref<65536xf32, #tpu.memory_space<hbm>> -> memref<65536xf32, #tpu.memory_space<hbm>>
      tpu.wait_indirect_dma semaphore(%arg8 : memref<!tpu.dma_semaphore, #tpu.memory_space<semaphore_mem>>) src(%dma_wait3A_892 : memref<65536xf32, #tpu.memory_space<hbm>>) dst(%dma_wait3A_886 : memref<128xf32, #tpu.memory_space<vmem>>)
      %dma_wait3A_893 = arith.constant 17 : i32
      %dma_wait3A_894 = arith.constant 17 : i32
      %dma_wait3A_895 = arith.constant 0 : i32
      %dma_wait3A_896 = tpu.memref_slice %arg6[%dma_wait3A_894, %dma_wait3A_895] : memref<20x128xf32, #tpu.memory_space<vmem>> -> memref<1x128xf32, #tpu.memory_space<vmem>>
      %dma_wait3A_897 = tpu.memref_squeeze %dma_wait3A_896 : memref<1x128xf32, #tpu.memory_space<vmem>> -> memref<128xf32, #tpu.memory_space<vmem>>
      %dma_wait3A_898 = arith.constant 0 : i32
      %dma_wait3A_899 = tpu.memref_slice %arg4[%dma_wait3A_893, %dma_wait3A_898] : memref<20x128xi32, #tpu.memory_space<vmem>> -> memref<1x128xi32, #tpu.memory_space<vmem>>
      %dma_wait3A_900 = tpu.memref_squeeze %dma_wait3A_899 : memref<1x128xi32, #tpu.memory_space<vmem>> -> memref<128xi32, #tpu.memory_space<vmem>>
      %dma_wait3A_901 = tpu.memref_slice %arg2[%mul3A_705] : memref<104857600xf32, #tpu.memory_space<hbm>> -> memref<65536xf32, #tpu.memory_space<hbm>>
      %dma_wait3A_902 = arith.constant 0 : i32
      %dma_wait3A_903 = tpu.memref_slice %dma_wait3A_901[%dma_wait3A_902] : memref<65536xf32, #tpu.memory_space<hbm>> -> memref<65536xf32, #tpu.memory_space<hbm>>
      tpu.wait_indirect_dma semaphore(%arg8 : memref<!tpu.dma_semaphore, #tpu.memory_space<semaphore_mem>>) src(%dma_wait3A_903 : memref<65536xf32, #tpu.memory_space<hbm>>) dst(%dma_wait3A_897 : memref<128xf32, #tpu.memory_space<vmem>>)
      %dma_wait3A_904 = arith.constant 18 : i32
      %dma_wait3A_905 = arith.constant 18 : i32
      %dma_wait3A_906 = arith.constant 0 : i32
      %dma_wait3A_907 = tpu.memref_slice %arg6[%dma_wait3A_905, %dma_wait3A_906] : memref<20x128xf32, #tpu.memory_space<vmem>> -> memref<1x128xf32, #tpu.memory_space<vmem>>
      %dma_wait3A_908 = tpu.memref_squeeze %dma_wait3A_907 : memref<1x128xf32, #tpu.memory_space<vmem>> -> memref<128xf32, #tpu.memory_space<vmem>>
      %dma_wait3A_909 = arith.constant 0 : i32
      %dma_wait3A_910 = tpu.memref_slice %arg4[%dma_wait3A_904, %dma_wait3A_909] : memref<20x128xi32, #tpu.memory_space<vmem>> -> memref<1x128xi32, #tpu.memory_space<vmem>>
      %dma_wait3A_911 = tpu.memref_squeeze %dma_wait3A_910 : memref<1x128xi32, #tpu.memory_space<vmem>> -> memref<128xi32, #tpu.memory_space<vmem>>
      %dma_wait3A_912 = tpu.memref_slice %arg2[%mul3A_705] : memref<104857600xf32, #tpu.memory_space<hbm>> -> memref<65536xf32, #tpu.memory_space<hbm>>
      %dma_wait3A_913 = arith.constant 0 : i32
      %dma_wait3A_914 = tpu.memref_slice %dma_wait3A_912[%dma_wait3A_913] : memref<65536xf32, #tpu.memory_space<hbm>> -> memref<65536xf32, #tpu.memory_space<hbm>>
      tpu.wait_indirect_dma semaphore(%arg8 : memref<!tpu.dma_semaphore, #tpu.memory_space<semaphore_mem>>) src(%dma_wait3A_914 : memref<65536xf32, #tpu.memory_space<hbm>>) dst(%dma_wait3A_908 : memref<128xf32, #tpu.memory_space<vmem>>)
      %dma_wait3A_915 = arith.constant 19 : i32
      %dma_wait3A_916 = arith.constant 19 : i32
      %dma_wait3A_917 = arith.constant 0 : i32
      %dma_wait3A_918 = tpu.memref_slice %arg6[%dma_wait3A_916, %dma_wait3A_917] : memref<20x128xf32, #tpu.memory_space<vmem>> -> memref<1x128xf32, #tpu.memory_space<vmem>>
      %dma_wait3A_919 = tpu.memref_squeeze %dma_wait3A_918 : memref<1x128xf32, #tpu.memory_space<vmem>> -> memref<128xf32, #tpu.memory_space<vmem>>
      %dma_wait3A_920 = arith.constant 0 : i32
      %dma_wait3A_921 = tpu.memref_slice %arg4[%dma_wait3A_915, %dma_wait3A_920] : memref<20x128xi32, #tpu.memory_space<vmem>> -> memref<1x128xi32, #tpu.memory_space<vmem>>
      %dma_wait3A_922 = tpu.memref_squeeze %dma_wait3A_921 : memref<1x128xi32, #tpu.memory_space<vmem>> -> memref<128xi32, #tpu.memory_space<vmem>>
      %dma_wait3A_923 = tpu.memref_slice %arg2[%mul3A_705] : memref<104857600xf32, #tpu.memory_space<hbm>> -> memref<65536xf32, #tpu.memory_space<hbm>>
      %dma_wait3A_924 = arith.constant 0 : i32
      %dma_wait3A_925 = tpu.memref_slice %dma_wait3A_923[%dma_wait3A_924] : memref<65536xf32, #tpu.memory_space<hbm>> -> memref<65536xf32, #tpu.memory_space<hbm>>
      tpu.wait_indirect_dma semaphore(%arg8 : memref<!tpu.dma_semaphore, #tpu.memory_space<semaphore_mem>>) src(%dma_wait3A_925 : memref<65536xf32, #tpu.memory_space<hbm>>) dst(%dma_wait3A_919 : memref<128xf32, #tpu.memory_space<vmem>>)
      %mul3A_926 = arith.constant 1000 : i32
      %mul3A_927 = arith.muli %add3A, %mul3A_926 : i32
      %mul3A_928 = arith.constant 20 : i32
      %mul3A_929 = arith.muli %add3A_467, %mul3A_928 : i32
      %add3A_930 = arith.addi %mul3A_927, %mul3A_929 : i32
      "tpu.region"() ({
        %run_scoped3A = tpu.sem_alloc : memref<!tpu.dma_semaphore, #tpu.memory_space<semaphore_mem>>
        %dma_start3A_938 = arith.constant 0 : i32
        %dma_start3A_939 = tpu.memref_slice %arg3[%add3A_930, %dma_start3A_938] : memref<32000x128xf32, #tpu.memory_space<hbm>> -> memref<20x128xf32, #tpu.memory_space<hbm>>
        %dma_start3A_940 = arith.constant 0 : i32
        %dma_start3A_941 = tpu.memref_slice %arg3[%add3A_930, %dma_start3A_940] : memref<32000x128xf32, #tpu.memory_space<hbm>> -> memref<20x128xf32, #tpu.memory_space<hbm>>
        tpu.enqueue_dma source(%arg6 : memref<20x128xf32, #tpu.memory_space<vmem>>) target(%dma_start3A_941 : memref<20x128xf32, #tpu.memory_space<hbm>>) target_semaphore(%run_scoped3A : memref<!tpu.dma_semaphore, #tpu.memory_space<semaphore_mem>>)
        %dma_wait3A_942 = arith.constant 0 : i32
        %dma_wait3A_943 = tpu.memref_slice %arg3[%add3A_930, %dma_wait3A_942] : memref<32000x128xf32, #tpu.memory_space<hbm>> -> memref<20x128xf32, #tpu.memory_space<hbm>>
        %dma_wait3A_944 = arith.constant 0 : i32
        %dma_wait3A_945 = tpu.memref_slice %arg3[%add3A_930, %dma_wait3A_944] : memref<32000x128xf32, #tpu.memory_space<hbm>> -> memref<20x128xf32, #tpu.memory_space<hbm>>
        tpu.wait_dma2 semaphore(%run_scoped3A : memref<!tpu.dma_semaphore, #tpu.memory_space<semaphore_mem>>) src(%arg6 : memref<20x128xf32, #tpu.memory_space<vmem>>) dst(%dma_wait3A_945 : memref<20x128xf32, #tpu.memory_space<hbm>>)
        tpu.yield
      }) : () -> ()
      %add3A_931 = arith.constant 2 : i32
      %add3A_932 = arith.addi %add3A_467, %add3A_931 : i32
      %lt3A_933 = arith.constant 50 : i32
      %lt3A_934 = arith.cmpi slt, %add3A_932, %lt3A_933 : i32
      %convert_element_type3A_935 = arith.extui %lt3A_934 : i1 to i32
      %cond3A_936 = arith.constant 0 : i32
      %cond3A_937 = arith.cmpi ne, %convert_element_type3A_935, %cond3A_936 : i32
      scf.if %cond3A_937 {
        %add3A_938 = arith.constant 2 : i32
        %add3A_939 = arith.addi %add3A_467, %add3A_938 : i32
        %mul3A_940 = arith.constant 512 : i32
        %mul3A_941 = arith.muli %add3A_939, %mul3A_940 : i32
        %add3A_942 = arith.addi %mul3A_2, %mul3A_941 : i32
        %mul3A_943 = arith.constant 128 : i32
        %mul3A_944 = arith.muli %add3A_942, %mul3A_943 : i32
        %dma_start3A_945 = arith.constant 0 : i32
        %dma_start3A_946 = arith.constant 0 : i32
        %dma_start3A_947 = arith.constant 0 : i32
        %dma_start3A_948 = tpu.memref_slice %arg6[%dma_start3A_946, %dma_start3A_947] : memref<20x128xf32, #tpu.memory_space<vmem>> -> memref<1x128xf32, #tpu.memory_space<vmem>>
        %dma_start3A_949 = tpu.memref_squeeze %dma_start3A_948 : memref<1x128xf32, #tpu.memory_space<vmem>> -> memref<128xf32, #tpu.memory_space<vmem>>
        %dma_start3A_950 = arith.constant 0 : i32
        %dma_start3A_951 = tpu.memref_slice %arg4[%dma_start3A_945, %dma_start3A_950] : memref<20x128xi32, #tpu.memory_space<vmem>> -> memref<1x128xi32, #tpu.memory_space<vmem>>
        %dma_start3A_952 = tpu.memref_squeeze %dma_start3A_951 : memref<1x128xi32, #tpu.memory_space<vmem>> -> memref<128xi32, #tpu.memory_space<vmem>>
        %dma_start3A_953 = tpu.memref_slice %arg2[%mul3A_944] : memref<104857600xf32, #tpu.memory_space<hbm>> -> memref<65536xf32, #tpu.memory_space<hbm>>
        %dma_start3A_954 = arith.constant 0 : i32
        %dma_start3A_955 = tpu.memref_slice %dma_start3A_953[%dma_start3A_954] : memref<65536xf32, #tpu.memory_space<hbm>> -> memref<65536xf32, #tpu.memory_space<hbm>>
        tpu.enqueue_indirect_dma source(%dma_start3A_955 : memref<65536xf32, #tpu.memory_space<hbm>>) target(%dma_start3A_949 : memref<128xf32, #tpu.memory_space<vmem>>) offsets(%dma_start3A_952 : memref<128xi32, #tpu.memory_space<vmem>>) semaphore(%arg8 : memref<!tpu.dma_semaphore, #tpu.memory_space<semaphore_mem>>)
        %dma_start3A_956 = arith.constant 1 : i32
        %dma_start3A_957 = arith.constant 1 : i32
        %dma_start3A_958 = arith.constant 0 : i32
        %dma_start3A_959 = tpu.memref_slice %arg6[%dma_start3A_957, %dma_start3A_958] : memref<20x128xf32, #tpu.memory_space<vmem>> -> memref<1x128xf32, #tpu.memory_space<vmem>>
        %dma_start3A_960 = tpu.memref_squeeze %dma_start3A_959 : memref<1x128xf32, #tpu.memory_space<vmem>> -> memref<128xf32, #tpu.memory_space<vmem>>
        %dma_start3A_961 = arith.constant 0 : i32
        %dma_start3A_962 = tpu.memref_slice %arg4[%dma_start3A_956, %dma_start3A_961] : memref<20x128xi32, #tpu.memory_space<vmem>> -> memref<1x128xi32, #tpu.memory_space<vmem>>
        %dma_start3A_963 = tpu.memref_squeeze %dma_start3A_962 : memref<1x128xi32, #tpu.memory_space<vmem>> -> memref<128xi32, #tpu.memory_space<vmem>>
        %dma_start3A_964 = tpu.memref_slice %arg2[%mul3A_944] : memref<104857600xf32, #tpu.memory_space<hbm>> -> memref<65536xf32, #tpu.memory_space<hbm>>
        %dma_start3A_965 = arith.constant 0 : i32
        %dma_start3A_966 = tpu.memref_slice %dma_start3A_964[%dma_start3A_965] : memref<65536xf32, #tpu.memory_space<hbm>> -> memref<65536xf32, #tpu.memory_space<hbm>>
        tpu.enqueue_indirect_dma source(%dma_start3A_966 : memref<65536xf32, #tpu.memory_space<hbm>>) target(%dma_start3A_960 : memref<128xf32, #tpu.memory_space<vmem>>) offsets(%dma_start3A_963 : memref<128xi32, #tpu.memory_space<vmem>>) semaphore(%arg8 : memref<!tpu.dma_semaphore, #tpu.memory_space<semaphore_mem>>)
        %dma_start3A_967 = arith.constant 2 : i32
        %dma_start3A_968 = arith.constant 2 : i32
        %dma_start3A_969 = arith.constant 0 : i32
        %dma_start3A_970 = tpu.memref_slice %arg6[%dma_start3A_968, %dma_start3A_969] : memref<20x128xf32, #tpu.memory_space<vmem>> -> memref<1x128xf32, #tpu.memory_space<vmem>>
        %dma_start3A_971 = tpu.memref_squeeze %dma_start3A_970 : memref<1x128xf32, #tpu.memory_space<vmem>> -> memref<128xf32, #tpu.memory_space<vmem>>
        %dma_start3A_972 = arith.constant 0 : i32
        %dma_start3A_973 = tpu.memref_slice %arg4[%dma_start3A_967, %dma_start3A_972] : memref<20x128xi32, #tpu.memory_space<vmem>> -> memref<1x128xi32, #tpu.memory_space<vmem>>
        %dma_start3A_974 = tpu.memref_squeeze %dma_start3A_973 : memref<1x128xi32, #tpu.memory_space<vmem>> -> memref<128xi32, #tpu.memory_space<vmem>>
        %dma_start3A_975 = tpu.memref_slice %arg2[%mul3A_944] : memref<104857600xf32, #tpu.memory_space<hbm>> -> memref<65536xf32, #tpu.memory_space<hbm>>
        %dma_start3A_976 = arith.constant 0 : i32
        %dma_start3A_977 = tpu.memref_slice %dma_start3A_975[%dma_start3A_976] : memref<65536xf32, #tpu.memory_space<hbm>> -> memref<65536xf32, #tpu.memory_space<hbm>>
        tpu.enqueue_indirect_dma source(%dma_start3A_977 : memref<65536xf32, #tpu.memory_space<hbm>>) target(%dma_start3A_971 : memref<128xf32, #tpu.memory_space<vmem>>) offsets(%dma_start3A_974 : memref<128xi32, #tpu.memory_space<vmem>>) semaphore(%arg8 : memref<!tpu.dma_semaphore, #tpu.memory_space<semaphore_mem>>)
        %dma_start3A_978 = arith.constant 3 : i32
        %dma_start3A_979 = arith.constant 3 : i32
        %dma_start3A_980 = arith.constant 0 : i32
        %dma_start3A_981 = tpu.memref_slice %arg6[%dma_start3A_979, %dma_start3A_980] : memref<20x128xf32, #tpu.memory_space<vmem>> -> memref<1x128xf32, #tpu.memory_space<vmem>>
        %dma_start3A_982 = tpu.memref_squeeze %dma_start3A_981 : memref<1x128xf32, #tpu.memory_space<vmem>> -> memref<128xf32, #tpu.memory_space<vmem>>
        %dma_start3A_983 = arith.constant 0 : i32
        %dma_start3A_984 = tpu.memref_slice %arg4[%dma_start3A_978, %dma_start3A_983] : memref<20x128xi32, #tpu.memory_space<vmem>> -> memref<1x128xi32, #tpu.memory_space<vmem>>
        %dma_start3A_985 = tpu.memref_squeeze %dma_start3A_984 : memref<1x128xi32, #tpu.memory_space<vmem>> -> memref<128xi32, #tpu.memory_space<vmem>>
        %dma_start3A_986 = tpu.memref_slice %arg2[%mul3A_944] : memref<104857600xf32, #tpu.memory_space<hbm>> -> memref<65536xf32, #tpu.memory_space<hbm>>
        %dma_start3A_987 = arith.constant 0 : i32
        %dma_start3A_988 = tpu.memref_slice %dma_start3A_986[%dma_start3A_987] : memref<65536xf32, #tpu.memory_space<hbm>> -> memref<65536xf32, #tpu.memory_space<hbm>>
        tpu.enqueue_indirect_dma source(%dma_start3A_988 : memref<65536xf32, #tpu.memory_space<hbm>>) target(%dma_start3A_982 : memref<128xf32, #tpu.memory_space<vmem>>) offsets(%dma_start3A_985 : memref<128xi32, #tpu.memory_space<vmem>>) semaphore(%arg8 : memref<!tpu.dma_semaphore, #tpu.memory_space<semaphore_mem>>)
        %dma_start3A_989 = arith.constant 4 : i32
        %dma_start3A_990 = arith.constant 4 : i32
        %dma_start3A_991 = arith.constant 0 : i32
        %dma_start3A_992 = tpu.memref_slice %arg6[%dma_start3A_990, %dma_start3A_991] : memref<20x128xf32, #tpu.memory_space<vmem>> -> memref<1x128xf32, #tpu.memory_space<vmem>>
        %dma_start3A_993 = tpu.memref_squeeze %dma_start3A_992 : memref<1x128xf32, #tpu.memory_space<vmem>> -> memref<128xf32, #tpu.memory_space<vmem>>
        %dma_start3A_994 = arith.constant 0 : i32
        %dma_start3A_995 = tpu.memref_slice %arg4[%dma_start3A_989, %dma_start3A_994] : memref<20x128xi32, #tpu.memory_space<vmem>> -> memref<1x128xi32, #tpu.memory_space<vmem>>
        %dma_start3A_996 = tpu.memref_squeeze %dma_start3A_995 : memref<1x128xi32, #tpu.memory_space<vmem>> -> memref<128xi32, #tpu.memory_space<vmem>>
        %dma_start3A_997 = tpu.memref_slice %arg2[%mul3A_944] : memref<104857600xf32, #tpu.memory_space<hbm>> -> memref<65536xf32, #tpu.memory_space<hbm>>
        %dma_start3A_998 = arith.constant 0 : i32
        %dma_start3A_999 = tpu.memref_slice %dma_start3A_997[%dma_start3A_998] : memref<65536xf32, #tpu.memory_space<hbm>> -> memref<65536xf32, #tpu.memory_space<hbm>>
        tpu.enqueue_indirect_dma source(%dma_start3A_999 : memref<65536xf32, #tpu.memory_space<hbm>>) target(%dma_start3A_993 : memref<128xf32, #tpu.memory_space<vmem>>) offsets(%dma_start3A_996 : memref<128xi32, #tpu.memory_space<vmem>>) semaphore(%arg8 : memref<!tpu.dma_semaphore, #tpu.memory_space<semaphore_mem>>)
        %dma_start3A_1000 = arith.constant 5 : i32
        %dma_start3A_1001 = arith.constant 5 : i32
        %dma_start3A_1002 = arith.constant 0 : i32
        %dma_start3A_1003 = tpu.memref_slice %arg6[%dma_start3A_1001, %dma_start3A_1002] : memref<20x128xf32, #tpu.memory_space<vmem>> -> memref<1x128xf32, #tpu.memory_space<vmem>>
        %dma_start3A_1004 = tpu.memref_squeeze %dma_start3A_1003 : memref<1x128xf32, #tpu.memory_space<vmem>> -> memref<128xf32, #tpu.memory_space<vmem>>
        %dma_start3A_1005 = arith.constant 0 : i32
        %dma_start3A_1006 = tpu.memref_slice %arg4[%dma_start3A_1000, %dma_start3A_1005] : memref<20x128xi32, #tpu.memory_space<vmem>> -> memref<1x128xi32, #tpu.memory_space<vmem>>
        %dma_start3A_1007 = tpu.memref_squeeze %dma_start3A_1006 : memref<1x128xi32, #tpu.memory_space<vmem>> -> memref<128xi32, #tpu.memory_space<vmem>>
        %dma_start3A_1008 = tpu.memref_slice %arg2[%mul3A_944] : memref<104857600xf32, #tpu.memory_space<hbm>> -> memref<65536xf32, #tpu.memory_space<hbm>>
        %dma_start3A_1009 = arith.constant 0 : i32
        %dma_start3A_1010 = tpu.memref_slice %dma_start3A_1008[%dma_start3A_1009] : memref<65536xf32, #tpu.memory_space<hbm>> -> memref<65536xf32, #tpu.memory_space<hbm>>
        tpu.enqueue_indirect_dma source(%dma_start3A_1010 : memref<65536xf32, #tpu.memory_space<hbm>>) target(%dma_start3A_1004 : memref<128xf32, #tpu.memory_space<vmem>>) offsets(%dma_start3A_1007 : memref<128xi32, #tpu.memory_space<vmem>>) semaphore(%arg8 : memref<!tpu.dma_semaphore, #tpu.memory_space<semaphore_mem>>)
        %dma_start3A_1011 = arith.constant 6 : i32
        %dma_start3A_1012 = arith.constant 6 : i32
        %dma_start3A_1013 = arith.constant 0 : i32
        %dma_start3A_1014 = tpu.memref_slice %arg6[%dma_start3A_1012, %dma_start3A_1013] : memref<20x128xf32, #tpu.memory_space<vmem>> -> memref<1x128xf32, #tpu.memory_space<vmem>>
        %dma_start3A_1015 = tpu.memref_squeeze %dma_start3A_1014 : memref<1x128xf32, #tpu.memory_space<vmem>> -> memref<128xf32, #tpu.memory_space<vmem>>
        %dma_start3A_1016 = arith.constant 0 : i32
        %dma_start3A_1017 = tpu.memref_slice %arg4[%dma_start3A_1011, %dma_start3A_1016] : memref<20x128xi32, #tpu.memory_space<vmem>> -> memref<1x128xi32, #tpu.memory_space<vmem>>
        %dma_start3A_1018 = tpu.memref_squeeze %dma_start3A_1017 : memref<1x128xi32, #tpu.memory_space<vmem>> -> memref<128xi32, #tpu.memory_space<vmem>>
        %dma_start3A_1019 = tpu.memref_slice %arg2[%mul3A_944] : memref<104857600xf32, #tpu.memory_space<hbm>> -> memref<65536xf32, #tpu.memory_space<hbm>>
        %dma_start3A_1020 = arith.constant 0 : i32
        %dma_start3A_1021 = tpu.memref_slice %dma_start3A_1019[%dma_start3A_1020] : memref<65536xf32, #tpu.memory_space<hbm>> -> memref<65536xf32, #tpu.memory_space<hbm>>
        tpu.enqueue_indirect_dma source(%dma_start3A_1021 : memref<65536xf32, #tpu.memory_space<hbm>>) target(%dma_start3A_1015 : memref<128xf32, #tpu.memory_space<vmem>>) offsets(%dma_start3A_1018 : memref<128xi32, #tpu.memory_space<vmem>>) semaphore(%arg8 : memref<!tpu.dma_semaphore, #tpu.memory_space<semaphore_mem>>)
        %dma_start3A_1022 = arith.constant 7 : i32
        %dma_start3A_1023 = arith.constant 7 : i32
        %dma_start3A_1024 = arith.constant 0 : i32
        %dma_start3A_1025 = tpu.memref_slice %arg6[%dma_start3A_1023, %dma_start3A_1024] : memref<20x128xf32, #tpu.memory_space<vmem>> -> memref<1x128xf32, #tpu.memory_space<vmem>>
        %dma_start3A_1026 = tpu.memref_squeeze %dma_start3A_1025 : memref<1x128xf32, #tpu.memory_space<vmem>> -> memref<128xf32, #tpu.memory_space<vmem>>
        %dma_start3A_1027 = arith.constant 0 : i32
        %dma_start3A_1028 = tpu.memref_slice %arg4[%dma_start3A_1022, %dma_start3A_1027] : memref<20x128xi32, #tpu.memory_space<vmem>> -> memref<1x128xi32, #tpu.memory_space<vmem>>
        %dma_start3A_1029 = tpu.memref_squeeze %dma_start3A_1028 : memref<1x128xi32, #tpu.memory_space<vmem>> -> memref<128xi32, #tpu.memory_space<vmem>>
        %dma_start3A_1030 = tpu.memref_slice %arg2[%mul3A_944] : memref<104857600xf32, #tpu.memory_space<hbm>> -> memref<65536xf32, #tpu.memory_space<hbm>>
        %dma_start3A_1031 = arith.constant 0 : i32
        %dma_start3A_1032 = tpu.memref_slice %dma_start3A_1030[%dma_start3A_1031] : memref<65536xf32, #tpu.memory_space<hbm>> -> memref<65536xf32, #tpu.memory_space<hbm>>
        tpu.enqueue_indirect_dma source(%dma_start3A_1032 : memref<65536xf32, #tpu.memory_space<hbm>>) target(%dma_start3A_1026 : memref<128xf32, #tpu.memory_space<vmem>>) offsets(%dma_start3A_1029 : memref<128xi32, #tpu.memory_space<vmem>>) semaphore(%arg8 : memref<!tpu.dma_semaphore, #tpu.memory_space<semaphore_mem>>)
        %dma_start3A_1033 = arith.constant 8 : i32
        %dma_start3A_1034 = arith.constant 8 : i32
        %dma_start3A_1035 = arith.constant 0 : i32
        %dma_start3A_1036 = tpu.memref_slice %arg6[%dma_start3A_1034, %dma_start3A_1035] : memref<20x128xf32, #tpu.memory_space<vmem>> -> memref<1x128xf32, #tpu.memory_space<vmem>>
        %dma_start3A_1037 = tpu.memref_squeeze %dma_start3A_1036 : memref<1x128xf32, #tpu.memory_space<vmem>> -> memref<128xf32, #tpu.memory_space<vmem>>
        %dma_start3A_1038 = arith.constant 0 : i32
        %dma_start3A_1039 = tpu.memref_slice %arg4[%dma_start3A_1033, %dma_start3A_1038] : memref<20x128xi32, #tpu.memory_space<vmem>> -> memref<1x128xi32, #tpu.memory_space<vmem>>
        %dma_start3A_1040 = tpu.memref_squeeze %dma_start3A_1039 : memref<1x128xi32, #tpu.memory_space<vmem>> -> memref<128xi32, #tpu.memory_space<vmem>>
        %dma_start3A_1041 = tpu.memref_slice %arg2[%mul3A_944] : memref<104857600xf32, #tpu.memory_space<hbm>> -> memref<65536xf32, #tpu.memory_space<hbm>>
        %dma_start3A_1042 = arith.constant 0 : i32
        %dma_start3A_1043 = tpu.memref_slice %dma_start3A_1041[%dma_start3A_1042] : memref<65536xf32, #tpu.memory_space<hbm>> -> memref<65536xf32, #tpu.memory_space<hbm>>
        tpu.enqueue_indirect_dma source(%dma_start3A_1043 : memref<65536xf32, #tpu.memory_space<hbm>>) target(%dma_start3A_1037 : memref<128xf32, #tpu.memory_space<vmem>>) offsets(%dma_start3A_1040 : memref<128xi32, #tpu.memory_space<vmem>>) semaphore(%arg8 : memref<!tpu.dma_semaphore, #tpu.memory_space<semaphore_mem>>)
        %dma_start3A_1044 = arith.constant 9 : i32
        %dma_start3A_1045 = arith.constant 9 : i32
        %dma_start3A_1046 = arith.constant 0 : i32
        %dma_start3A_1047 = tpu.memref_slice %arg6[%dma_start3A_1045, %dma_start3A_1046] : memref<20x128xf32, #tpu.memory_space<vmem>> -> memref<1x128xf32, #tpu.memory_space<vmem>>
        %dma_start3A_1048 = tpu.memref_squeeze %dma_start3A_1047 : memref<1x128xf32, #tpu.memory_space<vmem>> -> memref<128xf32, #tpu.memory_space<vmem>>
        %dma_start3A_1049 = arith.constant 0 : i32
        %dma_start3A_1050 = tpu.memref_slice %arg4[%dma_start3A_1044, %dma_start3A_1049] : memref<20x128xi32, #tpu.memory_space<vmem>> -> memref<1x128xi32, #tpu.memory_space<vmem>>
        %dma_start3A_1051 = tpu.memref_squeeze %dma_start3A_1050 : memref<1x128xi32, #tpu.memory_space<vmem>> -> memref<128xi32, #tpu.memory_space<vmem>>
        %dma_start3A_1052 = tpu.memref_slice %arg2[%mul3A_944] : memref<104857600xf32, #tpu.memory_space<hbm>> -> memref<65536xf32, #tpu.memory_space<hbm>>
        %dma_start3A_1053 = arith.constant 0 : i32
        %dma_start3A_1054 = tpu.memref_slice %dma_start3A_1052[%dma_start3A_1053] : memref<65536xf32, #tpu.memory_space<hbm>> -> memref<65536xf32, #tpu.memory_space<hbm>>
        tpu.enqueue_indirect_dma source(%dma_start3A_1054 : memref<65536xf32, #tpu.memory_space<hbm>>) target(%dma_start3A_1048 : memref<128xf32, #tpu.memory_space<vmem>>) offsets(%dma_start3A_1051 : memref<128xi32, #tpu.memory_space<vmem>>) semaphore(%arg8 : memref<!tpu.dma_semaphore, #tpu.memory_space<semaphore_mem>>)
        %dma_start3A_1055 = arith.constant 10 : i32
        %dma_start3A_1056 = arith.constant 10 : i32
        %dma_start3A_1057 = arith.constant 0 : i32
        %dma_start3A_1058 = tpu.memref_slice %arg6[%dma_start3A_1056, %dma_start3A_1057] : memref<20x128xf32, #tpu.memory_space<vmem>> -> memref<1x128xf32, #tpu.memory_space<vmem>>
        %dma_start3A_1059 = tpu.memref_squeeze %dma_start3A_1058 : memref<1x128xf32, #tpu.memory_space<vmem>> -> memref<128xf32, #tpu.memory_space<vmem>>
        %dma_start3A_1060 = arith.constant 0 : i32
        %dma_start3A_1061 = tpu.memref_slice %arg4[%dma_start3A_1055, %dma_start3A_1060] : memref<20x128xi32, #tpu.memory_space<vmem>> -> memref<1x128xi32, #tpu.memory_space<vmem>>
        %dma_start3A_1062 = tpu.memref_squeeze %dma_start3A_1061 : memref<1x128xi32, #tpu.memory_space<vmem>> -> memref<128xi32, #tpu.memory_space<vmem>>
        %dma_start3A_1063 = tpu.memref_slice %arg2[%mul3A_944] : memref<104857600xf32, #tpu.memory_space<hbm>> -> memref<65536xf32, #tpu.memory_space<hbm>>
        %dma_start3A_1064 = arith.constant 0 : i32
        %dma_start3A_1065 = tpu.memref_slice %dma_start3A_1063[%dma_start3A_1064] : memref<65536xf32, #tpu.memory_space<hbm>> -> memref<65536xf32, #tpu.memory_space<hbm>>
        tpu.enqueue_indirect_dma source(%dma_start3A_1065 : memref<65536xf32, #tpu.memory_space<hbm>>) target(%dma_start3A_1059 : memref<128xf32, #tpu.memory_space<vmem>>) offsets(%dma_start3A_1062 : memref<128xi32, #tpu.memory_space<vmem>>) semaphore(%arg8 : memref<!tpu.dma_semaphore, #tpu.memory_space<semaphore_mem>>)
        %dma_start3A_1066 = arith.constant 11 : i32
        %dma_start3A_1067 = arith.constant 11 : i32
        %dma_start3A_1068 = arith.constant 0 : i32
        %dma_start3A_1069 = tpu.memref_slice %arg6[%dma_start3A_1067, %dma_start3A_1068] : memref<20x128xf32, #tpu.memory_space<vmem>> -> memref<1x128xf32, #tpu.memory_space<vmem>>
        %dma_start3A_1070 = tpu.memref_squeeze %dma_start3A_1069 : memref<1x128xf32, #tpu.memory_space<vmem>> -> memref<128xf32, #tpu.memory_space<vmem>>
        %dma_start3A_1071 = arith.constant 0 : i32
        %dma_start3A_1072 = tpu.memref_slice %arg4[%dma_start3A_1066, %dma_start3A_1071] : memref<20x128xi32, #tpu.memory_space<vmem>> -> memref<1x128xi32, #tpu.memory_space<vmem>>
        %dma_start3A_1073 = tpu.memref_squeeze %dma_start3A_1072 : memref<1x128xi32, #tpu.memory_space<vmem>> -> memref<128xi32, #tpu.memory_space<vmem>>
        %dma_start3A_1074 = tpu.memref_slice %arg2[%mul3A_944] : memref<104857600xf32, #tpu.memory_space<hbm>> -> memref<65536xf32, #tpu.memory_space<hbm>>
        %dma_start3A_1075 = arith.constant 0 : i32
        %dma_start3A_1076 = tpu.memref_slice %dma_start3A_1074[%dma_start3A_1075] : memref<65536xf32, #tpu.memory_space<hbm>> -> memref<65536xf32, #tpu.memory_space<hbm>>
        tpu.enqueue_indirect_dma source(%dma_start3A_1076 : memref<65536xf32, #tpu.memory_space<hbm>>) target(%dma_start3A_1070 : memref<128xf32, #tpu.memory_space<vmem>>) offsets(%dma_start3A_1073 : memref<128xi32, #tpu.memory_space<vmem>>) semaphore(%arg8 : memref<!tpu.dma_semaphore, #tpu.memory_space<semaphore_mem>>)
        %dma_start3A_1077 = arith.constant 12 : i32
        %dma_start3A_1078 = arith.constant 12 : i32
        %dma_start3A_1079 = arith.constant 0 : i32
        %dma_start3A_1080 = tpu.memref_slice %arg6[%dma_start3A_1078, %dma_start3A_1079] : memref<20x128xf32, #tpu.memory_space<vmem>> -> memref<1x128xf32, #tpu.memory_space<vmem>>
        %dma_start3A_1081 = tpu.memref_squeeze %dma_start3A_1080 : memref<1x128xf32, #tpu.memory_space<vmem>> -> memref<128xf32, #tpu.memory_space<vmem>>
        %dma_start3A_1082 = arith.constant 0 : i32
        %dma_start3A_1083 = tpu.memref_slice %arg4[%dma_start3A_1077, %dma_start3A_1082] : memref<20x128xi32, #tpu.memory_space<vmem>> -> memref<1x128xi32, #tpu.memory_space<vmem>>
        %dma_start3A_1084 = tpu.memref_squeeze %dma_start3A_1083 : memref<1x128xi32, #tpu.memory_space<vmem>> -> memref<128xi32, #tpu.memory_space<vmem>>
        %dma_start3A_1085 = tpu.memref_slice %arg2[%mul3A_944] : memref<104857600xf32, #tpu.memory_space<hbm>> -> memref<65536xf32, #tpu.memory_space<hbm>>
        %dma_start3A_1086 = arith.constant 0 : i32
        %dma_start3A_1087 = tpu.memref_slice %dma_start3A_1085[%dma_start3A_1086] : memref<65536xf32, #tpu.memory_space<hbm>> -> memref<65536xf32, #tpu.memory_space<hbm>>
        tpu.enqueue_indirect_dma source(%dma_start3A_1087 : memref<65536xf32, #tpu.memory_space<hbm>>) target(%dma_start3A_1081 : memref<128xf32, #tpu.memory_space<vmem>>) offsets(%dma_start3A_1084 : memref<128xi32, #tpu.memory_space<vmem>>) semaphore(%arg8 : memref<!tpu.dma_semaphore, #tpu.memory_space<semaphore_mem>>)
        %dma_start3A_1088 = arith.constant 13 : i32
        %dma_start3A_1089 = arith.constant 13 : i32
        %dma_start3A_1090 = arith.constant 0 : i32
        %dma_start3A_1091 = tpu.memref_slice %arg6[%dma_start3A_1089, %dma_start3A_1090] : memref<20x128xf32, #tpu.memory_space<vmem>> -> memref<1x128xf32, #tpu.memory_space<vmem>>
        %dma_start3A_1092 = tpu.memref_squeeze %dma_start3A_1091 : memref<1x128xf32, #tpu.memory_space<vmem>> -> memref<128xf32, #tpu.memory_space<vmem>>
        %dma_start3A_1093 = arith.constant 0 : i32
        %dma_start3A_1094 = tpu.memref_slice %arg4[%dma_start3A_1088, %dma_start3A_1093] : memref<20x128xi32, #tpu.memory_space<vmem>> -> memref<1x128xi32, #tpu.memory_space<vmem>>
        %dma_start3A_1095 = tpu.memref_squeeze %dma_start3A_1094 : memref<1x128xi32, #tpu.memory_space<vmem>> -> memref<128xi32, #tpu.memory_space<vmem>>
        %dma_start3A_1096 = tpu.memref_slice %arg2[%mul3A_944] : memref<104857600xf32, #tpu.memory_space<hbm>> -> memref<65536xf32, #tpu.memory_space<hbm>>
        %dma_start3A_1097 = arith.constant 0 : i32
        %dma_start3A_1098 = tpu.memref_slice %dma_start3A_1096[%dma_start3A_1097] : memref<65536xf32, #tpu.memory_space<hbm>> -> memref<65536xf32, #tpu.memory_space<hbm>>
        tpu.enqueue_indirect_dma source(%dma_start3A_1098 : memref<65536xf32, #tpu.memory_space<hbm>>) target(%dma_start3A_1092 : memref<128xf32, #tpu.memory_space<vmem>>) offsets(%dma_start3A_1095 : memref<128xi32, #tpu.memory_space<vmem>>) semaphore(%arg8 : memref<!tpu.dma_semaphore, #tpu.memory_space<semaphore_mem>>)
        %dma_start3A_1099 = arith.constant 14 : i32
        %dma_start3A_1100 = arith.constant 14 : i32
        %dma_start3A_1101 = arith.constant 0 : i32
        %dma_start3A_1102 = tpu.memref_slice %arg6[%dma_start3A_1100, %dma_start3A_1101] : memref<20x128xf32, #tpu.memory_space<vmem>> -> memref<1x128xf32, #tpu.memory_space<vmem>>
        %dma_start3A_1103 = tpu.memref_squeeze %dma_start3A_1102 : memref<1x128xf32, #tpu.memory_space<vmem>> -> memref<128xf32, #tpu.memory_space<vmem>>
        %dma_start3A_1104 = arith.constant 0 : i32
        %dma_start3A_1105 = tpu.memref_slice %arg4[%dma_start3A_1099, %dma_start3A_1104] : memref<20x128xi32, #tpu.memory_space<vmem>> -> memref<1x128xi32, #tpu.memory_space<vmem>>
        %dma_start3A_1106 = tpu.memref_squeeze %dma_start3A_1105 : memref<1x128xi32, #tpu.memory_space<vmem>> -> memref<128xi32, #tpu.memory_space<vmem>>
        %dma_start3A_1107 = tpu.memref_slice %arg2[%mul3A_944] : memref<104857600xf32, #tpu.memory_space<hbm>> -> memref<65536xf32, #tpu.memory_space<hbm>>
        %dma_start3A_1108 = arith.constant 0 : i32
        %dma_start3A_1109 = tpu.memref_slice %dma_start3A_1107[%dma_start3A_1108] : memref<65536xf32, #tpu.memory_space<hbm>> -> memref<65536xf32, #tpu.memory_space<hbm>>
        tpu.enqueue_indirect_dma source(%dma_start3A_1109 : memref<65536xf32, #tpu.memory_space<hbm>>) target(%dma_start3A_1103 : memref<128xf32, #tpu.memory_space<vmem>>) offsets(%dma_start3A_1106 : memref<128xi32, #tpu.memory_space<vmem>>) semaphore(%arg8 : memref<!tpu.dma_semaphore, #tpu.memory_space<semaphore_mem>>)
        %dma_start3A_1110 = arith.constant 15 : i32
        %dma_start3A_1111 = arith.constant 15 : i32
        %dma_start3A_1112 = arith.constant 0 : i32
        %dma_start3A_1113 = tpu.memref_slice %arg6[%dma_start3A_1111, %dma_start3A_1112] : memref<20x128xf32, #tpu.memory_space<vmem>> -> memref<1x128xf32, #tpu.memory_space<vmem>>
        %dma_start3A_1114 = tpu.memref_squeeze %dma_start3A_1113 : memref<1x128xf32, #tpu.memory_space<vmem>> -> memref<128xf32, #tpu.memory_space<vmem>>
        %dma_start3A_1115 = arith.constant 0 : i32
        %dma_start3A_1116 = tpu.memref_slice %arg4[%dma_start3A_1110, %dma_start3A_1115] : memref<20x128xi32, #tpu.memory_space<vmem>> -> memref<1x128xi32, #tpu.memory_space<vmem>>
        %dma_start3A_1117 = tpu.memref_squeeze %dma_start3A_1116 : memref<1x128xi32, #tpu.memory_space<vmem>> -> memref<128xi32, #tpu.memory_space<vmem>>
        %dma_start3A_1118 = tpu.memref_slice %arg2[%mul3A_944] : memref<104857600xf32, #tpu.memory_space<hbm>> -> memref<65536xf32, #tpu.memory_space<hbm>>
        %dma_start3A_1119 = arith.constant 0 : i32
        %dma_start3A_1120 = tpu.memref_slice %dma_start3A_1118[%dma_start3A_1119] : memref<65536xf32, #tpu.memory_space<hbm>> -> memref<65536xf32, #tpu.memory_space<hbm>>
        tpu.enqueue_indirect_dma source(%dma_start3A_1120 : memref<65536xf32, #tpu.memory_space<hbm>>) target(%dma_start3A_1114 : memref<128xf32, #tpu.memory_space<vmem>>) offsets(%dma_start3A_1117 : memref<128xi32, #tpu.memory_space<vmem>>) semaphore(%arg8 : memref<!tpu.dma_semaphore, #tpu.memory_space<semaphore_mem>>)
        %dma_start3A_1121 = arith.constant 16 : i32
        %dma_start3A_1122 = arith.constant 16 : i32
        %dma_start3A_1123 = arith.constant 0 : i32
        %dma_start3A_1124 = tpu.memref_slice %arg6[%dma_start3A_1122, %dma_start3A_1123] : memref<20x128xf32, #tpu.memory_space<vmem>> -> memref<1x128xf32, #tpu.memory_space<vmem>>
        %dma_start3A_1125 = tpu.memref_squeeze %dma_start3A_1124 : memref<1x128xf32, #tpu.memory_space<vmem>> -> memref<128xf32, #tpu.memory_space<vmem>>
        %dma_start3A_1126 = arith.constant 0 : i32
        %dma_start3A_1127 = tpu.memref_slice %arg4[%dma_start3A_1121, %dma_start3A_1126] : memref<20x128xi32, #tpu.memory_space<vmem>> -> memref<1x128xi32, #tpu.memory_space<vmem>>
        %dma_start3A_1128 = tpu.memref_squeeze %dma_start3A_1127 : memref<1x128xi32, #tpu.memory_space<vmem>> -> memref<128xi32, #tpu.memory_space<vmem>>
        %dma_start3A_1129 = tpu.memref_slice %arg2[%mul3A_944] : memref<104857600xf32, #tpu.memory_space<hbm>> -> memref<65536xf32, #tpu.memory_space<hbm>>
        %dma_start3A_1130 = arith.constant 0 : i32
        %dma_start3A_1131 = tpu.memref_slice %dma_start3A_1129[%dma_start3A_1130] : memref<65536xf32, #tpu.memory_space<hbm>> -> memref<65536xf32, #tpu.memory_space<hbm>>
        tpu.enqueue_indirect_dma source(%dma_start3A_1131 : memref<65536xf32, #tpu.memory_space<hbm>>) target(%dma_start3A_1125 : memref<128xf32, #tpu.memory_space<vmem>>) offsets(%dma_start3A_1128 : memref<128xi32, #tpu.memory_space<vmem>>) semaphore(%arg8 : memref<!tpu.dma_semaphore, #tpu.memory_space<semaphore_mem>>)
        %dma_start3A_1132 = arith.constant 17 : i32
        %dma_start3A_1133 = arith.constant 17 : i32
        %dma_start3A_1134 = arith.constant 0 : i32
        %dma_start3A_1135 = tpu.memref_slice %arg6[%dma_start3A_1133, %dma_start3A_1134] : memref<20x128xf32, #tpu.memory_space<vmem>> -> memref<1x128xf32, #tpu.memory_space<vmem>>
        %dma_start3A_1136 = tpu.memref_squeeze %dma_start3A_1135 : memref<1x128xf32, #tpu.memory_space<vmem>> -> memref<128xf32, #tpu.memory_space<vmem>>
        %dma_start3A_1137 = arith.constant 0 : i32
        %dma_start3A_1138 = tpu.memref_slice %arg4[%dma_start3A_1132, %dma_start3A_1137] : memref<20x128xi32, #tpu.memory_space<vmem>> -> memref<1x128xi32, #tpu.memory_space<vmem>>
        %dma_start3A_1139 = tpu.memref_squeeze %dma_start3A_1138 : memref<1x128xi32, #tpu.memory_space<vmem>> -> memref<128xi32, #tpu.memory_space<vmem>>
        %dma_start3A_1140 = tpu.memref_slice %arg2[%mul3A_944] : memref<104857600xf32, #tpu.memory_space<hbm>> -> memref<65536xf32, #tpu.memory_space<hbm>>
        %dma_start3A_1141 = arith.constant 0 : i32
        %dma_start3A_1142 = tpu.memref_slice %dma_start3A_1140[%dma_start3A_1141] : memref<65536xf32, #tpu.memory_space<hbm>> -> memref<65536xf32, #tpu.memory_space<hbm>>
        tpu.enqueue_indirect_dma source(%dma_start3A_1142 : memref<65536xf32, #tpu.memory_space<hbm>>) target(%dma_start3A_1136 : memref<128xf32, #tpu.memory_space<vmem>>) offsets(%dma_start3A_1139 : memref<128xi32, #tpu.memory_space<vmem>>) semaphore(%arg8 : memref<!tpu.dma_semaphore, #tpu.memory_space<semaphore_mem>>)
        %dma_start3A_1143 = arith.constant 18 : i32
        %dma_start3A_1144 = arith.constant 18 : i32
        %dma_start3A_1145 = arith.constant 0 : i32
        %dma_start3A_1146 = tpu.memref_slice %arg6[%dma_start3A_1144, %dma_start3A_1145] : memref<20x128xf32, #tpu.memory_space<vmem>> -> memref<1x128xf32, #tpu.memory_space<vmem>>
        %dma_start3A_1147 = tpu.memref_squeeze %dma_start3A_1146 : memref<1x128xf32, #tpu.memory_space<vmem>> -> memref<128xf32, #tpu.memory_space<vmem>>
        %dma_start3A_1148 = arith.constant 0 : i32
        %dma_start3A_1149 = tpu.memref_slice %arg4[%dma_start3A_1143, %dma_start3A_1148] : memref<20x128xi32, #tpu.memory_space<vmem>> -> memref<1x128xi32, #tpu.memory_space<vmem>>
        %dma_start3A_1150 = tpu.memref_squeeze %dma_start3A_1149 : memref<1x128xi32, #tpu.memory_space<vmem>> -> memref<128xi32, #tpu.memory_space<vmem>>
        %dma_start3A_1151 = tpu.memref_slice %arg2[%mul3A_944] : memref<104857600xf32, #tpu.memory_space<hbm>> -> memref<65536xf32, #tpu.memory_space<hbm>>
        %dma_start3A_1152 = arith.constant 0 : i32
        %dma_start3A_1153 = tpu.memref_slice %dma_start3A_1151[%dma_start3A_1152] : memref<65536xf32, #tpu.memory_space<hbm>> -> memref<65536xf32, #tpu.memory_space<hbm>>
        tpu.enqueue_indirect_dma source(%dma_start3A_1153 : memref<65536xf32, #tpu.memory_space<hbm>>) target(%dma_start3A_1147 : memref<128xf32, #tpu.memory_space<vmem>>) offsets(%dma_start3A_1150 : memref<128xi32, #tpu.memory_space<vmem>>) semaphore(%arg8 : memref<!tpu.dma_semaphore, #tpu.memory_space<semaphore_mem>>)
        %dma_start3A_1154 = arith.constant 19 : i32
        %dma_start3A_1155 = arith.constant 19 : i32
        %dma_start3A_1156 = arith.constant 0 : i32
        %dma_start3A_1157 = tpu.memref_slice %arg6[%dma_start3A_1155, %dma_start3A_1156] : memref<20x128xf32, #tpu.memory_space<vmem>> -> memref<1x128xf32, #tpu.memory_space<vmem>>
        %dma_start3A_1158 = tpu.memref_squeeze %dma_start3A_1157 : memref<1x128xf32, #tpu.memory_space<vmem>> -> memref<128xf32, #tpu.memory_space<vmem>>
        %dma_start3A_1159 = arith.constant 0 : i32
        %dma_start3A_1160 = tpu.memref_slice %arg4[%dma_start3A_1154, %dma_start3A_1159] : memref<20x128xi32, #tpu.memory_space<vmem>> -> memref<1x128xi32, #tpu.memory_space<vmem>>
        %dma_start3A_1161 = tpu.memref_squeeze %dma_start3A_1160 : memref<1x128xi32, #tpu.memory_space<vmem>> -> memref<128xi32, #tpu.memory_space<vmem>>
        %dma_start3A_1162 = tpu.memref_slice %arg2[%mul3A_944] : memref<104857600xf32, #tpu.memory_space<hbm>> -> memref<65536xf32, #tpu.memory_space<hbm>>
        %dma_start3A_1163 = arith.constant 0 : i32
        %dma_start3A_1164 = tpu.memref_slice %dma_start3A_1162[%dma_start3A_1163] : memref<65536xf32, #tpu.memory_space<hbm>> -> memref<65536xf32, #tpu.memory_space<hbm>>
        tpu.enqueue_indirect_dma source(%dma_start3A_1164 : memref<65536xf32, #tpu.memory_space<hbm>>) target(%dma_start3A_1158 : memref<128xf32, #tpu.memory_space<vmem>>) offsets(%dma_start3A_1161 : memref<128xi32, #tpu.memory_space<vmem>>) semaphore(%arg8 : memref<!tpu.dma_semaphore, #tpu.memory_space<semaphore_mem>>)
      } else {
      }
    }
    %scan3A_460 = arith.constant 25 : i32
    return
  }
}

</mosaic_0001>

<sc_bundles>
// kernel: kernel.3.cloned.1.call-start
scs
__scs_entry_jumppad:
0x0: {  	(pc) =	sbr.rel $0x88, $3  }
0x1: {  	(tag) =	ssettag $0x0;
	lr =	simm.s32 $0x1  }
0x2: {  	[smem:$0x3FA0] =	sst lr;
	_ =	strace $0xD0000000  }
0x3: {  	_ = 	snop  }
0x4: {  	_ = 	snop  }
0x5: {  	_ = 	snop  }
0x6: {  	_ = 	snop  }
0x7: {  	_ = 	snop  }
__scs_overlays_trampoline_lowered:
0x8: {  	[smem:$0x3FAF] =	sst s0  }
0x9: {  	[smem:$0x3FB0] =	sst s1  }
0xa: {  	[smem:$0x3FB1] =	sst s2  }
0xb: {  	[smem:$0x3FB2] =	sst s3  }
0xc: {  	[smem:$0x3FB3] =	sst s4  }
0xd: {  	[smem:$0x3FB4] =	sst s5  }
0xe: {  	[smem:$0x3FB5] =	sst s6  }
0xf: {  	[smem:$0x3FB6] =	sst s7  }
0x10: {  	[smem:$0x3FB7] =	sst s8  }
0x11: {  	[smem:$0x3FB8] =	sst s9;
	s0 =	simm.s32 @!p0 $0x0  }
0x12: {  	s1 =	sld [smem:$0x3F9E];
	s0 =	simm.s32 @p0 $0x1  }
0x13: {  	[smem:$0x3FB9] =	sst s0;
	s0 =	simm.s32 @!p1 $0x0  }
0x14: {  	s2 =	sld [smem:$0x3F9D];
	s0 =	simm.s32 @p1 $0x1  }
0x15: {  	[smem:$0x3FBA] =	sst s0;
	s0 =	simm.s32 @!p2 $0x0  }
0x16: {  	s3 =	sld [smem:$0x3FDB];
	s0 =	simm.s32 @p2 $0x1  }
0x17: {  	s4 =	simm.s32 $0x1BF5;
	[smem:$0x3FBC] =	sst s0  }
0x18: {  	s0 =	sld [smem:$0x3F9F];
	_ =	swait.ge [sflag:s4], $0x0  }
0x19: {  	s7 =	sld [smem:$0x3FA0]  }
0x1a: {  	s8 =	sadd.s32 $0xFFFFE003, lr  }
0x1b: {  	s9 =	sadd.s32 $0xFFFFFEF7, lr;
	s5 =	simm.s32 $0xFFFFFFFF;
	p2 =	slt.u32 s8, $0xFFFFF086  }
0x1c: {  	p1 =	slt.u32 s9, $0xF7A;
	s5 =	simm.s32 @!p2 $0x0  }
0x1d: {  	s5 =	simm.s32 @p1 $0x1;
	p0 =	seq.s32 s7, s2  }
0x1e: {  	s7 =	smul.u32 @!p0 $0xF7A, s2;
	p2 =	seq.s32 @!p0 s5, $0x0  }
0x1f: {  	s9 =	smul.u32 $0xF7A, s1;
	s8 =	simm.s32 @!p0 $0x1BF5;
	p2 =	por !p2, p0  }
0x20: {  	[sflag:s8] =	ssyncset.s32 @!p0 $0xFFFFF086;
	s6 =	sadd.s32 @!p0 s3, s7;
	s7 =	simm.s32 @!p0 $0x108  }
0x21: {  	s3 =	sadd.s32 s3, s9;
	s6 =	sadd.s32 @!p0 $0x88, s6;
	s7 =	simm.s32 @p2 $0x1082  }
0x22: {  	[simem:s7], [sflag:s8] =	dma.local @!p0 [hbm:s6], $0xF7A  }
0x23: {  	s9 =	sor.u32 $0xD0000000, s2;
	s6 =	simm.s32 $0x108;
	_ =	swait.ge @!p0 [sflag:s8], $0x0  }
0x24: {  	s3 =	sadd.s32 $0x88, s3;
	s6 =	simm.s32 @!p1 $0x1082;
	[sflag:s4] =	ssyncset.s32 $0xFFFFF086  }
0x25: {  	[simem:s6], [sflag:s4] =	dma.local [hbm:s3], $0xF7A  }
0x26: {  	[smem:$0x3FA0] =	sst s1;
	(tag) =	ssettag s2;
	_ =	strace s9  }
0x27: {  	s1 =	sld [smem:$0x3FB0]  }
0x28: {  	s2 =	sld [smem:$0x3FB1]  }
0x29: {  	s4 =	sld [smem:$0x3FB3]  }
0x2a: {  	p0 =	seq.s32 s5, $0x0;
	s5 =	sld [smem:$0x3FB4]  }
0x2b: {  	s6 =	sld [smem:$0x3FB5]  }
0x2c: {  	s7 =	sld [smem:$0x3FB6]  }
0x2d: {  	s3 =	simm.s32 $0x108;
	s8 =	sld [smem:$0x3FB7]  }
0x2e: {  	s3 =	simm.s32 @!p0 $0x1082;
	s9 =	sld [smem:$0x3FB8]  }
0x2f: {  	lr =	sadd.s32 s0, s3;
	s0 =	sld [smem:$0x3FAF]  }
0x30: {  	s3 =	sld [smem:$0x3FB2]  }
0x31: {  	[smem:$0x3FBB] =	sst s10  }
0x32: {  	s10 =	sld [smem:$0x3FB9];
	_ =	sdelay $0x3  }
0x33: {  	p0 =	seq.s32 s10, $0x1;
	s10 =	sld [smem:$0x3FBB];
	_ =	sdelay $0x3  }
0x34: {  	[smem:$0x3FBB] =	sst s10  }
0x35: {  	s10 =	sld [smem:$0x3FBA];
	_ =	sdelay $0x3  }
0x36: {  	p1 =	seq.s32 s10, $0x1;
	s10 =	sld [smem:$0x3FBB];
	_ =	sdelay $0x3  }
0x37: {  	[smem:$0x3FBB] =	sst s10  }
0x38: {  	s10 =	sld [smem:$0x3FBC]  }
0x39: {  	_ = 	snop;
	(pc) =	sbr.ind lr, $3  }
0x3a: {  	_ = 	snop  }
0x3b: {  	_ = 	snop  }
0x3c: {  	p2 =	seq.s32 s10, $0x1;
	s10 =	sld [smem:$0x3FBB]  }
0x3d: {  	_ =	shalt  }
0x3e: {  	_ =	shalt  }
0x3f: {  	_ =	shalt  }
0x40: {  	_ =	shalt  }
0x41: {  	_ =	shalt  }
0x42: {  	_ =	shalt  }
0x43: {  	_ =	shalt  }
0x44: {  	_ =	shalt  }
0x45: {  	_ =	shalt  }
0x46: {  	_ =	shalt  }
0x47: {  	_ =	shalt  }
0x48: {  	_ =	shalt  }
0x49: {  	_ =	shalt  }
0x4a: {  	_ =	shalt  }
0x4b: {  	_ =	shalt  }
0x4c: {  	_ =	shalt  }
0x4d: {  	_ =	shalt  }
0x4e: {  	_ =	shalt  }
0x4f: {  	_ =	shalt  }
0x50: {  	_ =	shalt  }
0x51: {  	_ =	shalt  }
0x52: {  	_ =	shalt  }
0x53: {  	_ =	shalt  }
0x54: {  	_ =	shalt  }
0x55: {  	_ =	shalt  }
0x56: {  	_ =	shalt  }
0x57: {  	_ =	shalt  }
0x58: {  	_ =	shalt  }
0x59: {  	_ =	shalt  }
0x5a: {  	_ =	shalt  }
0x5b: {  	_ =	shalt  }
0x5c: {  	_ =	shalt  }
0x5d: {  	_ =	shalt  }
0x5e: {  	_ =	shalt  }
0x5f: {  	_ =	shalt  }
0x60: {  	_ =	shalt  }
0x61: {  	_ =	shalt  }
0x62: {  	_ =	shalt  }
0x63: {  	_ =	shalt  }
0x64: {  	_ =	shalt  }
0x65: {  	_ =	shalt  }
0x66: {  	_ =	shalt  }
0x67: {  	_ =	shalt  }
0x68: {  	_ =	shalt  }
0x69: {  	_ =	shalt  }
0x6a: {  	_ =	shalt  }
0x6b: {  	_ =	shalt  }
0x6c: {  	_ =	shalt  }
0x6d: {  	_ =	shalt  }
0x6e: {  	_ =	shalt  }
0x6f: {  	_ =	shalt  }
0x70: {  	_ =	shalt  }
0x71: {  	_ =	shalt  }
0x72: {  	_ =	shalt  }
0x73: {  	_ =	shalt  }
0x74: {  	_ =	shalt  }
0x75: {  	_ =	shalt  }
0x76: {  	_ =	shalt  }
0x77: {  	_ =	shalt  }
0x78: {  	_ =	shalt  }
0x79: {  	_ =	shalt  }
0x7a: {  	_ =	shalt  }
0x7b: {  	_ =	shalt  }
0x7c: {  	_ =	shalt  }
0x7d: {  	_ =	shalt  }
0x7e: {  	_ =	shalt  }
0x7f: {  	_ =	shalt  }
0x80: {  	_ =	shalt  }
0x81: {  	_ =	shalt  }
0x82: {  	_ =	shalt  }
0x83: {  	_ =	shalt  }
0x84: {  	_ =	shalt  }
0x85: {  	_ =	shalt  }
0x86: {  	_ =	shalt  }
0x87: {  	_ =	shalt  }
.Lfunc_end0:
.L_simem_size_0:
called_computation_lowered:
.L_overlay_start_0:
0x88: {  	s2 =	sld [smem:$0x3FD9]  }
0x89: {  	s3 =	sld [smem:$0x3FFE];
	_ =	sdelay $0x1  }
0x8a: {  	s1 =	srdreg.scid  }
0x8b: {  	s0 =	sand.u32 $0x1, s1  }
0x8c: {  	s18 =	sshll.u32 s0, $0xA;
	s2 =	sadd.s32 s3, s2  }
0x8d: {  	s2 =	sadd.s32 s2, s18  }
0x8e: {  	[smem:$0x3FC7] =	sst s2  }
0x8f: {  	_ = 	snop  }
0x90: {  	s2 =	sld [smem:$0x3FC9]  }
0x91: {  	s19 =	sld [smem:$0x3FD0];
	(tm) =	ssettm $0x1  }
0x92: {  	s4 =	sld [smem:$0x3FFB];
	_ =	sdelay $0x3  }
0x93: {  	_ =	strace s4  }
0x94: {  	s4 =	sld [smem:$0x3FFC];
	_ =	sdelay $0x3  }
0x95: {  	_ =	strace s4  }
0x96: {  	s4 =	sld [smem:$0x3FFD];
	_ =	sdelay $0x3  }
0x97: {  	_ =	strace s4  }
0x98: {  	_ =	strace $0x8FFFFFFF  }
0x99: {  	s20 =	sld [smem:$0x3FDB];
	_ =	sdelay $0x1  }
0x9a: {  	s5 =	simm.s32 $_scs_section_size  }
0x9b: {  	s6 =	simm.s32 $_size__tile_overlayer_lowered;
	s7 =	simm.s32 $_tile_overlayer_lowered  }
0x9c: {  	s23 =	simm.s32 $0x1BFF;
	s22 =	sshll.u32 s7, $0x1;
	s4 =	sadd.s32 s5, s20  }
0x9d: {  	s8 =	simm.s32 $0x0;
	s21 =	sshll.u32 s6, $0x1;
	s6 =	sadd.s32 s22, s4  }
0x9e: {  	[timem:s8], [sflag:s23] =	dma.local [hbm:s6], s21  }
0x9f: {  	_ =	swait.ge [sflag:s23], s21  }
0xa0: {  	s5 =	ssub.s32 $0x0, s21;
	[sflag:s23] =	ssyncset.done $0x0  }
0xa1: {  	[sflag:s23] =	ssyncadd.s32 s5;
	_ =	sdelay $0x1  }
0xa2: {  	s24 =	simm.s32 $0x1B8B  }
0xa3: {  	_ =	swait.ge [sflag:s24], $0x1  }
0xa4: {  	[sflag:s24] =	ssyncset.done $0x0  }
0xa5: {  	s25 =	simm.s32 $0x1B8E;
	[sflag:s24] =	ssyncadd.s32 $0xFFFFFFFF  }
0xa6: {  	s26 =	simm.s32 $execute0_lowered;
	[smem:$0x3FD2] =	sst s25  }
0xa7: {  	s5 =	sshll.u32 s26, $0x1;
	_ =	strace $0x80000046;
	[dreg:$0x1] =	wrdreg $0xFFFFFFFF  }
0xa8: {  	s28 =	simm.s32 $_size_execute0_lowered;
	s4 =	sadd.s32 s4, s5;
	[dreg:$0x0] =	wrdreg $0x0  }
0xa9: {  	s5 =	sshll.u32 s28, $0x1;
	[dreg:$0x2] =	wrdreg s4  }
0xaa: {  	[dreg:$0x3] =	wrdreg s5  }
0xab: {  	[dreg:$0x4] =	wrdreg $0xC0  }
0xac: {  	_ =	task [dreg:s8], $0x5FFFF  }
0xad: {  	[dreg:$0x1] =	wrdreg $0xFFFFFFFF  }
0xae: {  	[dreg:$0x0] =	wrdreg $0x60  }
0xaf: {  	[dreg:$0x2] =	wrdreg s2  }
0xb0: {  	[dreg:$0x3] =	wrdreg s19  }
0xb1: {  	[dreg:$0x4] =	wrdreg $0x9  }
0xb2: {  	_ =	task.clear_ibuf [dreg:s8], $0x5FFFF;
	_ =	strace $0x90000046  }
0xb3: {  	s29 =	simm.s32 $0x9;
	_ =	strace $0x80000048  }
0xb4: {  	_ =	swait.ge [sflag:s29], $0x1  }
0xb5: {  	[sflag:s29] =	ssyncadd.s32 $0xFFFFFFFF  }
0xb6: {  	_ =	strace $0x90000048  }
0xb7: {  	_ =	sfence  }
0xb8: {  	s30 =	sld [smem:$0x0];
	_ =	sdelay $0x2  }
0xb9: {  	s31 =	sshll.u32 s1, $0xD;
	s1 =	sshrl.u32 s1, $0x2  }
0xba: {  	s3 =	sand.u32 $0x4000, s31;
	s1 =	sadd.s32 s1, s30  }
0xbb: {  	s0 =	sor.u32 s3, s0;
	s1 =	sshll.u32 s1, $0x11  }
0xbc: {  	s0 =	sor.u32 s1, s0  }
0xbd: {  	s0 =	sadd.s32 $0x8F2B, s0  }
0xbe: {  	[sflag:s0] =	ssyncadd.remote.s32 $0x1  }
0xbf: {  	_ =	sfence.sel $0xFFFF  }
0xc0: {  	[dreg:$0x0] =	wrdreg $0xFFFFFFFF;
	(pc) =	sbr.abs _section_cstart, $3  }
0xc1: {  	[dreg:$0x1] =	wrdreg $0xFFFFFFFF  }
0xc2: {  	_ =	task.clear_ibuf [dreg:s8], $0x2FFFF;
	_ =	strace $0x9FFFFFFF  }
0xc3: {  	(tm) =	ssettm $0x7FFFFFFF  }
tec
execute0_lowered:
.L_overlay_start_1:
0x0: {  	(tag) =	ssettag $0x1  }
0x1: {  	s0 =	srdreg.scid;
	s11 =	rddreg [dreg:$0x0]  }
0x2: {  	s10 =	stileid.u32;
	s2 =	rddreg [dreg:$0x1];
	s3 =	simm.s32 $0x0  }
0x3: {  	s30 =	simm.s32 $0x1400;
	s28 =	simm.s32 $0x2;
	s6 =	smul.u32 $0x7D0, s10  }
0x4: {  	s18 =	simm.s32 $0x200;
	s20 =	simm.s32 $0x300;
	s8 =	smul.u32 $0x640000, s10  }
0x5: {  	s29 =	simm.s32 $0x500;
	s0 =	sand.u32 $0x1, s0;
	s23 =	smul.u32 $0x7D00, s10  }
0x6: {  	s31 =	simm.s32 $0x580;
	s1 =	sshll.u32 s10, $0x1;
	s7 =	smul.u32 $0x3E8, s0  }
0x7: {  	s1 =	sor.u32 s0, s1;
	s4 =	ssub.s32 $0x2, s0;
	s22 =	smul.u32 $0x320000, s0  }
0x8: {  	[smem:$0x7FF] =	sst s3;
	s1 =	smul.u32 $0x64000, s1;
	s5 =	sshrl.u32 s4, $0x1  }
0x9: {  	_ =	strace $0x80000047;
	s0 =	smul.u32 $0x3E80, s0;
	s9 =	ssub.s32 s4, s5  }
0xa: {  	s6 =	sadd.s32 s7, s6;
	s21 =	sadd.s32 s11, s1;
	s9 =	smax.u32 s9, $0x1  }
0xb: {  	s6 =	sshll.u32 s6, $0x4;
	s1 =	sadd.s32 s22, s8;
	[dreg:$0x6] =	wrdreg s21  }
0xc: {  	s22 =	simm.s32 $0x380;
	s4 =	sadd.s32 $0x2000, s21;
	[dreg:$0x3] =	wrdreg s9  }
0xd: {  	s6 =	sadd.s32 s2, s6;
	s8 =	sadd.s32 $0x30000, s1;
	s2 =	sadd.s32 s23, s2  }
.Ltmp0:
0xe: {  	s26 =	sadd.s32 $0x20000, s1;
	s21 =	simm.s32 $0x1;
	(pc) =	sbr.rel .LBB2_1-.Ltmp0, $4  }
0xf: {  	[dreg:$0x7] =	wrdreg s4;
	s7 =	sadd.s32 $0x140, s6;
	s24 =	sshrl.u32 s8, $0x3  }
0x10: {  	s8 =	sadd.s32 s0, s2;
	[dreg:$0x5] =	wrdreg s26;
	s6 =	simm.s32 $0x3  }
0x11: {  	s0 =	simm.s32 $0x0;
	s26 =	simm.s32 $0x480;
	s25 =	sadd.s32 s24, s11  }
0x12: {  	v0 =	vlaneseq.u32;
	v1 =	vimm.s32 $0x0;
	s11 =	simm.s32 $0x80;
	s24 =	simm.s32 $0x400;
	[dreg:$0x4] =	wrdreg s25  }
.LBB2_6:
0x13: {  	s0 =	rddreg [dreg:$0x8]  }
0x14: {  	s1 =	rddreg [dreg:$0x3];
	s0 =	sadd.s32 $0x1, s0  }
0x15: {  	p0 =	sne.s32 s0, s1  }
.Ltmp1:
0x16: {  	_ = 	snop;
	(pc) =	sbr.rel @!p0 .LBB2_7-.Ltmp1, $1  }
0x17: {  	_ =	sdelay $0x3  }
.LBB2_1:
0x18: {  	v2 =	vor.u32 s3, v0  }
0x19: {  	v3 =	vmul.u32 $0xCCCD, v2;
	_ =	sdelay $0x1  }
0x1a: {  	v5 =	vshrl.u32 v3, $0x12  }
0x1b: {  	v3 =	vmul.u32 $0xFFFFFFFB, v5;
	_ =	sdelay $0x1  }
0x1c: {  	s1 =	simm.s32 $0x10;
	v4 =	vadd.s32 v2, v3  }
0x1d: {  	v3 =	vor.u32 s1, v0;
	vm0 =	veq.s32 v4, $0x4  }
0x1e: {  	v2 =	vmul.u32 $0xCCCD, v3;
	vm1 =	veq.s32 v4, $0x3;
	v6 =	vsel vm0, $0x63, v1  }
0x1f: {  	vm14 =	veq.s32 v4, $0x2;
	v6 =	vsel vm1, $0x2A, v6  }
0x20: {  	vm15 =	veq.s32 v4, $0x1;
	v2 =	vshrl.u32 v2, $0x12;
	v4 =	vsel vm14, $0x11, v6  }
0x21: {  	[dreg:$0x8] =	wrdreg s0;
	s10 =	simm.s32 $0x20;
	s9 =	simm.s32 $0x0;
	v5 =	vshll.u32 v5, $0x7;
	v6 =	vmul.u32 $0xFFFFFFFB, v2;
	v4 =	vsel vm15, $0x5, v4  }
.LBB2_2:
0x22: {  	p0 =	sne.s32 s10, $0x9F0;
	s2 =	sand.u32 $0xFF0, s9  }
0x23: {  	v7 =	vadd.s32 v3, v6;
	v3 =	vor.u32 s10, v0;
	v4 =	vor.u32 v5, v4;
	s9 =	smov.u32 s1;
	s1 =	smov.u32 s10;
	s10 =	sadd.s32 $0x10, s10  }
.Ltmp2:
0x24: {  	v5 =	vmul.u32 $0xCCCD, v3;
	vm0 =	veq.s32 v7, $0x4;
	[tilespmem:s2+$0x0] =	vst v4;
	(pc) =	sbr.rel @p0 .LBB2_2-.Ltmp2, $4  }
0x25: {  	vm1 =	veq.s32 v7, $0x3;
	v4 =	vsel vm0, $0x63, v1  }
0x26: {  	vm0 =	veq.s32 v7, $0x2;
	v8 =	vshrl.u32 v5, $0x12;
	v4 =	vsel vm1, $0x2A, v4  }
0x27: {  	vm1 =	veq.s32 v7, $0x1;
	v6 =	vmul.u32 $0xFFFFFFFB, v8;
	v4 =	vsel vm0, $0x11, v4  }
0x28: {  	v5 =	vshll.u32 v2, $0x7;
	v2 =	vmov v8;
	v4 =	vsel vm1, $0x5, v4  }
0x29: {  	v3 =	vadd.s32 v3, v6  }
0x2a: {  	vm0 =	veq.s32 v3, $0x4  }
0x2b: {  	vm1 =	veq.s32 v3, $0x3;
	v62 =	vsel vm0, $0x63, v1  }
0x2c: {  	vm14 =	veq.s32 v3, $0x2;
	v6 =	vsel vm1, $0x2A, v62  }
0x2d: {  	vm15 =	veq.s32 v3, $0x1;
	v6 =	vsel vm14, $0x11, v6  }
0x2e: {  	s2 =	sand.u32 $0xFF0, s9;
	v2 =	vshll.u32 v2, $0x7;
	v3 =	vor.u32 v5, v4;
	v63 =	vsel vm15, $0x5, v6  }
0x2f: {  	s1 =	sand.u32 $0xFF0, s1;
	[tilespmem:s2+$0x0] =	vst v3;
	v2 =	vor.u32 v2, v63  }
0x30: {  	s9 =	simm.s32 $0x0;
	s15 =	simm.s32 $0xA00;
	s4 =	rddreg [dreg:$0x6];
	[tilespmem:s1+$0x0] =	vst v2  }
0x31: {  	[tilespmem:s15], [sflag:$0x1] =	stream.indirect.gather [hbm4b:s4+s11], $0x1, s9, s11, $0xb8;
	[tilespmem:$0x1E00] =	vst v63  }
0x32: {  	s16 =	simm.s32 $0xA80  }
0x33: {  	[tilespmem:s16], [sflag:$0x1] =	stream.indirect.gather [hbm4b:s4+s11], $0x1, s11, s11, $0xb8;
	[tilespmem:$0x1E00] =	vst v63  }
0x34: {  	s5 =	simm.s32 $0x100;
	s17 =	simm.s32 $0xB00  }
0x35: {  	[tilespmem:s17], [sflag:$0x1] =	stream.indirect.gather [hbm4b:s4+s11], $0x1, s5, s11, $0xb8;
	[tilespmem:$0x1E00] =	vst v63  }
0x36: {  	s10 =	simm.s32 $0xB80;
	s15 =	simm.s32 $0x180  }
0x37: {  	[tilespmem:s10], [sflag:$0x1] =	stream.indirect.gather [hbm4b:s4+s11], $0x1, s15, s11, $0xb8;
	[tilespmem:$0x1E00] =	vst v63  }
0x38: {  	s12 =	simm.s32 $0xC00;
	s10 =	simm.s32 $0x200  }
0x39: {  	[tilespmem:s12], [sflag:$0x1] =	stream.indirect.gather [hbm4b:s4+s11], $0x1, s10, s11, $0xb8;
	[tilespmem:$0x1E00] =	vst v63  }
0x3a: {  	s13 =	simm.s32 $0xC80;
	s12 =	simm.s32 $0x280  }
0x3b: {  	[tilespmem:s13], [sflag:$0x1] =	stream.indirect.gather [hbm4b:s4+s11], $0x1, s12, s11, $0xb8;
	[tilespmem:$0x1E00] =	vst v63  }
0x3c: {  	s14 =	simm.s32 $0x300;
	s19 =	simm.s32 $0xD00  }
0x3d: {  	[tilespmem:s19], [sflag:$0x1] =	stream.indirect.gather [hbm4b:s4+s11], $0x1, s14, s11, $0xb8;
	[tilespmem:$0x1E00] =	vst v63  }
0x3e: {  	s23 =	simm.s32 $0xD80;
	s17 =	simm.s32 $0x380  }
0x3f: {  	[tilespmem:s23], [sflag:$0x1] =	stream.indirect.gather [hbm4b:s4+s11], $0x1, s17, s11, $0xb8;
	[tilespmem:$0x1E00] =	vst v63  }
0x40: {  	s25 =	simm.s32 $0xE00;
	s16 =	simm.s32 $0x400  }
0x41: {  	[tilespmem:s25], [sflag:$0x1] =	stream.indirect.gather [hbm4b:s4+s11], $0x1, s16, s11, $0xb8;
	[tilespmem:$0x1E00] =	vst v63  }
0x42: {  	s0 =	simm.s32 $0xE80;
	s19 =	simm.s32 $0x480  }
0x43: {  	[tilespmem:s0], [sflag:$0x1] =	stream.indirect.gather [hbm4b:s4+s11], $0x1, s19, s11, $0xb8;
	[tilespmem:$0x1E00] =	vst v63  }
0x44: {  	s1 =	simm.s32 $0xF00;
	s23 =	simm.s32 $0x500  }
0x45: {  	[tilespmem:s1], [sflag:$0x1] =	stream.indirect.gather [hbm4b:s4+s11], $0x1, s23, s11, $0xb8;
	[tilespmem:$0x1E00] =	vst v63  }
0x46: {  	s2 =	simm.s32 $0xF80;
	s25 =	simm.s32 $0x580  }
0x47: {  	[tilespmem:s2], [sflag:$0x1] =	stream.indirect.gather [hbm4b:s4+s11], $0x1, s25, s11, $0xb8;
	[tilespmem:$0x1E00] =	vst v63  }
0x48: {  	s13 =	simm.s32 $0x600;
	s0 =	simm.s32 $0x1000  }
0x49: {  	[tilespmem:s0], [sflag:$0x1] =	stream.indirect.gather [hbm4b:s4+s11], $0x1, s13, s11, $0xb8;
	[tilespmem:$0x1E00] =	vst v63  }
0x4a: {  	s2 =	simm.s32 $0x680;
	s13 =	simm.s32 $0x1080  }
0x4b: {  	[tilespmem:s13], [sflag:$0x1] =	stream.indirect.gather [hbm4b:s4+s11], $0x1, s2, s11, $0xb8;
	[tilespmem:$0x1E00] =	vst v63  }
0x4c: {  	s2 =	simm.s32 $0x700;
	s13 =	simm.s32 $0x1100  }
0x4d: {  	[tilespmem:s13], [sflag:$0x1] =	stream.indirect.gather [hbm4b:s4+s11], $0x1, s2, s11, $0xb8;
	[tilespmem:$0x1E00] =	vst v63  }
0x4e: {  	s2 =	simm.s32 $0x780;
	s13 =	simm.s32 $0x1180  }
0x4f: {  	[tilespmem:s13], [sflag:$0x1] =	stream.indirect.gather [hbm4b:s4+s11], $0x1, s2, s11, $0xb8;
	[tilespmem:$0x1E00] =	vst v63  }
0x50: {  	s2 =	simm.s32 $0x800;
	s13 =	simm.s32 $0x1200  }
0x51: {  	[tilespmem:s13], [sflag:$0x1] =	stream.indirect.gather [hbm4b:s4+s11], $0x1, s2, s11, $0xb8;
	[tilespmem:$0x1E00] =	vst v63  }
0x52: {  	s2 =	simm.s32 $0x880;
	s13 =	simm.s32 $0x1280  }
0x53: {  	[tilespmem:s13], [sflag:$0x1] =	stream.indirect.gather [hbm4b:s4+s11], $0x1, s2, s11, $0xb8;
	[tilespmem:$0x1E00] =	vst v63  }
0x54: {  	s2 =	simm.s32 $0x900;
	s13 =	simm.s32 $0x1300  }
0x55: {  	[tilespmem:s13], [sflag:$0x1] =	stream.indirect.gather [hbm4b:s4+s11], $0x1, s2, s11, $0xb8;
	[tilespmem:$0x1E00] =	vst v63  }
0x56: {  	s1 =	simm.s32 $0x1380;
	s2 =	simm.s32 $0x980  }
0x57: {  	[tilespmem:s1], [sflag:$0x1] =	stream.indirect.gather [hbm4b:s4+s11], $0x1, s2, s11, $0xb8;
	[tilespmem:$0x1E00] =	vst v63  }
0x58: {  	s1 =	rddreg [dreg:$0x7]  }
0x59: {  	[tilespmem:s30], [sflag:$0x2] =	stream.indirect.gather [hbm4b:s1+s11], $0x1, s9, s11, $0xb8;
	[tilespmem:$0x1E00] =	vst v63  }
0x5a: {  	s4 =	simm.s32 $0x1480  }
0x5b: {  	[tilespmem:s4], [sflag:$0x2] =	stream.indirect.gather [hbm4b:s1+s11], $0x1, s11, s11, $0xb8;
	[tilespmem:$0x1E00] =	vst v63  }
0x5c: {  	s13 =	simm.s32 $0x1500  }
0x5d: {  	[tilespmem:s13], [sflag:$0x2] =	stream.indirect.gather [hbm4b:s1+s11], $0x1, s5, s11, $0xb8;
	[tilespmem:$0x1E00] =	vst v63  }
0x5e: {  	s4 =	simm.s32 $0x1580  }
0x5f: {  	[tilespmem:s4], [sflag:$0x2] =	stream.indirect.gather [hbm4b:s1+s11], $0x1, s15, s11, $0xb8;
	[tilespmem:$0x1E00] =	vst v63  }
0x60: {  	s5 =	simm.s32 $0x1600  }
0x61: {  	[tilespmem:s5], [sflag:$0x2] =	stream.indirect.gather [hbm4b:s1+s11], $0x1, s10, s11, $0xb8;
	[tilespmem:$0x1E00] =	vst v63  }
0x62: {  	s10 =	simm.s32 $0x1680  }
0x63: {  	[tilespmem:s10], [sflag:$0x2] =	stream.indirect.gather [hbm4b:s1+s11], $0x1, s12, s11, $0xb8;
	[tilespmem:$0x1E00] =	vst v63  }
0x64: {  	s15 =	simm.s32 $0x1700  }
0x65: {  	[tilespmem:s15], [sflag:$0x2] =	stream.indirect.gather [hbm4b:s1+s11], $0x1, s14, s11, $0xb8;
	[tilespmem:$0x1E00] =	vst v63  }
0x66: {  	s4 =	simm.s32 $0x1780  }
0x67: {  	[tilespmem:s4], [sflag:$0x2] =	stream.indirect.gather [hbm4b:s1+s11], $0x1, s17, s11, $0xb8;
	[tilespmem:$0x1E00] =	vst v63  }
0x68: {  	s5 =	simm.s32 $0x1800  }
0x69: {  	[tilespmem:s5], [sflag:$0x2] =	stream.indirect.gather [hbm4b:s1+s11], $0x1, s16, s11, $0xb8;
	[tilespmem:$0x1E00] =	vst v63  }
0x6a: {  	s10 =	simm.s32 $0x1880  }
0x6b: {  	[tilespmem:s10], [sflag:$0x2] =	stream.indirect.gather [hbm4b:s1+s11], $0x1, s19, s11, $0xb8;
	[tilespmem:$0x1E00] =	vst v63  }
0x6c: {  	s12 =	simm.s32 $0x1900  }
0x6d: {  	[tilespmem:s12], [sflag:$0x2] =	stream.indirect.gather [hbm4b:s1+s11], $0x1, s23, s11, $0xb8;
	[tilespmem:$0x1E00] =	vst v63  }
0x6e: {  	s14 =	simm.s32 $0x1980  }
0x6f: {  	[tilespmem:s14], [sflag:$0x2] =	stream.indirect.gather [hbm4b:s1+s11], $0x1, s25, s11, $0xb8;
	[tilespmem:$0x1E00] =	vst v63  }
0x70: {  	s15 =	simm.s32 $0x1A00;
	s16 =	simm.s32 $0x600  }
0x71: {  	[tilespmem:s15], [sflag:$0x2] =	stream.indirect.gather [hbm4b:s1+s11], $0x1, s16, s11, $0xb8;
	[tilespmem:$0x1E00] =	vst v63  }
0x72: {  	s0 =	simm.s32 $0x600;
	s17 =	simm.s32 $0x1A80;
	s19 =	simm.s32 $0x680  }
0x73: {  	[tilespmem:s17], [sflag:$0x2] =	stream.indirect.gather [hbm4b:s1+s11], $0x1, s19, s11, $0xb8;
	[tilespmem:$0x1E00] =	vst v63  }
0x74: {  	s13 =	simm.s32 $0x280;
	s23 =	simm.s32 $0x1B00;
	s25 =	simm.s32 $0x700  }
0x75: {  	[tilespmem:s23], [sflag:$0x2] =	stream.indirect.gather [hbm4b:s1+s11], $0x1, s25, s11, $0xb8;
	[tilespmem:$0x1E00] =	vst v63  }
0x76: {  	s4 =	simm.s32 $0x800;
	s10 =	simm.s32 $0x1B80;
	s12 =	simm.s32 $0x780  }
0x77: {  	[tilespmem:s10], [sflag:$0x2] =	stream.indirect.gather [hbm4b:s1+s11], $0x1, s12, s11, $0xb8;
	[tilespmem:$0x1E00] =	vst v63  }
0x78: {  	s5 =	simm.s32 $0x880;
	s14 =	simm.s32 $0x1C00;
	s16 =	simm.s32 $0x800  }
0x79: {  	[tilespmem:s14], [sflag:$0x2] =	stream.indirect.gather [hbm4b:s1+s11], $0x1, s16, s11, $0xb8;
	[tilespmem:$0x1E00] =	vst v63  }
0x7a: {  	s15 =	simm.s32 $0x680;
	s17 =	simm.s32 $0x1C80;
	s25 =	simm.s32 $0x880  }
0x7b: {  	[tilespmem:s17], [sflag:$0x2] =	stream.indirect.gather [hbm4b:s1+s11], $0x1, s25, s11, $0xb8;
	[tilespmem:$0x1E00] =	vst v63  }
0x7c: {  	s19 =	simm.s32 $0x700;
	s14 =	simm.s32 $0x1D00;
	s16 =	simm.s32 $0x900  }
0x7d: {  	[tilespmem:s14], [sflag:$0x2] =	stream.indirect.gather [hbm4b:s1+s11], $0x1, s16, s11, $0xb8;
	[tilespmem:$0x1E00] =	vst v63  }
0x7e: {  	s23 =	simm.s32 $0x780;
	s10 =	rddreg [dreg:$0x5];
	s17 =	simm.s32 $0x1D80  }
0x7f: {  	[tilespmem:s17], [sflag:$0x2] =	stream.indirect.gather [hbm4b:s1+s11], $0x1, s2, s11, $0xb8;
	[tilespmem:$0x1E00] =	vst v63  }
0x80: {  	s25 =	simm.s32 $0x900;
	s16 =	simm.s32 $0x980;
	s1 =	rddreg [dreg:$0x4]  }
.LBB2_4:
0x81: {  	_ =	swait.ge [sflag:s21], $0x80  }
0x82: {  	[sflag:s21] =	ssyncset.done $0x0  }
0x83: {  	[sflag:s21] =	ssyncadd.s32 $0xFFFFFF80  }
0x84: {  	_ =	swait.ge [sflag:s21], $0x80  }
0x85: {  	[sflag:s21] =	ssyncset.done $0x0  }
0x86: {  	[sflag:s21] =	ssyncadd.s32 $0xFFFFFF80  }
0x87: {  	_ =	swait.ge [sflag:s21], $0x80  }
0x88: {  	[sflag:s21] =	ssyncset.done $0x0  }
0x89: {  	[sflag:s21] =	ssyncadd.s32 $0xFFFFFF80  }
0x8a: {  	_ =	swait.ge [sflag:s21], $0x80  }
0x8b: {  	[sflag:s21] =	ssyncset.done $0x0  }
0x8c: {  	[sflag:s21] =	ssyncadd.s32 $0xFFFFFF80  }
0x8d: {  	_ =	swait.ge [sflag:s21], $0x80  }
0x8e: {  	[sflag:s21] =	ssyncset.done $0x0  }
0x8f: {  	[sflag:s21] =	ssyncadd.s32 $0xFFFFFF80  }
0x90: {  	_ =	swait.ge [sflag:s21], $0x80  }
0x91: {  	[sflag:s21] =	ssyncset.done $0x0  }
0x92: {  	[sflag:s21] =	ssyncadd.s32 $0xFFFFFF80  }
0x93: {  	_ =	swait.ge [sflag:s21], $0x80  }
0x94: {  	[sflag:s21] =	ssyncset.done $0x0  }
0x95: {  	[sflag:s21] =	ssyncadd.s32 $0xFFFFFF80  }
0x96: {  	_ =	swait.ge [sflag:s21], $0x80  }
0x97: {  	[sflag:s21] =	ssyncset.done $0x0  }
0x98: {  	[sflag:s21] =	ssyncadd.s32 $0xFFFFFF80  }
0x99: {  	_ =	swait.ge [sflag:s21], $0x80  }
0x9a: {  	[sflag:s21] =	ssyncset.done $0x0  }
0x9b: {  	[sflag:s21] =	ssyncadd.s32 $0xFFFFFF80  }
0x9c: {  	_ =	swait.ge [sflag:s21], $0x80  }
0x9d: {  	[sflag:s21] =	ssyncset.done $0x0  }
0x9e: {  	[sflag:s21] =	ssyncadd.s32 $0xFFFFFF80  }
0x9f: {  	_ =	swait.ge [sflag:s21], $0x80  }
0xa0: {  	[sflag:s21] =	ssyncset.done $0x0  }
0xa1: {  	[sflag:s21] =	ssyncadd.s32 $0xFFFFFF80  }
0xa2: {  	_ =	swait.ge [sflag:s21], $0x80  }
0xa3: {  	[sflag:s21] =	ssyncset.done $0x0  }
0xa4: {  	[sflag:s21] =	ssyncadd.s32 $0xFFFFFF80  }
0xa5: {  	_ =	swait.ge [sflag:s21], $0x80  }
0xa6: {  	[sflag:s21] =	ssyncset.done $0x0  }
0xa7: {  	[sflag:s21] =	ssyncadd.s32 $0xFFFFFF80  }
0xa8: {  	_ =	swait.ge [sflag:s21], $0x80  }
0xa9: {  	[sflag:s21] =	ssyncset.done $0x0  }
0xaa: {  	[sflag:s21] =	ssyncadd.s32 $0xFFFFFF80  }
0xab: {  	_ =	swait.ge [sflag:s21], $0x80  }
0xac: {  	[sflag:s21] =	ssyncset.done $0x0  }
0xad: {  	[sflag:s21] =	ssyncadd.s32 $0xFFFFFF80  }
0xae: {  	_ =	swait.ge [sflag:s21], $0x80  }
0xaf: {  	[sflag:s21] =	ssyncset.done $0x0  }
0xb0: {  	[sflag:s21] =	ssyncadd.s32 $0xFFFFFF80  }
0xb1: {  	_ =	swait.ge [sflag:s21], $0x80  }
0xb2: {  	[sflag:s21] =	ssyncset.done $0x0  }
0xb3: {  	[sflag:s21] =	ssyncadd.s32 $0xFFFFFF80  }
0xb4: {  	_ =	swait.ge [sflag:s21], $0x80  }
0xb5: {  	[sflag:s21] =	ssyncset.done $0x0  }
0xb6: {  	[sflag:s21] =	ssyncadd.s32 $0xFFFFFF80  }
0xb7: {  	_ =	swait.ge [sflag:s21], $0x80  }
0xb8: {  	[sflag:s21] =	ssyncset.done $0x0  }
0xb9: {  	[sflag:s21] =	ssyncadd.s32 $0xFFFFFF80  }
0xba: {  	_ =	swait.ge [sflag:s21], $0x80  }
0xbb: {  	[sflag:s21] =	ssyncset.done $0x0  }
0xbc: {  	s2 =	sadd.s32 s9, s8;
	s12 =	simm.s32 $0xA00;
	[sflag:s21] =	ssyncadd.s32 $0xFFFFFF80  }
0xbd: {  	[hbm4b:s2+s3] =	stream.linear.scatter [tilespmem:s12], [sflag:$0x3], $0xA00, $0x38;
	[tilespmem:$0x1E00] =	vst v63  }
0xbe: {  	_ =	swait.ge [sflag:s6], $0xA00  }
0xbf: {  	[sflag:s6] =	ssyncset.done $0x0  }
0xc0: {  	p0 =	seq.s32 s9, $0x3C00;
	[sflag:s6] =	ssyncadd.s32 $0xFFFFF600  }
0xc1: {  	s17 =	simm.s32 @!p0 $0x80;
	s2 =	sshrl.u32 @!p0 s10, $0x3;
	s12 =	rddreg [dreg:$0x0]  }
0xc2: {  	s14 =	simm.s32 @!p0 $0xA00;
	s2 =	sadd.s32 @!p0 s12, s2;
	s12 =	simm.s32 @!p0 $0x0  }
0xc3: {  	[tilespmem:s14], [sflag:$0x1] =	stream.indirect.gather @!p0 [hbm4b:s2+s17], $0x1, s12, s17, $0xb8;
	[tilespmem:$0x1E00] =	vst v63  }
0xc4: {  	s12 =	simm.s32 @!p0 $0xA80  }
0xc5: {  	[tilespmem:s12], [sflag:$0x1] =	stream.indirect.gather @!p0 [hbm4b:s2+s17], $0x1, s17, s17, $0xb8;
	[tilespmem:$0x1E00] =	vst v63  }
0xc6: {  	s14 =	simm.s32 @!p0 $0xB00;
	s12 =	simm.s32 @!p0 $0x100  }
0xc7: {  	[tilespmem:s14], [sflag:$0x1] =	stream.indirect.gather @!p0 [hbm4b:s2+s17], $0x1, s12, s17, $0xb8;
	[tilespmem:$0x1E00] =	vst v63  }
0xc8: {  	s12 =	simm.s32 @!p0 $0x180;
	s14 =	simm.s32 @!p0 $0xB80  }
0xc9: {  	[tilespmem:s14], [sflag:$0x1] =	stream.indirect.gather @!p0 [hbm4b:s2+s17], $0x1, s12, s17, $0xb8;
	[tilespmem:$0x1E00] =	vst v63  }
0xca: {  	s12 =	simm.s32 @!p0 $0x200;
	s14 =	simm.s32 @!p0 $0xC00  }
0xcb: {  	[tilespmem:s14], [sflag:$0x1] =	stream.indirect.gather @!p0 [hbm4b:s2+s17], $0x1, s12, s17, $0xb8;
	[tilespmem:$0x1E00] =	vst v63  }
0xcc: {  	s12 =	simm.s32 @!p0 $0x280;
	s14 =	simm.s32 @!p0 $0xC80  }
0xcd: {  	[tilespmem:s14], [sflag:$0x1] =	stream.indirect.gather @!p0 [hbm4b:s2+s17], $0x1, s12, s17, $0xb8;
	[tilespmem:$0x1E00] =	vst v63  }
0xce: {  	s12 =	simm.s32 @!p0 $0x300;
	s14 =	simm.s32 @!p0 $0xD00  }
0xcf: {  	[tilespmem:s14], [sflag:$0x1] =	stream.indirect.gather @!p0 [hbm4b:s2+s17], $0x1, s12, s17, $0xb8;
	[tilespmem:$0x1E00] =	vst v63  }
0xd0: {  	s12 =	simm.s32 @!p0 $0x380;
	s14 =	simm.s32 @!p0 $0xD80  }
0xd1: {  	[tilespmem:s14], [sflag:$0x1] =	stream.indirect.gather @!p0 [hbm4b:s2+s17], $0x1, s12, s17, $0xb8;
	[tilespmem:$0x1E00] =	vst v63  }
0xd2: {  	s12 =	simm.s32 @!p0 $0x400;
	s14 =	simm.s32 @!p0 $0xE00  }
0xd3: {  	[tilespmem:s14], [sflag:$0x1] =	stream.indirect.gather @!p0 [hbm4b:s2+s17], $0x1, s12, s17, $0xb8;
	[tilespmem:$0x1E00] =	vst v63  }
0xd4: {  	s12 =	simm.s32 @!p0 $0x480;
	s14 =	simm.s32 @!p0 $0xE80  }
0xd5: {  	[tilespmem:s14], [sflag:$0x1] =	stream.indirect.gather @!p0 [hbm4b:s2+s17], $0x1, s12, s17, $0xb8;
	[tilespmem:$0x1E00] =	vst v63  }
0xd6: {  	s12 =	simm.s32 @!p0 $0x500;
	s14 =	simm.s32 @!p0 $0xF00  }
0xd7: {  	[tilespmem:s14], [sflag:$0x1] =	stream.indirect.gather @!p0 [hbm4b:s2+s17], $0x1, s12, s17, $0xb8;
	[tilespmem:$0x1E00] =	vst v63  }
0xd8: {  	s12 =	simm.s32 @!p0 $0x580;
	s14 =	simm.s32 @!p0 $0xF80  }
0xd9: {  	[tilespmem:s14], [sflag:$0x1] =	stream.indirect.gather @!p0 [hbm4b:s2+s17], $0x1, s12, s17, $0xb8;
	[tilespmem:$0x1E00] =	vst v63  }
0xda: {  	s12 =	simm.s32 @!p0 $0x600;
	s14 =	simm.s32 @!p0 $0x1000  }
0xdb: {  	[tilespmem:s14], [sflag:$0x1] =	stream.indirect.gather @!p0 [hbm4b:s2+s17], $0x1, s12, s17, $0xb8;
	[tilespmem:$0x1E00] =	vst v63  }
0xdc: {  	s12 =	simm.s32 @!p0 $0x680;
	s14 =	simm.s32 @!p0 $0x1080  }
0xdd: {  	[tilespmem:s14], [sflag:$0x1] =	stream.indirect.gather @!p0 [hbm4b:s2+s17], $0x1, s12, s17, $0xb8;
	[tilespmem:$0x1E00] =	vst v63  }
0xde: {  	s12 =	simm.s32 @!p0 $0x700;
	s14 =	simm.s32 @!p0 $0x1100  }
0xdf: {  	[tilespmem:s14], [sflag:$0x1] =	stream.indirect.gather @!p0 [hbm4b:s2+s17], $0x1, s12, s17, $0xb8;
	[tilespmem:$0x1E00] =	vst v63  }
0xe0: {  	s12 =	simm.s32 @!p0 $0x780;
	s14 =	simm.s32 @!p0 $0x1180  }
0xe1: {  	[tilespmem:s14], [sflag:$0x1] =	stream.indirect.gather @!p0 [hbm4b:s2+s17], $0x1, s12, s17, $0xb8;
	[tilespmem:$0x1E00] =	vst v63  }
0xe2: {  	s12 =	simm.s32 @!p0 $0x800;
	s14 =	simm.s32 @!p0 $0x1200  }
0xe3: {  	[tilespmem:s14], [sflag:$0x1] =	stream.indirect.gather @!p0 [hbm4b:s2+s17], $0x1, s12, s17, $0xb8;
	[tilespmem:$0x1E00] =	vst v63  }
0xe4: {  	s12 =	simm.s32 @!p0 $0x880;
	s14 =	simm.s32 @!p0 $0x1280  }
0xe5: {  	[tilespmem:s14], [sflag:$0x1] =	stream.indirect.gather @!p0 [hbm4b:s2+s17], $0x1, s12, s17, $0xb8;
	[tilespmem:$0x1E00] =	vst v63  }
0xe6: {  	s12 =	simm.s32 @!p0 $0x900;
	s14 =	simm.s32 @!p0 $0x1300  }
0xe7: {  	[tilespmem:s14], [sflag:$0x1] =	stream.indirect.gather @!p0 [hbm4b:s2+s17], $0x1, s12, s17, $0xb8;
	[tilespmem:$0x1E00] =	vst v63  }
0xe8: {  	s12 =	simm.s32 @!p0 $0x980;
	s14 =	simm.s32 @!p0 $0x1380  }
0xe9: {  	[tilespmem:s14], [sflag:$0x1] =	stream.indirect.gather @!p0 [hbm4b:s2+s17], $0x1, s12, s17, $0xb8;
	[tilespmem:$0x1E00] =	vst v63  }
0xea: {  	_ =	swait.ge [sflag:s28], $0x80  }
0xeb: {  	[sflag:s28] =	ssyncset.done $0x0  }
0xec: {  	[sflag:s28] =	ssyncadd.s32 $0xFFFFFF80  }
0xed: {  	_ =	swait.ge [sflag:s28], $0x80  }
0xee: {  	[sflag:s28] =	ssyncset.done $0x0  }
0xef: {  	[sflag:s28] =	ssyncadd.s32 $0xFFFFFF80  }
0xf0: {  	_ =	swait.ge [sflag:s28], $0x80  }
0xf1: {  	[sflag:s28] =	ssyncset.done $0x0  }
0xf2: {  	[sflag:s28] =	ssyncadd.s32 $0xFFFFFF80  }
0xf3: {  	_ =	swait.ge [sflag:s28], $0x80  }
0xf4: {  	[sflag:s28] =	ssyncset.done $0x0  }
0xf5: {  	[sflag:s28] =	ssyncadd.s32 $0xFFFFFF80  }
0xf6: {  	_ =	swait.ge [sflag:s28], $0x80  }
0xf7: {  	[sflag:s28] =	ssyncset.done $0x0  }
0xf8: {  	[sflag:s28] =	ssyncadd.s32 $0xFFFFFF80  }
0xf9: {  	_ =	swait.ge [sflag:s28], $0x80  }
0xfa: {  	[sflag:s28] =	ssyncset.done $0x0  }
0xfb: {  	[sflag:s28] =	ssyncadd.s32 $0xFFFFFF80  }
0xfc: {  	_ =	swait.ge [sflag:s28], $0x80  }
0xfd: {  	[sflag:s28] =	ssyncset.done $0x0  }
0xfe: {  	[sflag:s28] =	ssyncadd.s32 $0xFFFFFF80  }
0xff: {  	_ =	swait.ge [sflag:s28], $0x80  }
0x100: {  	[sflag:s28] =	ssyncset.done $0x0  }
0x101: {  	[sflag:s28] =	ssyncadd.s32 $0xFFFFFF80  }
0x102: {  	_ =	swait.ge [sflag:s28], $0x80  }
0x103: {  	[sflag:s28] =	ssyncset.done $0x0  }
0x104: {  	[sflag:s28] =	ssyncadd.s32 $0xFFFFFF80  }
0x105: {  	_ =	swait.ge [sflag:s28], $0x80  }
0x106: {  	[sflag:s28] =	ssyncset.done $0x0  }
0x107: {  	[sflag:s28] =	ssyncadd.s32 $0xFFFFFF80  }
0x108: {  	_ =	swait.ge [sflag:s28], $0x80  }
0x109: {  	[sflag:s28] =	ssyncset.done $0x0  }
0x10a: {  	[sflag:s28] =	ssyncadd.s32 $0xFFFFFF80  }
0x10b: {  	_ =	swait.ge [sflag:s28], $0x80  }
0x10c: {  	[sflag:s28] =	ssyncset.done $0x0  }
0x10d: {  	[sflag:s28] =	ssyncadd.s32 $0xFFFFFF80  }
0x10e: {  	_ =	swait.ge [sflag:s28], $0x80  }
0x10f: {  	[sflag:s28] =	ssyncset.done $0x0  }
0x110: {  	[sflag:s28] =	ssyncadd.s32 $0xFFFFFF80  }
0x111: {  	_ =	swait.ge [sflag:s28], $0x80  }
0x112: {  	[sflag:s28] =	ssyncset.done $0x0  }
0x113: {  	[sflag:s28] =	ssyncadd.s32 $0xFFFFFF80  }
0x114: {  	_ =	swait.ge [sflag:s28], $0x80  }
0x115: {  	[sflag:s28] =	ssyncset.done $0x0  }
0x116: {  	[sflag:s28] =	ssyncadd.s32 $0xFFFFFF80  }
0x117: {  	_ =	swait.ge [sflag:s28], $0x80  }
0x118: {  	[sflag:s28] =	ssyncset.done $0x0  }
0x119: {  	[sflag:s28] =	ssyncadd.s32 $0xFFFFFF80  }
0x11a: {  	_ =	swait.ge [sflag:s28], $0x80  }
0x11b: {  	[sflag:s28] =	ssyncset.done $0x0  }
0x11c: {  	[sflag:s28] =	ssyncadd.s32 $0xFFFFFF80  }
0x11d: {  	_ =	swait.ge [sflag:s28], $0x80  }
0x11e: {  	[sflag:s28] =	ssyncset.done $0x0  }
0x11f: {  	[sflag:s28] =	ssyncadd.s32 $0xFFFFFF80  }
0x120: {  	_ =	swait.ge [sflag:s28], $0x80  }
0x121: {  	[sflag:s28] =	ssyncset.done $0x0  }
0x122: {  	[sflag:s28] =	ssyncadd.s32 $0xFFFFFF80  }
0x123: {  	_ =	swait.ge [sflag:s28], $0x80  }
0x124: {  	[sflag:s28] =	ssyncset.done $0x0  }
.Ltmp3:
0x125: {  	s17 =	sadd.s32 s9, s7;
	[sflag:s28] =	ssyncadd.s32 $0xFFFFFF80;
	(pc) =	sbr.rel @p0 .LBB2_6-.Ltmp3, $4  }
0x126: {  	[hbm4b:s17+s3] =	stream.linear.scatter [tilespmem:s30], [sflag:$0x3], $0xA00, $0x38;
	[tilespmem:$0x1E00] =	vst v63  }
0x127: {  	_ =	swait.ge [sflag:s6], $0xA00  }
0x128: {  	[sflag:s6] =	ssyncset.done $0x0  }
0x129: {  	[sflag:s6] =	ssyncadd.s32 $0xFFFFF600  }
0x12a: {  	[tilespmem:s30], [sflag:$0x2] =	stream.indirect.gather [hbm4b:s1+s11], $0x1, s3, s11, $0xb8;
	[tilespmem:$0x1E00] =	vst v63  }
0x12b: {  	s2 =	simm.s32 $0x1480  }
0x12c: {  	[tilespmem:s2], [sflag:$0x2] =	stream.indirect.gather [hbm4b:s1+s11], $0x1, s11, s11, $0xb8;
	[tilespmem:$0x1E00] =	vst v63  }
0x12d: {  	s17 =	simm.s32 $0x100;
	s12 =	simm.s32 $0x1500  }
0x12e: {  	[tilespmem:s12], [sflag:$0x2] =	stream.indirect.gather [hbm4b:s1+s11], $0x1, s17, s11, $0xb8;
	[tilespmem:$0x1E00] =	vst v63  }
0x12f: {  	s14 =	simm.s32 $0x1580;
	s12 =	simm.s32 $0x180  }
0x130: {  	[tilespmem:s14], [sflag:$0x2] =	stream.indirect.gather [hbm4b:s1+s11], $0x1, s12, s11, $0xb8;
	[tilespmem:$0x1E00] =	vst v63  }
0x131: {  	s17 =	simm.s32 $0x1600  }
0x132: {  	[tilespmem:s17], [sflag:$0x2] =	stream.indirect.gather [hbm4b:s1+s11], $0x1, s18, s11, $0xb8;
	[tilespmem:$0x1E00] =	vst v63  }
0x133: {  	s12 =	simm.s32 $0x1680  }
0x134: {  	[tilespmem:s12], [sflag:$0x2] =	stream.indirect.gather [hbm4b:s1+s11], $0x1, s13, s11, $0xb8;
	[tilespmem:$0x1E00] =	vst v63  }
0x135: {  	s14 =	simm.s32 $0x1700  }
0x136: {  	[tilespmem:s14], [sflag:$0x2] =	stream.indirect.gather [hbm4b:s1+s11], $0x1, s20, s11, $0xb8;
	[tilespmem:$0x1E00] =	vst v63  }
0x137: {  	s17 =	simm.s32 $0x1780  }
0x138: {  	[tilespmem:s17], [sflag:$0x2] =	stream.indirect.gather [hbm4b:s1+s11], $0x1, s22, s11, $0xb8;
	[tilespmem:$0x1E00] =	vst v63  }
0x139: {  	s12 =	simm.s32 $0x1800  }
0x13a: {  	[tilespmem:s12], [sflag:$0x2] =	stream.indirect.gather [hbm4b:s1+s11], $0x1, s24, s11, $0xb8;
	[tilespmem:$0x1E00] =	vst v63  }
0x13b: {  	s14 =	simm.s32 $0x1880  }
0x13c: {  	[tilespmem:s14], [sflag:$0x2] =	stream.indirect.gather [hbm4b:s1+s11], $0x1, s26, s11, $0xb8;
	[tilespmem:$0x1E00] =	vst v63  }
0x13d: {  	s17 =	simm.s32 $0x1900  }
0x13e: {  	[tilespmem:s17], [sflag:$0x2] =	stream.indirect.gather [hbm4b:s1+s11], $0x1, s29, s11, $0xb8;
	[tilespmem:$0x1E00] =	vst v63  }
0x13f: {  	s12 =	simm.s32 $0x1980  }
0x140: {  	[tilespmem:s12], [sflag:$0x2] =	stream.indirect.gather [hbm4b:s1+s11], $0x1, s31, s11, $0xb8;
	[tilespmem:$0x1E00] =	vst v63  }
0x141: {  	s14 =	simm.s32 $0x1A00  }
0x142: {  	[tilespmem:s14], [sflag:$0x2] =	stream.indirect.gather [hbm4b:s1+s11], $0x1, s0, s11, $0xb8;
	[tilespmem:$0x1E00] =	vst v63  }
0x143: {  	s17 =	simm.s32 $0x1A80  }
0x144: {  	[tilespmem:s17], [sflag:$0x2] =	stream.indirect.gather [hbm4b:s1+s11], $0x1, s15, s11, $0xb8;
	[tilespmem:$0x1E00] =	vst v63  }
0x145: {  	s12 =	simm.s32 $0x1B00  }
0x146: {  	[tilespmem:s12], [sflag:$0x2] =	stream.indirect.gather [hbm4b:s1+s11], $0x1, s19, s11, $0xb8;
	[tilespmem:$0x1E00] =	vst v63  }
0x147: {  	s14 =	simm.s32 $0x1B80  }
0x148: {  	[tilespmem:s14], [sflag:$0x2] =	stream.indirect.gather [hbm4b:s1+s11], $0x1, s23, s11, $0xb8;
	[tilespmem:$0x1E00] =	vst v63  }
0x149: {  	s17 =	simm.s32 $0x1C00  }
0x14a: {  	[tilespmem:s17], [sflag:$0x2] =	stream.indirect.gather [hbm4b:s1+s11], $0x1, s4, s11, $0xb8;
	[tilespmem:$0x1E00] =	vst v63  }
0x14b: {  	s12 =	simm.s32 $0x1C80  }
0x14c: {  	[tilespmem:s12], [sflag:$0x2] =	stream.indirect.gather [hbm4b:s1+s11], $0x1, s5, s11, $0xb8;
	[tilespmem:$0x1E00] =	vst v63  }
.Ltmp4:
0x14d: {  	s14 =	simm.s32 $0x1D00;
	(pc) =	sbr.rel .LBB2_4-.Ltmp4, $4  }
0x14e: {  	[tilespmem:s14], [sflag:$0x2] =	stream.indirect.gather [hbm4b:s1+s11], $0x1, s25, s11, $0xb8;
	[tilespmem:$0x1E00] =	vst v63  }
0x14f: {  	s17 =	simm.s32 $0x1D80  }
0x150: {  	[tilespmem:s17], [sflag:$0x2] =	stream.indirect.gather [hbm4b:s1+s11], $0x1, s16, s11, $0xb8;
	[tilespmem:$0x1E00] =	vst v63  }
0x151: {  	s9 =	sadd.s32 $0x280, s9;
	s10 =	sadd.s32 $0x20000, s10;
	s1 =	sadd.s32 $0x4000, s1  }
.LBB2_7:
0x152: {  	_ =	sfence.sel $0x180000  }
0x153: {  	[bflag:$0x0] =	sbarrier.arrive $0xFFFF  }
0x154: {  	_ =	strace $0x90000047  }
0x155: {  	s0 =	stileid.u32;
	[bflag:$0x2] =	sbarrier.arrive $0xFFFF  }
0x156: {  	p0 =	sne.s32 s0, $0x0;
	s0 =	rddreg [dreg:$0x2]  }
0x157: {  	s0 =	sadd.s32 @!p0 $0x100000, s0  }
0x158: {  	[sflag:s0] =	ssyncadd.tile.s32 @!p0 $0x1;
	_ =	shalt  }
.Lfunc_end2:
_tile_overlayer_lowered:
.L_overlay_start_2:
0x159: {  	(tag) =	ssettag $0x2  }
0x15a: {  	s0 =	rddreg [dreg:$0x0];
	s2 =	stileid.u32  }
0x15b: {  	s1 =	rddreg [dreg:$0x1];
	p0 =	sne.s32 s2, $0x0  }
0x15c: {  	s3 =	rddreg [dreg:$0x2];
	[bflag:$0x3] =	sbarrier.arrive $0xFFFF;
	s2 =	simm.s32 @!p0 $0x1C03  }
0x15d: {  	[timem:s3], [sflag:s2] =	dma.local @!p0 [hbm:s0], s1  }
0x15e: {  	s0 =	simm.s32 @!p0 $0x3  }
0x15f: {  	_ =	swait.ge @!p0 [sflag:s0], s1  }
0x160: {  	s1 =	ssub.s32 @!p0 $0x0, s1;
	[sflag:s0] =	ssyncset.done @!p0 $0x0  }
0x161: {  	[sflag:s0] =	ssyncadd.s32 @!p0 s1  }
0x162: {  	[bflag:$0x3] =	sbarrier.arrive $0xFFFF  }
0x163: {  	_ =	shalt  }

</sc_bundles>
